<compile_context>
chip_gen: v7x
topology: tpu7x:2x2x1
jax: 0.10.2.dev20260603
libtpu: 0.0.44.dev20260713+nightly
codegen_flags: <defaults>
</compile_context>

<pallas_src>
import functools

import jax
import jax.numpy as jnp
from jax import lax
from jax.experimental import pallas as pl
from jax.experimental.pallas import tpu as pltpu
from jax.experimental.pallas import tpu_sc as plsc

N = 10000
E = 320000
D = 128
G = 64
OUT = 10

NP = 10240
NW = 32
BLK = 128
BPW = 80
KG = 4
EP = NW * BPW * BLK
STRIPE = NP // 16

F1 = 32
F2 = 16
CW = 8

_f32 = jnp.float32



def _tc1_body(x_ref, w_ref, xl_ref, xr_ref):
    xw = jnp.dot(x_ref[...], w_ref[...], preferred_element_type=_f32)
    xl_ref[...] = xw[:, :F1]
    xr_ref[...] = xw[:, F1:]


def _tc1(x_p, w1):
    grid = NP // 1024
    return pl.pallas_call(
        _tc1_body,
        grid=(grid,),
        in_specs=[
            pl.BlockSpec((1024, D), lambda i: (i, 0)),
            pl.BlockSpec((D, 2 * F1), lambda i: (0, 0)),
        ],
        out_specs=[
            pl.BlockSpec((1024, F1), lambda i: (i, 0)),
            pl.BlockSpec((1024, F1), lambda i: (i, 0)),
        ],
        out_shape=[
            jax.ShapeDtypeStruct((NP, F1), _f32),
            jax.ShapeDtypeStruct((NP, F1), _f32),
        ],
    )(x_p, w1)



def _sc_agg_body(F, with_cnt, *refs):
    if with_cnt:
        (table_hbm, src_hbm, dst_hbm, zf_hbm, zc_hbm, ones_hbm,
         sum_out, cnt_out,
         src_v, dst_v, rows_v, ones_v, acc, accc, tbl,
         sem_g0, sem_g1, sem_s) = refs
    else:
        (table_hbm, src_hbm, dst_hbm, zf_hbm,
         sum_out,
         src_v, dst_v, rows_v, acc, tbl,
         sem_g0, sem_g1, sem_s) = refs
        ones_hbm = ones_v = accc = None

    c = lax.axis_index("c")
    s = lax.axis_index("s")
    wid = c * 16 + s

    pltpu.sync_copy(src_hbm.at[wid], src_v)
    pltpu.sync_copy(dst_hbm.at[wid], dst_v)
    pltpu.sync_copy(zf_hbm, acc.at[pl.ds(s * STRIPE, STRIPE)])
    pltpu.sync_copy(table_hbm.at[pl.ds(s * STRIPE, STRIPE)],
                    tbl.at[pl.ds(s * STRIPE, STRIPE)])
    if with_cnt:
        pltpu.sync_copy(zc_hbm, accc.at[pl.ds(s * STRIPE, STRIPE)])
        pltpu.sync_copy(ones_hbm, ones_v)
    plsc.subcore_barrier()

    def fire_g(t, p, sem):
        for j in range(KG):
            pltpu.async_copy(
                tbl.at[src_v.at[t * KG + j]], rows_v.at[p, j], sem)

    def drain_g(p, sem):
        for j in range(KG):
            pltpu.make_async_copy(
                tbl.at[src_v.at[j]], rows_v.at[p, j], sem).wait()

    def scatter_group(t, p):
        handles = []
        for j in range(KG):
            blk = t * KG + j
            handles.append(pltpu.async_copy(
                rows_v.at[p, j], acc.at[dst_v.at[blk]], sem_s, add=True))
            if with_cnt:
                handles.append(pltpu.async_copy(
                    ones_v, accc.at[dst_v.at[blk]], sem_s, add=True))
        for h in handles:
            h.wait()

    nu = BPW // (2 * KG)
    fire_g(0, 0, sem_g0)

    def body(u, carry):
        t0 = 2 * u
        t1 = 2 * u + 1
        drain_g(0, sem_g0)
        fire_g(t1, 1, sem_g1)
        scatter_group(t0, 0)

        @pl.when(u + 1 < nu)
        def _prefetch():
            fire_g(t0 + 2, 0, sem_g0)

        drain_g(1, sem_g1)
        scatter_group(t1, 1)
        return carry

    lax.fori_loop(0, nu, body, 0)
    plsc.subcore_barrier()

    sl = pl.ds(s * STRIPE, STRIPE)
    pltpu.sync_copy(acc.at[sl], sum_out.at[c].at[sl])
    if with_cnt:
        pltpu.sync_copy(accc.at[sl], cnt_out.at[c].at[sl])


def _sc_agg(table, src_p, dst_p, F, with_cnt):
    mesh = plsc.VectorSubcoreMesh(
        core_axis_name="c", subcore_axis_name="s", num_cores=2, num_subcores=16)
    zf = jnp.zeros((STRIPE, F), _f32)
    if with_cnt:
        out_type = [jax.ShapeDtypeStruct((2, NP, F), _f32),
                    jax.ShapeDtypeStruct((2, NP, CW), _f32)]
        extra_in = (zf, jnp.zeros((STRIPE, CW), _f32), jnp.ones((BLK, CW), _f32))
        extra_scratch = [pltpu.VMEM((BLK, CW), _f32),
                         pltpu.VMEM_SHARED((NP, F), _f32),
                         pltpu.VMEM_SHARED((NP, CW), _f32),
                         pltpu.VMEM_SHARED((NP, F), _f32)]
    else:
        out_type = jax.ShapeDtypeStruct((2, NP, F), _f32)
        extra_in = (zf,)
        extra_scratch = [pltpu.VMEM_SHARED((NP, F), _f32),
                         pltpu.VMEM_SHARED((NP, F), _f32)]

    kern = pl.kernel(
        functools.partial(_sc_agg_body, F, with_cnt),
        out_type=out_type,
        mesh=mesh,
        scratch_types=[
            pltpu.VMEM((BPW, BLK), jnp.int32),
            pltpu.VMEM((BPW, BLK), jnp.int32),
            pltpu.VMEM((2, KG, BLK, F), _f32),
        ] + extra_scratch + [pltpu.SemaphoreType.DMA,
                             pltpu.SemaphoreType.DMA,
                             pltpu.SemaphoreType.DMA],
        compiler_params=pltpu.CompilerParams(use_tc_tiling_on_sc=False),
    )
    return kern(table, src_p, dst_p, *extra_in)



def _tc2_body(s1_ref, cnt_ref, xr_ref, b1_ref, w2_ref, hl_ref, hr_ref):
    ssum = s1_ref[0] + s1_ref[1]
    csum = cnt_ref[0] + cnt_ref[1]
    r = 1.0 / jnp.maximum(csum[:, 0:1], 1.0)
    h = jnp.maximum(ssum * r + xr_ref[...] + b1_ref[...], 0.0)
    hw = jnp.dot(h, w2_ref[...], preferred_element_type=_f32)
    hl_ref[...] = hw[:, :F2]
    hr_ref[...] = hw[:, F2:]


def _tc2(s1, cnt, xr, b1, w2):
    grid = NP // 1024
    return pl.pallas_call(
        _tc2_body,
        grid=(grid,),
        in_specs=[
            pl.BlockSpec((2, 1024, F1), lambda i: (0, i, 0)),
            pl.BlockSpec((2, 1024, CW), lambda i: (0, i, 0)),
            pl.BlockSpec((1024, F1), lambda i: (i, 0)),
            pl.BlockSpec((1, F1), lambda i: (0, 0)),
            pl.BlockSpec((F1, 2 * F2), lambda i: (0, 0)),
        ],
        out_specs=[
            pl.BlockSpec((1024, F2), lambda i: (i, 0)),
            pl.BlockSpec((1024, F2), lambda i: (i, 0)),
        ],
        out_shape=[
            jax.ShapeDtypeStruct((NP, F2), _f32),
            jax.ShapeDtypeStruct((NP, F2), _f32),
        ],
    )(s1, cnt, xr, b1, w2)



def _tc3_body(s2_ref, cnt_ref, hr_ref, b2_ref, batch_ref, wlin_ref, blin_ref,
              out_ref, acc_ref):
    i = pl.program_id(0)

    @pl.when(i == 0)
    def _init():
        acc_ref[...] = jnp.zeros_like(acc_ref)

    ssum = s2_ref[0] + s2_ref[1]
    csum = cnt_ref[0] + cnt_ref[1]
    r = 1.0 / jnp.maximum(csum[:, 0:1], 1.0)
    h2 = ssum * r + hr_ref[...] + b2_ref[...]
    bvec = batch_ref[0]
    onehot = (bvec[None, :] == lax.broadcasted_iota(jnp.int32, (G, 1024), 0)
              ).astype(_f32)
    h2p = jnp.concatenate(
        [h2, jnp.ones((1024, 1), _f32), jnp.zeros((1024, F2 - 1), _f32)],
        axis=1)
    acc_ref[...] += jnp.dot(onehot, h2p, preferred_element_type=_f32)

    @pl.when(i == (NP // 1024) - 1)
    def _fin():
        a = acc_ref[...]
        pooled = a[:, :F2] / jnp.maximum(a[:, F2:F2 + 1], 1.0)
        out_ref[...] = (jnp.dot(pooled, wlin_ref[...],
                                preferred_element_type=_f32) + blin_ref[...])


def _tc3(s2, cnt, hr, b2, batch_p, wlin, blin):
    grid = NP // 1024
    return pl.pallas_call(
        _tc3_body,
        grid=(grid,),
        in_specs=[
            pl.BlockSpec((2, 1024, F2), lambda i: (0, i, 0)),
            pl.BlockSpec((2, 1024, CW), lambda i: (0, i, 0)),
            pl.BlockSpec((1024, F2), lambda i: (i, 0)),
            pl.BlockSpec((1, F2), lambda i: (0, 0)),
            pl.BlockSpec((1, 1024), lambda i: (0, i)),
            pl.BlockSpec((F2, OUT), lambda i: (0, 0)),
            pl.BlockSpec((1, OUT), lambda i: (0, 0)),
        ],
        out_specs=pl.BlockSpec((G, OUT), lambda i: (0, 0)),
        out_shape=jax.ShapeDtypeStruct((G, OUT), _f32),
        scratch_shapes=[pltpu.VMEM((G, 2 * F2), _f32)],
    )(s2, cnt, hr, b2, batch_p, wlin, blin)



def kernel(x, edge_index, batch, w1l, w1r, b1, w2l, w2r, b2, wlin, blin):
    src = edge_index[0]
    dst = edge_index[1]
    src_p = jnp.concatenate(
        [src, jnp.zeros((EP - E,), jnp.int32)]).reshape(NW, BPW, BLK)
    dst_p = jnp.concatenate(
        [dst, jnp.full((EP - E,), N, jnp.int32)]).reshape(NW, BPW, BLK)
    x_p = jnp.concatenate([x, jnp.zeros((NP - N, D), _f32)], axis=0)
    batch_p = jnp.concatenate(
        [batch, jnp.full((NP - N,), G, jnp.int32)]).reshape(1, NP)

    w1 = jnp.concatenate([w1l, w1r], axis=1)
    w2 = jnp.concatenate([w2l, w2r], axis=1)

    xl, xr = _tc1(x_p, w1)
    s1, cnt = _sc_agg(xl, src_p, dst_p, F1, True)
    hl, hr = _tc2(s1, cnt, xr, b1.reshape(1, F1), w2)
    s2 = _sc_agg(hl, src_p, dst_p, F2, False)
    return _tc3(s2, cnt, hr, b2.reshape(1, F2), batch_p, wlin,
                blin.reshape(1, OUT))

# --- scband reference (transcript-rebuilt; emitter-appended) ---
"""Pipeline reference for scband-normal-net-42812234007243 (READ-ONLY COPY).

The authoritative reference and input builder live on the scoring server;
editing this copy changes nothing except your own understanding.
"""

import jax, jax.numpy as jnp
import numpy as np

N = 10000
E = 320000
D = 128
G = 64
OUT = 10


def setup_inputs(seed: int = 0) -> dict:
    key = jax.random.key(seed)
    ks = jax.random.split(key, 12)
    x = jax.random.normal(ks[0], (N, D), dtype=jnp.float32)
    edge_index = jax.random.randint(ks[1], (2, E), 0, N, dtype=jnp.int32)
    batch = jnp.sort(jax.random.randint(ks[2], (N,), 0, G, dtype=jnp.int32))
    # SAGEConv1: in=128, out=32 (lin_l acts on aggregated neighbors, lin_r on root)
    w1l = jax.random.normal(ks[3], (D, 32), dtype=jnp.float32) * 0.05
    w1r = jax.random.normal(ks[4], (D, 32), dtype=jnp.float32) * 0.05
    b1 = jnp.zeros((32,), dtype=jnp.float32)
    # SAGEConv2: in=32, out=16
    w2l = jax.random.normal(ks[5], (32, 16), dtype=jnp.float32) * 0.05
    w2r = jax.random.normal(ks[6], (32, 16), dtype=jnp.float32) * 0.05
    b2 = jnp.zeros((16,), dtype=jnp.float32)
    # final Linear: 16 -> OUT
    wlin = jax.random.normal(ks[7], (16, OUT), dtype=jnp.float32) * 0.05
    blin = jnp.zeros((OUT,), dtype=jnp.float32)
    return {"x": x, "edge_index": edge_index, "batch": batch,
            "w1l": w1l, "w1r": w1r, "b1": b1,
            "w2l": w2l, "w2r": w2r, "b2": b2,
            "wlin": wlin, "blin": blin}


def _sage_conv(x, src, dst, wl, wr, b, num_nodes):
    # PyG SAGEConv with mean aggregation: out = lin_l(mean_j x_j) + lin_r(x) + bias
    msgs = jnp.take(x, src, axis=0)
    agg_sum = jax.ops.segment_sum(msgs, dst, num_segments=num_nodes)
    cnt = jax.ops.segment_sum(jnp.ones((src.shape[0],), jnp.float32), dst, num_segments=num_nodes)
    agg_mean = agg_sum / jnp.clip(cnt, 1.0)[:, None]
    return agg_mean @ wl + x @ wr + b


def _global_mean_pool(x, batch, num_graphs):
    s = jax.ops.segment_sum(x, batch, num_segments=num_graphs)
    c = jax.ops.segment_sum(jnp.ones((x.shape[0],), jnp.float32), batch, num_segments=num_graphs)
    return s / jnp.clip(c, 1.0)[:, None]


def reference(x, edge_index, batch, w1l, w1r, b1, w2l, w2r, b2, wlin, blin):
    src = edge_index[0]
    dst = edge_index[1]
    h = _sage_conv(x, src, dst, w1l, w1r, b1, N)
    h = jax.nn.relu(h)
    h = _sage_conv(h, src, dst, w2l, w2r, b2, N)
    pooled = _global_mean_pool(h, batch, G)
    # dropout is identity in eval-mode reference
    out = pooled @ wlin + blin
    return out

if __name__ == "__main__":
    import jax
    _d = setup_inputs()
    print(jax.jit(kernel)(*tuple(_d.values())))

</pallas_src>

<mosaic_0001>
#map = affine_map<(d0, d1) -> (0, 0)>
#map1 = affine_map<(d0, d1) -> (0, 0, 0)>
module attributes {stable_mosaic.version = 14 : i64} {
  func.func @_sc_agg_body(%arg0: i32, %arg1: i32, %arg2: memref<10240x16xf32, #tpu.memory_space<hbm>>, %arg3: memref<32x80x128xi32, #tpu.memory_space<hbm>>, %arg4: memref<32x80x128xi32, #tpu.memory_space<hbm>>, %arg5: memref<640x16xf32, #tpu.memory_space<hbm>>, %arg6: memref<2x10240x16xf32, #tpu.memory_space<hbm>>, %arg7: memref<80x128xi32, #tpu.memory_space<vmem>>, %arg8: memref<80x128xi32, #tpu.memory_space<vmem>>, %arg9: memref<2x4x128x16xf32, #tpu.memory_space<vmem>>, %arg10: memref<10240x16xf32, #tpu.memory_space<vmem_shared>>, %arg11: memref<10240x16xf32, #tpu.memory_space<vmem_shared>>, %arg12: memref<!tpu.dma_semaphore, #tpu.memory_space<semaphore_mem>>, %arg13: memref<!tpu.dma_semaphore, #tpu.memory_space<semaphore_mem>>, %arg14: memref<!tpu.dma_semaphore, #tpu.memory_space<semaphore_mem>>) attributes {dimension_semantics = [#tpu.dimension_semantics<core_parallel>, #tpu.dimension_semantics<subcore_parallel>], iteration_bounds = array<i64: 2, 16>, scalar_prefetch = 0 : i64, scratch_operands = 8 : i64, tpu.core_type = #tpu.core_type<sc_vector_subcore>, window_params = [{transform_indices = #map}, {transform_indices = #map1}, {transform_indices = #map1}, {transform_indices = #map}, {transform_indices = #map1}]} {
    %mul3A = arith.constant 16 : i32
    %mul3A_0 = arith.muli %arg0, %mul3A : i32
    %add3A = arith.addi %mul3A_0, %arg1 : i32
    "tpu.region"() ({
      %run_scoped3A = tpu.sem_alloc : memref<!tpu.dma_semaphore, #tpu.memory_space<semaphore_mem>>
      %dma_start3A_66 = arith.constant 0 : i32
      %dma_start3A_67 = arith.constant 0 : i32
      %dma_start3A_68 = tpu.memref_slice %arg3[%add3A, %dma_start3A_66, %dma_start3A_67] : memref<32x80x128xi32, #tpu.memory_space<hbm>> -> memref<1x80x128xi32, #tpu.memory_space<hbm>>
      %dma_start3A_69 = tpu.memref_squeeze %dma_start3A_68 : memref<1x80x128xi32, #tpu.memory_space<hbm>> -> memref<80x128xi32, #tpu.memory_space<hbm>>
      %dma_start3A_70 = arith.constant 0 : i32
      %dma_start3A_71 = arith.constant 0 : i32
      %dma_start3A_72 = tpu.memref_slice %arg3[%add3A, %dma_start3A_70, %dma_start3A_71] : memref<32x80x128xi32, #tpu.memory_space<hbm>> -> memref<1x80x128xi32, #tpu.memory_space<hbm>>
      %dma_start3A_73 = tpu.memref_squeeze %dma_start3A_72 : memref<1x80x128xi32, #tpu.memory_space<hbm>> -> memref<80x128xi32, #tpu.memory_space<hbm>>
      tpu.enqueue_dma source(%dma_start3A_73 : memref<80x128xi32, #tpu.memory_space<hbm>>) target(%arg7 : memref<80x128xi32, #tpu.memory_space<vmem>>) target_semaphore(%run_scoped3A : memref<!tpu.dma_semaphore, #tpu.memory_space<semaphore_mem>>)
      %dma_wait3A = arith.constant 0 : i32
      %dma_wait3A_74 = arith.constant 0 : i32
      %dma_wait3A_75 = tpu.memref_slice %arg3[%add3A, %dma_wait3A, %dma_wait3A_74] : memref<32x80x128xi32, #tpu.memory_space<hbm>> -> memref<1x80x128xi32, #tpu.memory_space<hbm>>
      %dma_wait3A_76 = tpu.memref_squeeze %dma_wait3A_75 : memref<1x80x128xi32, #tpu.memory_space<hbm>> -> memref<80x128xi32, #tpu.memory_space<hbm>>
      %dma_wait3A_77 = arith.constant 0 : i32
      %dma_wait3A_78 = arith.constant 0 : i32
      %dma_wait3A_79 = tpu.memref_slice %arg3[%add3A, %dma_wait3A_77, %dma_wait3A_78] : memref<32x80x128xi32, #tpu.memory_space<hbm>> -> memref<1x80x128xi32, #tpu.memory_space<hbm>>
      %dma_wait3A_80 = tpu.memref_squeeze %dma_wait3A_79 : memref<1x80x128xi32, #tpu.memory_space<hbm>> -> memref<80x128xi32, #tpu.memory_space<hbm>>
      tpu.wait_dma2 semaphore(%run_scoped3A : memref<!tpu.dma_semaphore, #tpu.memory_space<semaphore_mem>>) src(%dma_wait3A_80 : memref<80x128xi32, #tpu.memory_space<hbm>>) dst(%arg7 : memref<80x128xi32, #tpu.memory_space<vmem>>)
      tpu.yield
    }) : () -> ()
    "tpu.region"() ({
      %run_scoped3A = tpu.sem_alloc : memref<!tpu.dma_semaphore, #tpu.memory_space<semaphore_mem>>
      %dma_start3A_66 = arith.constant 0 : i32
      %dma_start3A_67 = arith.constant 0 : i32
      %dma_start3A_68 = tpu.memref_slice %arg4[%add3A, %dma_start3A_66, %dma_start3A_67] : memref<32x80x128xi32, #tpu.memory_space<hbm>> -> memref<1x80x128xi32, #tpu.memory_space<hbm>>
      %dma_start3A_69 = tpu.memref_squeeze %dma_start3A_68 : memref<1x80x128xi32, #tpu.memory_space<hbm>> -> memref<80x128xi32, #tpu.memory_space<hbm>>
      %dma_start3A_70 = arith.constant 0 : i32
      %dma_start3A_71 = arith.constant 0 : i32
      %dma_start3A_72 = tpu.memref_slice %arg4[%add3A, %dma_start3A_70, %dma_start3A_71] : memref<32x80x128xi32, #tpu.memory_space<hbm>> -> memref<1x80x128xi32, #tpu.memory_space<hbm>>
      %dma_start3A_73 = tpu.memref_squeeze %dma_start3A_72 : memref<1x80x128xi32, #tpu.memory_space<hbm>> -> memref<80x128xi32, #tpu.memory_space<hbm>>
      tpu.enqueue_dma source(%dma_start3A_73 : memref<80x128xi32, #tpu.memory_space<hbm>>) target(%arg8 : memref<80x128xi32, #tpu.memory_space<vmem>>) target_semaphore(%run_scoped3A : memref<!tpu.dma_semaphore, #tpu.memory_space<semaphore_mem>>)
      %dma_wait3A = arith.constant 0 : i32
      %dma_wait3A_74 = arith.constant 0 : i32
      %dma_wait3A_75 = tpu.memref_slice %arg4[%add3A, %dma_wait3A, %dma_wait3A_74] : memref<32x80x128xi32, #tpu.memory_space<hbm>> -> memref<1x80x128xi32, #tpu.memory_space<hbm>>
      %dma_wait3A_76 = tpu.memref_squeeze %dma_wait3A_75 : memref<1x80x128xi32, #tpu.memory_space<hbm>> -> memref<80x128xi32, #tpu.memory_space<hbm>>
      %dma_wait3A_77 = arith.constant 0 : i32
      %dma_wait3A_78 = arith.constant 0 : i32
      %dma_wait3A_79 = tpu.memref_slice %arg4[%add3A, %dma_wait3A_77, %dma_wait3A_78] : memref<32x80x128xi32, #tpu.memory_space<hbm>> -> memref<1x80x128xi32, #tpu.memory_space<hbm>>
      %dma_wait3A_80 = tpu.memref_squeeze %dma_wait3A_79 : memref<1x80x128xi32, #tpu.memory_space<hbm>> -> memref<80x128xi32, #tpu.memory_space<hbm>>
      tpu.wait_dma2 semaphore(%run_scoped3A : memref<!tpu.dma_semaphore, #tpu.memory_space<semaphore_mem>>) src(%dma_wait3A_80 : memref<80x128xi32, #tpu.memory_space<hbm>>) dst(%arg8 : memref<80x128xi32, #tpu.memory_space<vmem>>)
      tpu.yield
    }) : () -> ()
    %mul3A_1 = arith.constant 640 : i32
    %mul3A_2 = arith.muli %arg1, %mul3A_1 : i32
    "tpu.region"() ({
      %run_scoped3A = tpu.sem_alloc : memref<!tpu.dma_semaphore, #tpu.memory_space<semaphore_mem>>
      %dma_start3A_66 = arith.constant 0 : i32
      %dma_start3A_67 = tpu.memref_slice %arg10[%mul3A_2, %dma_start3A_66] : memref<10240x16xf32, #tpu.memory_space<vmem_shared>> -> memref<640x16xf32, #tpu.memory_space<vmem_shared>>
      tpu.enqueue_dma source(%arg5 : memref<640x16xf32, #tpu.memory_space<hbm>>) target(%dma_start3A_67 : memref<640x16xf32, #tpu.memory_space<vmem_shared>>) target_semaphore(%run_scoped3A : memref<!tpu.dma_semaphore, #tpu.memory_space<semaphore_mem>>)
      %dma_wait3A = arith.constant 0 : i32
      %dma_wait3A_68 = tpu.memref_slice %arg10[%mul3A_2, %dma_wait3A] : memref<10240x16xf32, #tpu.memory_space<vmem_shared>> -> memref<640x16xf32, #tpu.memory_space<vmem_shared>>
      tpu.wait_dma2 semaphore(%run_scoped3A : memref<!tpu.dma_semaphore, #tpu.memory_space<semaphore_mem>>) src(%arg5 : memref<640x16xf32, #tpu.memory_space<hbm>>) dst(%dma_wait3A_68 : memref<640x16xf32, #tpu.memory_space<vmem_shared>>)
      tpu.yield
    }) : () -> ()
    %mul3A_3 = arith.constant 640 : i32
    %mul3A_4 = arith.muli %arg1, %mul3A_3 : i32
    %mul3A_5 = arith.constant 640 : i32
    %mul3A_6 = arith.muli %arg1, %mul3A_5 : i32
    "tpu.region"() ({
      %run_scoped3A = tpu.sem_alloc : memref<!tpu.dma_semaphore, #tpu.memory_space<semaphore_mem>>
      %dma_start3A_66 = arith.constant 0 : i32
      %dma_start3A_67 = tpu.memref_slice %arg11[%mul3A_6, %dma_start3A_66] : memref<10240x16xf32, #tpu.memory_space<vmem_shared>> -> memref<640x16xf32, #tpu.memory_space<vmem_shared>>
      %dma_start3A_68 = arith.constant 0 : i32
      %dma_start3A_69 = tpu.memref_slice %arg2[%mul3A_4, %dma_start3A_68] : memref<10240x16xf32, #tpu.memory_space<hbm>> -> memref<640x16xf32, #tpu.memory_space<hbm>>
      tpu.enqueue_dma source(%dma_start3A_69 : memref<640x16xf32, #tpu.memory_space<hbm>>) target(%dma_start3A_67 : memref<640x16xf32, #tpu.memory_space<vmem_shared>>) target_semaphore(%run_scoped3A : memref<!tpu.dma_semaphore, #tpu.memory_space<semaphore_mem>>)
      %dma_wait3A = arith.constant 0 : i32
      %dma_wait3A_70 = tpu.memref_slice %arg11[%mul3A_6, %dma_wait3A] : memref<10240x16xf32, #tpu.memory_space<vmem_shared>> -> memref<640x16xf32, #tpu.memory_space<vmem_shared>>
      %dma_wait3A_71 = arith.constant 0 : i32
      %dma_wait3A_72 = tpu.memref_slice %arg2[%mul3A_4, %dma_wait3A_71] : memref<10240x16xf32, #tpu.memory_space<hbm>> -> memref<640x16xf32, #tpu.memory_space<hbm>>
      tpu.wait_dma2 semaphore(%run_scoped3A : memref<!tpu.dma_semaphore, #tpu.memory_space<semaphore_mem>>) src(%dma_wait3A_72 : memref<640x16xf32, #tpu.memory_space<hbm>>) dst(%dma_wait3A_70 : memref<640x16xf32, #tpu.memory_space<vmem_shared>>)
      tpu.yield
    }) : () -> ()
    %barrier3A = arith.constant 0 : index
    tpu.barrier barrier_id(%barrier3A)
    %dma_start3A = arith.constant 0 : i32
    %dma_start3A_7 = arith.constant 0 : i32
    %dma_start3A_8 = arith.constant 0 : i32
    %dma_start3A_9 = arith.constant 0 : i32
    %dma_start3A_10 = arith.constant 0 : i32
    %dma_start3A_11 = tpu.memref_slice %arg9[%dma_start3A_7, %dma_start3A_8, %dma_start3A_9, %dma_start3A_10] : memref<2x4x128x16xf32, #tpu.memory_space<vmem>> -> memref<1x1x128x16xf32, #tpu.memory_space<vmem>>
    %dma_start3A_12 = tpu.memref_squeeze %dma_start3A_11 : memref<1x1x128x16xf32, #tpu.memory_space<vmem>> -> memref<128x16xf32, #tpu.memory_space<vmem>>
    %dma_start3A_13 = arith.constant 0 : i32
    %dma_start3A_14 = tpu.memref_slice %arg7[%dma_start3A, %dma_start3A_13] : memref<80x128xi32, #tpu.memory_space<vmem>> -> memref<1x128xi32, #tpu.memory_space<vmem>>
    %dma_start3A_15 = tpu.memref_squeeze %dma_start3A_14 : memref<1x128xi32, #tpu.memory_space<vmem>> -> memref<128xi32, #tpu.memory_space<vmem>>
    %dma_start3A_16 = arith.constant 0 : i32
    %dma_start3A_17 = arith.constant 0 : i32
    %dma_start3A_18 = tpu.memref_slice %arg11[%dma_start3A_16, %dma_start3A_17] : memref<10240x16xf32, #tpu.memory_space<vmem_shared>> -> memref<10240x16xf32, #tpu.memory_space<vmem_shared>>
    tpu.enqueue_indirect_dma source(%dma_start3A_18 : memref<10240x16xf32, #tpu.memory_space<vmem_shared>>) target(%dma_start3A_12 : memref<128x16xf32, #tpu.memory_space<vmem>>) offsets(%dma_start3A_15 : memref<128xi32, #tpu.memory_space<vmem>>) semaphore(%arg12 : memref<!tpu.dma_semaphore, #tpu.memory_space<semaphore_mem>>)
    %dma_start3A_19 = arith.constant 1 : i32
    %dma_start3A_20 = arith.constant 0 : i32
    %dma_start3A_21 = arith.constant 1 : i32
    %dma_start3A_22 = arith.constant 0 : i32
    %dma_start3A_23 = arith.constant 0 : i32
    %dma_start3A_24 = tpu.memref_slice %arg9[%dma_start3A_20, %dma_start3A_21, %dma_start3A_22, %dma_start3A_23] : memref<2x4x128x16xf32, #tpu.memory_space<vmem>> -> memref<1x1x128x16xf32, #tpu.memory_space<vmem>>
    %dma_start3A_25 = tpu.memref_squeeze %dma_start3A_24 : memref<1x1x128x16xf32, #tpu.memory_space<vmem>> -> memref<128x16xf32, #tpu.memory_space<vmem>>
    %dma_start3A_26 = arith.constant 0 : i32
    %dma_start3A_27 = tpu.memref_slice %arg7[%dma_start3A_19, %dma_start3A_26] : memref<80x128xi32, #tpu.memory_space<vmem>> -> memref<1x128xi32, #tpu.memory_space<vmem>>
    %dma_start3A_28 = tpu.memref_squeeze %dma_start3A_27 : memref<1x128xi32, #tpu.memory_space<vmem>> -> memref<128xi32, #tpu.memory_space<vmem>>
    %dma_start3A_29 = arith.constant 0 : i32
    %dma_start3A_30 = arith.constant 0 : i32
    %dma_start3A_31 = tpu.memref_slice %arg11[%dma_start3A_29, %dma_start3A_30] : memref<10240x16xf32, #tpu.memory_space<vmem_shared>> -> memref<10240x16xf32, #tpu.memory_space<vmem_shared>>
    tpu.enqueue_indirect_dma source(%dma_start3A_31 : memref<10240x16xf32, #tpu.memory_space<vmem_shared>>) target(%dma_start3A_25 : memref<128x16xf32, #tpu.memory_space<vmem>>) offsets(%dma_start3A_28 : memref<128xi32, #tpu.memory_space<vmem>>) semaphore(%arg12 : memref<!tpu.dma_semaphore, #tpu.memory_space<semaphore_mem>>)
    %dma_start3A_32 = arith.constant 2 : i32
    %dma_start3A_33 = arith.constant 0 : i32
    %dma_start3A_34 = arith.constant 2 : i32
    %dma_start3A_35 = arith.constant 0 : i32
    %dma_start3A_36 = arith.constant 0 : i32
    %dma_start3A_37 = tpu.memref_slice %arg9[%dma_start3A_33, %dma_start3A_34, %dma_start3A_35, %dma_start3A_36] : memref<2x4x128x16xf32, #tpu.memory_space<vmem>> -> memref<1x1x128x16xf32, #tpu.memory_space<vmem>>
    %dma_start3A_38 = tpu.memref_squeeze %dma_start3A_37 : memref<1x1x128x16xf32, #tpu.memory_space<vmem>> -> memref<128x16xf32, #tpu.memory_space<vmem>>
    %dma_start3A_39 = arith.constant 0 : i32
    %dma_start3A_40 = tpu.memref_slice %arg7[%dma_start3A_32, %dma_start3A_39] : memref<80x128xi32, #tpu.memory_space<vmem>> -> memref<1x128xi32, #tpu.memory_space<vmem>>
    %dma_start3A_41 = tpu.memref_squeeze %dma_start3A_40 : memref<1x128xi32, #tpu.memory_space<vmem>> -> memref<128xi32, #tpu.memory_space<vmem>>
    %dma_start3A_42 = arith.constant 0 : i32
    %dma_start3A_43 = arith.constant 0 : i32
    %dma_start3A_44 = tpu.memref_slice %arg11[%dma_start3A_42, %dma_start3A_43] : memref<10240x16xf32, #tpu.memory_space<vmem_shared>> -> memref<10240x16xf32, #tpu.memory_space<vmem_shared>>
    tpu.enqueue_indirect_dma source(%dma_start3A_44 : memref<10240x16xf32, #tpu.memory_space<vmem_shared>>) target(%dma_start3A_38 : memref<128x16xf32, #tpu.memory_space<vmem>>) offsets(%dma_start3A_41 : memref<128xi32, #tpu.memory_space<vmem>>) semaphore(%arg12 : memref<!tpu.dma_semaphore, #tpu.memory_space<semaphore_mem>>)
    %dma_start3A_45 = arith.constant 3 : i32
    %dma_start3A_46 = arith.constant 0 : i32
    %dma_start3A_47 = arith.constant 3 : i32
    %dma_start3A_48 = arith.constant 0 : i32
    %dma_start3A_49 = arith.constant 0 : i32
    %dma_start3A_50 = tpu.memref_slice %arg9[%dma_start3A_46, %dma_start3A_47, %dma_start3A_48, %dma_start3A_49] : memref<2x4x128x16xf32, #tpu.memory_space<vmem>> -> memref<1x1x128x16xf32, #tpu.memory_space<vmem>>
    %dma_start3A_51 = tpu.memref_squeeze %dma_start3A_50 : memref<1x1x128x16xf32, #tpu.memory_space<vmem>> -> memref<128x16xf32, #tpu.memory_space<vmem>>
    %dma_start3A_52 = arith.constant 0 : i32
    %dma_start3A_53 = tpu.memref_slice %arg7[%dma_start3A_45, %dma_start3A_52] : memref<80x128xi32, #tpu.memory_space<vmem>> -> memref<1x128xi32, #tpu.memory_space<vmem>>
    %dma_start3A_54 = tpu.memref_squeeze %dma_start3A_53 : memref<1x128xi32, #tpu.memory_space<vmem>> -> memref<128xi32, #tpu.memory_space<vmem>>
    %dma_start3A_55 = arith.constant 0 : i32
    %dma_start3A_56 = arith.constant 0 : i32
    %dma_start3A_57 = tpu.memref_slice %arg11[%dma_start3A_55, %dma_start3A_56] : memref<10240x16xf32, #tpu.memory_space<vmem_shared>> -> memref<10240x16xf32, #tpu.memory_space<vmem_shared>>
    tpu.enqueue_indirect_dma source(%dma_start3A_57 : memref<10240x16xf32, #tpu.memory_space<vmem_shared>>) target(%dma_start3A_51 : memref<128x16xf32, #tpu.memory_space<vmem>>) offsets(%dma_start3A_54 : memref<128xi32, #tpu.memory_space<vmem>>) semaphore(%arg12 : memref<!tpu.dma_semaphore, #tpu.memory_space<semaphore_mem>>)
    %scan3A = arith.constant 0 : i32
    %scan3A_58 = arith.constant 0 : i32
    %scan3A_59 = arith.constant 10 : i32
    %scan3A_60 = arith.addi %scan3A_58, %scan3A_59 : i32
    %scan3A_61 = arith.constant 1 : i32
    scf.for %scan3A_66 = %scan3A_58 to %scan3A_60 step %scan3A_61  : i32 {
      %mul3A_67 = arith.constant 2 : i32
      %mul3A_68 = arith.muli %mul3A_67, %scan3A_66 : i32
      %mul3A_69 = arith.constant 2 : i32
      %mul3A_70 = arith.muli %mul3A_69, %scan3A_66 : i32
      %add3A_71 = arith.constant 1 : i32
      %add3A_72 = arith.addi %mul3A_70, %add3A_71 : i32
      %dma_wait3A = arith.constant 0 : i32
      %dma_wait3A_73 = arith.constant 0 : i32
      %dma_wait3A_74 = arith.constant 0 : i32
      %dma_wait3A_75 = arith.constant 0 : i32
      %dma_wait3A_76 = arith.constant 0 : i32
      %dma_wait3A_77 = tpu.memref_slice %arg9[%dma_wait3A_73, %dma_wait3A_74, %dma_wait3A_75, %dma_wait3A_76] : memref<2x4x128x16xf32, #tpu.memory_space<vmem>> -> memref<1x1x128x16xf32, #tpu.memory_space<vmem>>
      %dma_wait3A_78 = tpu.memref_squeeze %dma_wait3A_77 : memref<1x1x128x16xf32, #tpu.memory_space<vmem>> -> memref<128x16xf32, #tpu.memory_space<vmem>>
      %dma_wait3A_79 = arith.constant 0 : i32
      %dma_wait3A_80 = tpu.memref_slice %arg7[%dma_wait3A, %dma_wait3A_79] : memref<80x128xi32, #tpu.memory_space<vmem>> -> memref<1x128xi32, #tpu.memory_space<vmem>>
      %dma_wait3A_81 = tpu.memref_squeeze %dma_wait3A_80 : memref<1x128xi32, #tpu.memory_space<vmem>> -> memref<128xi32, #tpu.memory_space<vmem>>
      %dma_wait3A_82 = arith.constant 0 : i32
      %dma_wait3A_83 = arith.constant 0 : i32
      %dma_wait3A_84 = tpu.memref_slice %arg11[%dma_wait3A_82, %dma_wait3A_83] : memref<10240x16xf32, #tpu.memory_space<vmem_shared>> -> memref<10240x16xf32, #tpu.memory_space<vmem_shared>>
      tpu.wait_indirect_dma semaphore(%arg12 : memref<!tpu.dma_semaphore, #tpu.memory_space<semaphore_mem>>) src(%dma_wait3A_84 : memref<10240x16xf32, #tpu.memory_space<vmem_shared>>) dst(%dma_wait3A_78 : memref<128x16xf32, #tpu.memory_space<vmem>>)
      %dma_wait3A_85 = arith.constant 1 : i32
      %dma_wait3A_86 = arith.constant 0 : i32
      %dma_wait3A_87 = arith.constant 1 : i32
      %dma_wait3A_88 = arith.constant 0 : i32
      %dma_wait3A_89 = arith.constant 0 : i32
      %dma_wait3A_90 = tpu.memref_slice %arg9[%dma_wait3A_86, %dma_wait3A_87, %dma_wait3A_88, %dma_wait3A_89] : memref<2x4x128x16xf32, #tpu.memory_space<vmem>> -> memref<1x1x128x16xf32, #tpu.memory_space<vmem>>
      %dma_wait3A_91 = tpu.memref_squeeze %dma_wait3A_90 : memref<1x1x128x16xf32, #tpu.memory_space<vmem>> -> memref<128x16xf32, #tpu.memory_space<vmem>>
      %dma_wait3A_92 = arith.constant 0 : i32
      %dma_wait3A_93 = tpu.memref_slice %arg7[%dma_wait3A_85, %dma_wait3A_92] : memref<80x128xi32, #tpu.memory_space<vmem>> -> memref<1x128xi32, #tpu.memory_space<vmem>>
      %dma_wait3A_94 = tpu.memref_squeeze %dma_wait3A_93 : memref<1x128xi32, #tpu.memory_space<vmem>> -> memref<128xi32, #tpu.memory_space<vmem>>
      %dma_wait3A_95 = arith.constant 0 : i32
      %dma_wait3A_96 = arith.constant 0 : i32
      %dma_wait3A_97 = tpu.memref_slice %arg11[%dma_wait3A_95, %dma_wait3A_96] : memref<10240x16xf32, #tpu.memory_space<vmem_shared>> -> memref<10240x16xf32, #tpu.memory_space<vmem_shared>>
      tpu.wait_indirect_dma semaphore(%arg12 : memref<!tpu.dma_semaphore, #tpu.memory_space<semaphore_mem>>) src(%dma_wait3A_97 : memref<10240x16xf32, #tpu.memory_space<vmem_shared>>) dst(%dma_wait3A_91 : memref<128x16xf32, #tpu.memory_space<vmem>>)
      %dma_wait3A_98 = arith.constant 2 : i32
      %dma_wait3A_99 = arith.constant 0 : i32
      %dma_wait3A_100 = arith.constant 2 : i32
      %dma_wait3A_101 = arith.constant 0 : i32
      %dma_wait3A_102 = arith.constant 0 : i32
      %dma_wait3A_103 = tpu.memref_slice %arg9[%dma_wait3A_99, %dma_wait3A_100, %dma_wait3A_101, %dma_wait3A_102] : memref<2x4x128x16xf32, #tpu.memory_space<vmem>> -> memref<1x1x128x16xf32, #tpu.memory_space<vmem>>
      %dma_wait3A_104 = tpu.memref_squeeze %dma_wait3A_103 : memref<1x1x128x16xf32, #tpu.memory_space<vmem>> -> memref<128x16xf32, #tpu.memory_space<vmem>>
      %dma_wait3A_105 = arith.constant 0 : i32
      %dma_wait3A_106 = tpu.memref_slice %arg7[%dma_wait3A_98, %dma_wait3A_105] : memref<80x128xi32, #tpu.memory_space<vmem>> -> memref<1x128xi32, #tpu.memory_space<vmem>>
      %dma_wait3A_107 = tpu.memref_squeeze %dma_wait3A_106 : memref<1x128xi32, #tpu.memory_space<vmem>> -> memref<128xi32, #tpu.memory_space<vmem>>
      %dma_wait3A_108 = arith.constant 0 : i32
      %dma_wait3A_109 = arith.constant 0 : i32
      %dma_wait3A_110 = tpu.memref_slice %arg11[%dma_wait3A_108, %dma_wait3A_109] : memref<10240x16xf32, #tpu.memory_space<vmem_shared>> -> memref<10240x16xf32, #tpu.memory_space<vmem_shared>>
      tpu.wait_indirect_dma semaphore(%arg12 : memref<!tpu.dma_semaphore, #tpu.memory_space<semaphore_mem>>) src(%dma_wait3A_110 : memref<10240x16xf32, #tpu.memory_space<vmem_shared>>) dst(%dma_wait3A_104 : memref<128x16xf32, #tpu.memory_space<vmem>>)
      %dma_wait3A_111 = arith.constant 3 : i32
      %dma_wait3A_112 = arith.constant 0 : i32
      %dma_wait3A_113 = arith.constant 3 : i32
      %dma_wait3A_114 = arith.constant 0 : i32
      %dma_wait3A_115 = arith.constant 0 : i32
      %dma_wait3A_116 = tpu.memref_slice %arg9[%dma_wait3A_112, %dma_wait3A_113, %dma_wait3A_114, %dma_wait3A_115] : memref<2x4x128x16xf32, #tpu.memory_space<vmem>> -> memref<1x1x128x16xf32, #tpu.memory_space<vmem>>
      %dma_wait3A_117 = tpu.memref_squeeze %dma_wait3A_116 : memref<1x1x128x16xf32, #tpu.memory_space<vmem>> -> memref<128x16xf32, #tpu.memory_space<vmem>>
      %dma_wait3A_118 = arith.constant 0 : i32
      %dma_wait3A_119 = tpu.memref_slice %arg7[%dma_wait3A_111, %dma_wait3A_118] : memref<80x128xi32, #tpu.memory_space<vmem>> -> memref<1x128xi32, #tpu.memory_space<vmem>>
      %dma_wait3A_120 = tpu.memref_squeeze %dma_wait3A_119 : memref<1x128xi32, #tpu.memory_space<vmem>> -> memref<128xi32, #tpu.memory_space<vmem>>
      %dma_wait3A_121 = arith.constant 0 : i32
      %dma_wait3A_122 = arith.constant 0 : i32
      %dma_wait3A_123 = tpu.memref_slice %arg11[%dma_wait3A_121, %dma_wait3A_122] : memref<10240x16xf32, #tpu.memory_space<vmem_shared>> -> memref<10240x16xf32, #tpu.memory_space<vmem_shared>>
      tpu.wait_indirect_dma semaphore(%arg12 : memref<!tpu.dma_semaphore, #tpu.memory_space<semaphore_mem>>) src(%dma_wait3A_123 : memref<10240x16xf32, #tpu.memory_space<vmem_shared>>) dst(%dma_wait3A_117 : memref<128x16xf32, #tpu.memory_space<vmem>>)
      %mul3A_124 = arith.constant 4 : i32
      %mul3A_125 = arith.muli %add3A_72, %mul3A_124 : i32
      %add3A_126 = arith.constant 0 : i32
      %add3A_127 = arith.addi %mul3A_125, %add3A_126 : i32
      %dma_start3A_128 = arith.constant 1 : i32
      %dma_start3A_129 = arith.constant 0 : i32
      %dma_start3A_130 = arith.constant 0 : i32
      %dma_start3A_131 = arith.constant 0 : i32
      %dma_start3A_132 = tpu.memref_slice %arg9[%dma_start3A_128, %dma_start3A_129, %dma_start3A_130, %dma_start3A_131] : memref<2x4x128x16xf32, #tpu.memory_space<vmem>> -> memref<1x1x128x16xf32, #tpu.memory_space<vmem>>
      %dma_start3A_133 = tpu.memref_squeeze %dma_start3A_132 : memref<1x1x128x16xf32, #tpu.memory_space<vmem>> -> memref<128x16xf32, #tpu.memory_space<vmem>>
      %dma_start3A_134 = arith.constant 0 : i32
      %dma_start3A_135 = tpu.memref_slice %arg7[%add3A_127, %dma_start3A_134] : memref<80x128xi32, #tpu.memory_space<vmem>> -> memref<1x128xi32, #tpu.memory_space<vmem>>
      %dma_start3A_136 = tpu.memref_squeeze %dma_start3A_135 : memref<1x128xi32, #tpu.memory_space<vmem>> -> memref<128xi32, #tpu.memory_space<vmem>>
      %dma_start3A_137 = arith.constant 0 : i32
      %dma_start3A_138 = arith.constant 0 : i32
      %dma_start3A_139 = tpu.memref_slice %arg11[%dma_start3A_137, %dma_start3A_138] : memref<10240x16xf32, #tpu.memory_space<vmem_shared>> -> memref<10240x16xf32, #tpu.memory_space<vmem_shared>>
      tpu.enqueue_indirect_dma source(%dma_start3A_139 : memref<10240x16xf32, #tpu.memory_space<vmem_shared>>) target(%dma_start3A_133 : memref<128x16xf32, #tpu.memory_space<vmem>>) offsets(%dma_start3A_136 : memref<128xi32, #tpu.memory_space<vmem>>) semaphore(%arg13 : memref<!tpu.dma_semaphore, #tpu.memory_space<semaphore_mem>>)
      %mul3A_140 = arith.constant 4 : i32
      %mul3A_141 = arith.muli %add3A_72, %mul3A_140 : i32
      %add3A_142 = arith.constant 1 : i32
      %add3A_143 = arith.addi %mul3A_141, %add3A_142 : i32
      %dma_start3A_144 = arith.constant 1 : i32
      %dma_start3A_145 = arith.constant 1 : i32
      %dma_start3A_146 = arith.constant 0 : i32
      %dma_start3A_147 = arith.constant 0 : i32
      %dma_start3A_148 = tpu.memref_slice %arg9[%dma_start3A_144, %dma_start3A_145, %dma_start3A_146, %dma_start3A_147] : memref<2x4x128x16xf32, #tpu.memory_space<vmem>> -> memref<1x1x128x16xf32, #tpu.memory_space<vmem>>
      %dma_start3A_149 = tpu.memref_squeeze %dma_start3A_148 : memref<1x1x128x16xf32, #tpu.memory_space<vmem>> -> memref<128x16xf32, #tpu.memory_space<vmem>>
      %dma_start3A_150 = arith.constant 0 : i32
      %dma_start3A_151 = tpu.memref_slice %arg7[%add3A_143, %dma_start3A_150] : memref<80x128xi32, #tpu.memory_space<vmem>> -> memref<1x128xi32, #tpu.memory_space<vmem>>
      %dma_start3A_152 = tpu.memref_squeeze %dma_start3A_151 : memref<1x128xi32, #tpu.memory_space<vmem>> -> memref<128xi32, #tpu.memory_space<vmem>>
      %dma_start3A_153 = arith.constant 0 : i32
      %dma_start3A_154 = arith.constant 0 : i32
      %dma_start3A_155 = tpu.memref_slice %arg11[%dma_start3A_153, %dma_start3A_154] : memref<10240x16xf32, #tpu.memory_space<vmem_shared>> -> memref<10240x16xf32, #tpu.memory_space<vmem_shared>>
      tpu.enqueue_indirect_dma source(%dma_start3A_155 : memref<10240x16xf32, #tpu.memory_space<vmem_shared>>) target(%dma_start3A_149 : memref<128x16xf32, #tpu.memory_space<vmem>>) offsets(%dma_start3A_152 : memref<128xi32, #tpu.memory_space<vmem>>) semaphore(%arg13 : memref<!tpu.dma_semaphore, #tpu.memory_space<semaphore_mem>>)
      %mul3A_156 = arith.constant 4 : i32
      %mul3A_157 = arith.muli %add3A_72, %mul3A_156 : i32
      %add3A_158 = arith.constant 2 : i32
      %add3A_159 = arith.addi %mul3A_157, %add3A_158 : i32
      %dma_start3A_160 = arith.constant 1 : i32
      %dma_start3A_161 = arith.constant 2 : i32
      %dma_start3A_162 = arith.constant 0 : i32
      %dma_start3A_163 = arith.constant 0 : i32
      %dma_start3A_164 = tpu.memref_slice %arg9[%dma_start3A_160, %dma_start3A_161, %dma_start3A_162, %dma_start3A_163] : memref<2x4x128x16xf32, #tpu.memory_space<vmem>> -> memref<1x1x128x16xf32, #tpu.memory_space<vmem>>
      %dma_start3A_165 = tpu.memref_squeeze %dma_start3A_164 : memref<1x1x128x16xf32, #tpu.memory_space<vmem>> -> memref<128x16xf32, #tpu.memory_space<vmem>>
      %dma_start3A_166 = arith.constant 0 : i32
      %dma_start3A_167 = tpu.memref_slice %arg7[%add3A_159, %dma_start3A_166] : memref<80x128xi32, #tpu.memory_space<vmem>> -> memref<1x128xi32, #tpu.memory_space<vmem>>
      %dma_start3A_168 = tpu.memref_squeeze %dma_start3A_167 : memref<1x128xi32, #tpu.memory_space<vmem>> -> memref<128xi32, #tpu.memory_space<vmem>>
      %dma_start3A_169 = arith.constant 0 : i32
      %dma_start3A_170 = arith.constant 0 : i32
      %dma_start3A_171 = tpu.memref_slice %arg11[%dma_start3A_169, %dma_start3A_170] : memref<10240x16xf32, #tpu.memory_space<vmem_shared>> -> memref<10240x16xf32, #tpu.memory_space<vmem_shared>>
      tpu.enqueue_indirect_dma source(%dma_start3A_171 : memref<10240x16xf32, #tpu.memory_space<vmem_shared>>) target(%dma_start3A_165 : memref<128x16xf32, #tpu.memory_space<vmem>>) offsets(%dma_start3A_168 : memref<128xi32, #tpu.memory_space<vmem>>) semaphore(%arg13 : memref<!tpu.dma_semaphore, #tpu.memory_space<semaphore_mem>>)
      %mul3A_172 = arith.constant 4 : i32
      %mul3A_173 = arith.muli %add3A_72, %mul3A_172 : i32
      %add3A_174 = arith.constant 3 : i32
      %add3A_175 = arith.addi %mul3A_173, %add3A_174 : i32
      %dma_start3A_176 = arith.constant 1 : i32
      %dma_start3A_177 = arith.constant 3 : i32
      %dma_start3A_178 = arith.constant 0 : i32
      %dma_start3A_179 = arith.constant 0 : i32
      %dma_start3A_180 = tpu.memref_slice %arg9[%dma_start3A_176, %dma_start3A_177, %dma_start3A_178, %dma_start3A_179] : memref<2x4x128x16xf32, #tpu.memory_space<vmem>> -> memref<1x1x128x16xf32, #tpu.memory_space<vmem>>
      %dma_start3A_181 = tpu.memref_squeeze %dma_start3A_180 : memref<1x1x128x16xf32, #tpu.memory_space<vmem>> -> memref<128x16xf32, #tpu.memory_space<vmem>>
      %dma_start3A_182 = arith.constant 0 : i32
      %dma_start3A_183 = tpu.memref_slice %arg7[%add3A_175, %dma_start3A_182] : memref<80x128xi32, #tpu.memory_space<vmem>> -> memref<1x128xi32, #tpu.memory_space<vmem>>
      %dma_start3A_184 = tpu.memref_squeeze %dma_start3A_183 : memref<1x128xi32, #tpu.memory_space<vmem>> -> memref<128xi32, #tpu.memory_space<vmem>>
      %dma_start3A_185 = arith.constant 0 : i32
      %dma_start3A_186 = arith.constant 0 : i32
      %dma_start3A_187 = tpu.memref_slice %arg11[%dma_start3A_185, %dma_start3A_186] : memref<10240x16xf32, #tpu.memory_space<vmem_shared>> -> memref<10240x16xf32, #tpu.memory_space<vmem_shared>>
      tpu.enqueue_indirect_dma source(%dma_start3A_187 : memref<10240x16xf32, #tpu.memory_space<vmem_shared>>) target(%dma_start3A_181 : memref<128x16xf32, #tpu.memory_space<vmem>>) offsets(%dma_start3A_184 : memref<128xi32, #tpu.memory_space<vmem>>) semaphore(%arg13 : memref<!tpu.dma_semaphore, #tpu.memory_space<semaphore_mem>>)
      %mul3A_188 = arith.constant 4 : i32
      %mul3A_189 = arith.muli %mul3A_68, %mul3A_188 : i32
      %add3A_190 = arith.constant 0 : i32
      %add3A_191 = arith.addi %mul3A_189, %add3A_190 : i32
      %dma_start3A_192 = arith.constant 0 : i32
      %dma_start3A_193 = arith.constant 0 : i32
      %dma_start3A_194 = arith.constant 0 : i32
      %dma_start3A_195 = arith.constant 0 : i32
      %dma_start3A_196 = tpu.memref_slice %arg9[%dma_start3A_192, %dma_start3A_193, %dma_start3A_194, %dma_start3A_195] : memref<2x4x128x16xf32, #tpu.memory_space<vmem>> -> memref<1x1x128x16xf32, #tpu.memory_space<vmem>>
      %dma_start3A_197 = tpu.memref_squeeze %dma_start3A_196 : memref<1x1x128x16xf32, #tpu.memory_space<vmem>> -> memref<128x16xf32, #tpu.memory_space<vmem>>
      %dma_start3A_198 = arith.constant 0 : i32
      %dma_start3A_199 = tpu.memref_slice %arg8[%add3A_191, %dma_start3A_198] : memref<80x128xi32, #tpu.memory_space<vmem>> -> memref<1x128xi32, #tpu.memory_space<vmem>>
      %dma_start3A_200 = tpu.memref_squeeze %dma_start3A_199 : memref<1x128xi32, #tpu.memory_space<vmem>> -> memref<128xi32, #tpu.memory_space<vmem>>
      %dma_start3A_201 = arith.constant 0 : i32
      %dma_start3A_202 = arith.constant 0 : i32
      %dma_start3A_203 = tpu.memref_slice %arg10[%dma_start3A_201, %dma_start3A_202] : memref<10240x16xf32, #tpu.memory_space<vmem_shared>> -> memref<10240x16xf32, #tpu.memory_space<vmem_shared>>
      tpu.enqueue_indirect_dma source(%dma_start3A_197 : memref<128x16xf32, #tpu.memory_space<vmem>>) target(%dma_start3A_203 : memref<10240x16xf32, #tpu.memory_space<vmem_shared>>) offsets(%dma_start3A_200 : memref<128xi32, #tpu.memory_space<vmem>>) semaphore(%arg14 : memref<!tpu.dma_semaphore, #tpu.memory_space<semaphore_mem>>) {add = true}
      %mul3A_204 = arith.constant 4 : i32
      %mul3A_205 = arith.muli %mul3A_68, %mul3A_204 : i32
      %add3A_206 = arith.constant 1 : i32
      %add3A_207 = arith.addi %mul3A_205, %add3A_206 : i32
      %dma_start3A_208 = arith.constant 0 : i32
      %dma_start3A_209 = arith.constant 1 : i32
      %dma_start3A_210 = arith.constant 0 : i32
      %dma_start3A_211 = arith.constant 0 : i32
      %dma_start3A_212 = tpu.memref_slice %arg9[%dma_start3A_208, %dma_start3A_209, %dma_start3A_210, %dma_start3A_211] : memref<2x4x128x16xf32, #tpu.memory_space<vmem>> -> memref<1x1x128x16xf32, #tpu.memory_space<vmem>>
      %dma_start3A_213 = tpu.memref_squeeze %dma_start3A_212 : memref<1x1x128x16xf32, #tpu.memory_space<vmem>> -> memref<128x16xf32, #tpu.memory_space<vmem>>
      %dma_start3A_214 = arith.constant 0 : i32
      %dma_start3A_215 = tpu.memref_slice %arg8[%add3A_207, %dma_start3A_214] : memref<80x128xi32, #tpu.memory_space<vmem>> -> memref<1x128xi32, #tpu.memory_space<vmem>>
      %dma_start3A_216 = tpu.memref_squeeze %dma_start3A_215 : memref<1x128xi32, #tpu.memory_space<vmem>> -> memref<128xi32, #tpu.memory_space<vmem>>
      %dma_start3A_217 = arith.constant 0 : i32
      %dma_start3A_218 = arith.constant 0 : i32
      %dma_start3A_219 = tpu.memref_slice %arg10[%dma_start3A_217, %dma_start3A_218] : memref<10240x16xf32, #tpu.memory_space<vmem_shared>> -> memref<10240x16xf32, #tpu.memory_space<vmem_shared>>
      tpu.enqueue_indirect_dma source(%dma_start3A_213 : memref<128x16xf32, #tpu.memory_space<vmem>>) target(%dma_start3A_219 : memref<10240x16xf32, #tpu.memory_space<vmem_shared>>) offsets(%dma_start3A_216 : memref<128xi32, #tpu.memory_space<vmem>>) semaphore(%arg14 : memref<!tpu.dma_semaphore, #tpu.memory_space<semaphore_mem>>) {add = true}
      %mul3A_220 = arith.constant 4 : i32
      %mul3A_221 = arith.muli %mul3A_68, %mul3A_220 : i32
      %add3A_222 = arith.constant 2 : i32
      %add3A_223 = arith.addi %mul3A_221, %add3A_222 : i32
      %dma_start3A_224 = arith.constant 0 : i32
      %dma_start3A_225 = arith.constant 2 : i32
      %dma_start3A_226 = arith.constant 0 : i32
      %dma_start3A_227 = arith.constant 0 : i32
      %dma_start3A_228 = tpu.memref_slice %arg9[%dma_start3A_224, %dma_start3A_225, %dma_start3A_226, %dma_start3A_227] : memref<2x4x128x16xf32, #tpu.memory_space<vmem>> -> memref<1x1x128x16xf32, #tpu.memory_space<vmem>>
      %dma_start3A_229 = tpu.memref_squeeze %dma_start3A_228 : memref<1x1x128x16xf32, #tpu.memory_space<vmem>> -> memref<128x16xf32, #tpu.memory_space<vmem>>
      %dma_start3A_230 = arith.constant 0 : i32
      %dma_start3A_231 = tpu.memref_slice %arg8[%add3A_223, %dma_start3A_230] : memref<80x128xi32, #tpu.memory_space<vmem>> -> memref<1x128xi32, #tpu.memory_space<vmem>>
      %dma_start3A_232 = tpu.memref_squeeze %dma_start3A_231 : memref<1x128xi32, #tpu.memory_space<vmem>> -> memref<128xi32, #tpu.memory_space<vmem>>
      %dma_start3A_233 = arith.constant 0 : i32
      %dma_start3A_234 = arith.constant 0 : i32
      %dma_start3A_235 = tpu.memref_slice %arg10[%dma_start3A_233, %dma_start3A_234] : memref<10240x16xf32, #tpu.memory_space<vmem_shared>> -> memref<10240x16xf32, #tpu.memory_space<vmem_shared>>
      tpu.enqueue_indirect_dma source(%dma_start3A_229 : memref<128x16xf32, #tpu.memory_space<vmem>>) target(%dma_start3A_235 : memref<10240x16xf32, #tpu.memory_space<vmem_shared>>) offsets(%dma_start3A_232 : memref<128xi32, #tpu.memory_space<vmem>>) semaphore(%arg14 : memref<!tpu.dma_semaphore, #tpu.memory_space<semaphore_mem>>) {add = true}
      %mul3A_236 = arith.constant 4 : i32
      %mul3A_237 = arith.muli %mul3A_68, %mul3A_236 : i32
      %add3A_238 = arith.constant 3 : i32
      %add3A_239 = arith.addi %mul3A_237, %add3A_238 : i32
      %dma_start3A_240 = arith.constant 0 : i32
      %dma_start3A_241 = arith.constant 3 : i32
      %dma_start3A_242 = arith.constant 0 : i32
      %dma_start3A_243 = arith.constant 0 : i32
      %dma_start3A_244 = tpu.memref_slice %arg9[%dma_start3A_240, %dma_start3A_241, %dma_start3A_242, %dma_start3A_243] : memref<2x4x128x16xf32, #tpu.memory_space<vmem>> -> memref<1x1x128x16xf32, #tpu.memory_space<vmem>>
      %dma_start3A_245 = tpu.memref_squeeze %dma_start3A_244 : memref<1x1x128x16xf32, #tpu.memory_space<vmem>> -> memref<128x16xf32, #tpu.memory_space<vmem>>
      %dma_start3A_246 = arith.constant 0 : i32
      %dma_start3A_247 = tpu.memref_slice %arg8[%add3A_239, %dma_start3A_246] : memref<80x128xi32, #tpu.memory_space<vmem>> -> memref<1x128xi32, #tpu.memory_space<vmem>>
      %dma_start3A_248 = tpu.memref_squeeze %dma_start3A_247 : memref<1x128xi32, #tpu.memory_space<vmem>> -> memref<128xi32, #tpu.memory_space<vmem>>
      %dma_start3A_249 = arith.constant 0 : i32
      %dma_start3A_250 = arith.constant 0 : i32
      %dma_start3A_251 = tpu.memref_slice %arg10[%dma_start3A_249, %dma_start3A_250] : memref<10240x16xf32, #tpu.memory_space<vmem_shared>> -> memref<10240x16xf32, #tpu.memory_space<vmem_shared>>
      tpu.enqueue_indirect_dma source(%dma_start3A_245 : memref<128x16xf32, #tpu.memory_space<vmem>>) target(%dma_start3A_251 : memref<10240x16xf32, #tpu.memory_space<vmem_shared>>) offsets(%dma_start3A_248 : memref<128xi32, #tpu.memory_space<vmem>>) semaphore(%arg14 : memref<!tpu.dma_semaphore, #tpu.memory_space<semaphore_mem>>) {add = true}
      %dma_wait3A_252 = arith.constant 0 : i32
      %dma_wait3A_253 = arith.constant 0 : i32
      %dma_wait3A_254 = arith.constant 0 : i32
      %dma_wait3A_255 = arith.constant 0 : i32
      %dma_wait3A_256 = tpu.memref_slice %arg9[%dma_wait3A_252, %dma_wait3A_253, %dma_wait3A_254, %dma_wait3A_255] : memref<2x4x128x16xf32, #tpu.memory_space<vmem>> -> memref<1x1x128x16xf32, #tpu.memory_space<vmem>>
      %dma_wait3A_257 = tpu.memref_squeeze %dma_wait3A_256 : memref<1x1x128x16xf32, #tpu.memory_space<vmem>> -> memref<128x16xf32, #tpu.memory_space<vmem>>
      %dma_wait3A_258 = arith.constant 0 : i32
      %dma_wait3A_259 = tpu.memref_slice %arg8[%add3A_191, %dma_wait3A_258] : memref<80x128xi32, #tpu.memory_space<vmem>> -> memref<1x128xi32, #tpu.memory_space<vmem>>
      %dma_wait3A_260 = tpu.memref_squeeze %dma_wait3A_259 : memref<1x128xi32, #tpu.memory_space<vmem>> -> memref<128xi32, #tpu.memory_space<vmem>>
      %dma_wait3A_261 = arith.constant 0 : i32
      %dma_wait3A_262 = arith.constant 0 : i32
      %dma_wait3A_263 = tpu.memref_slice %arg10[%dma_wait3A_261, %dma_wait3A_262] : memref<10240x16xf32, #tpu.memory_space<vmem_shared>> -> memref<10240x16xf32, #tpu.memory_space<vmem_shared>>
      tpu.wait_indirect_dma semaphore(%arg14 : memref<!tpu.dma_semaphore, #tpu.memory_space<semaphore_mem>>) src(%dma_wait3A_257 : memref<128x16xf32, #tpu.memory_space<vmem>>) dst(%dma_wait3A_263 : memref<10240x16xf32, #tpu.memory_space<vmem_shared>>)
      %dma_wait3A_264 = arith.constant 0 : i32
      %dma_wait3A_265 = arith.constant 1 : i32
      %dma_wait3A_266 = arith.constant 0 : i32
      %dma_wait3A_267 = arith.constant 0 : i32
      %dma_wait3A_268 = tpu.memref_slice %arg9[%dma_wait3A_264, %dma_wait3A_265, %dma_wait3A_266, %dma_wait3A_267] : memref<2x4x128x16xf32, #tpu.memory_space<vmem>> -> memref<1x1x128x16xf32, #tpu.memory_space<vmem>>
      %dma_wait3A_269 = tpu.memref_squeeze %dma_wait3A_268 : memref<1x1x128x16xf32, #tpu.memory_space<vmem>> -> memref<128x16xf32, #tpu.memory_space<vmem>>
      %dma_wait3A_270 = arith.constant 0 : i32
      %dma_wait3A_271 = tpu.memref_slice %arg8[%add3A_207, %dma_wait3A_270] : memref<80x128xi32, #tpu.memory_space<vmem>> -> memref<1x128xi32, #tpu.memory_space<vmem>>
      %dma_wait3A_272 = tpu.memref_squeeze %dma_wait3A_271 : memref<1x128xi32, #tpu.memory_space<vmem>> -> memref<128xi32, #tpu.memory_space<vmem>>
      %dma_wait3A_273 = arith.constant 0 : i32
      %dma_wait3A_274 = arith.constant 0 : i32
      %dma_wait3A_275 = tpu.memref_slice %arg10[%dma_wait3A_273, %dma_wait3A_274] : memref<10240x16xf32, #tpu.memory_space<vmem_shared>> -> memref<10240x16xf32, #tpu.memory_space<vmem_shared>>
      tpu.wait_indirect_dma semaphore(%arg14 : memref<!tpu.dma_semaphore, #tpu.memory_space<semaphore_mem>>) src(%dma_wait3A_269 : memref<128x16xf32, #tpu.memory_space<vmem>>) dst(%dma_wait3A_275 : memref<10240x16xf32, #tpu.memory_space<vmem_shared>>)
      %dma_wait3A_276 = arith.constant 0 : i32
      %dma_wait3A_277 = arith.constant 2 : i32
      %dma_wait3A_278 = arith.constant 0 : i32
      %dma_wait3A_279 = arith.constant 0 : i32
      %dma_wait3A_280 = tpu.memref_slice %arg9[%dma_wait3A_276, %dma_wait3A_277, %dma_wait3A_278, %dma_wait3A_279] : memref<2x4x128x16xf32, #tpu.memory_space<vmem>> -> memref<1x1x128x16xf32, #tpu.memory_space<vmem>>
      %dma_wait3A_281 = tpu.memref_squeeze %dma_wait3A_280 : memref<1x1x128x16xf32, #tpu.memory_space<vmem>> -> memref<128x16xf32, #tpu.memory_space<vmem>>
      %dma_wait3A_282 = arith.constant 0 : i32
      %dma_wait3A_283 = tpu.memref_slice %arg8[%add3A_223, %dma_wait3A_282] : memref<80x128xi32, #tpu.memory_space<vmem>> -> memref<1x128xi32, #tpu.memory_space<vmem>>
      %dma_wait3A_284 = tpu.memref_squeeze %dma_wait3A_283 : memref<1x128xi32, #tpu.memory_space<vmem>> -> memref<128xi32, #tpu.memory_space<vmem>>
      %dma_wait3A_285 = arith.constant 0 : i32
      %dma_wait3A_286 = arith.constant 0 : i32
      %dma_wait3A_287 = tpu.memref_slice %arg10[%dma_wait3A_285, %dma_wait3A_286] : memref<10240x16xf32, #tpu.memory_space<vmem_shared>> -> memref<10240x16xf32, #tpu.memory_space<vmem_shared>>
      tpu.wait_indirect_dma semaphore(%arg14 : memref<!tpu.dma_semaphore, #tpu.memory_space<semaphore_mem>>) src(%dma_wait3A_281 : memref<128x16xf32, #tpu.memory_space<vmem>>) dst(%dma_wait3A_287 : memref<10240x16xf32, #tpu.memory_space<vmem_shared>>)
      %dma_wait3A_288 = arith.constant 0 : i32
      %dma_wait3A_289 = arith.constant 3 : i32
      %dma_wait3A_290 = arith.constant 0 : i32
      %dma_wait3A_291 = arith.constant 0 : i32
      %dma_wait3A_292 = tpu.memref_slice %arg9[%dma_wait3A_288, %dma_wait3A_289, %dma_wait3A_290, %dma_wait3A_291] : memref<2x4x128x16xf32, #tpu.memory_space<vmem>> -> memref<1x1x128x16xf32, #tpu.memory_space<vmem>>
      %dma_wait3A_293 = tpu.memref_squeeze %dma_wait3A_292 : memref<1x1x128x16xf32, #tpu.memory_space<vmem>> -> memref<128x16xf32, #tpu.memory_space<vmem>>
      %dma_wait3A_294 = arith.constant 0 : i32
      %dma_wait3A_295 = tpu.memref_slice %arg8[%add3A_239, %dma_wait3A_294] : memref<80x128xi32, #tpu.memory_space<vmem>> -> memref<1x128xi32, #tpu.memory_space<vmem>>
      %dma_wait3A_296 = tpu.memref_squeeze %dma_wait3A_295 : memref<1x128xi32, #tpu.memory_space<vmem>> -> memref<128xi32, #tpu.memory_space<vmem>>
      %dma_wait3A_297 = arith.constant 0 : i32
      %dma_wait3A_298 = arith.constant 0 : i32
      %dma_wait3A_299 = tpu.memref_slice %arg10[%dma_wait3A_297, %dma_wait3A_298] : memref<10240x16xf32, #tpu.memory_space<vmem_shared>> -> memref<10240x16xf32, #tpu.memory_space<vmem_shared>>
      tpu.wait_indirect_dma semaphore(%arg14 : memref<!tpu.dma_semaphore, #tpu.memory_space<semaphore_mem>>) src(%dma_wait3A_293 : memref<128x16xf32, #tpu.memory_space<vmem>>) dst(%dma_wait3A_299 : memref<10240x16xf32, #tpu.memory_space<vmem_shared>>)
      %add3A_300 = arith.constant 1 : i32
      %add3A_301 = arith.addi %scan3A_66, %add3A_300 : i32
      %lt3A = arith.constant 10 : i32
      %lt3A_302 = arith.cmpi slt, %add3A_301, %lt3A : i32
      %convert_element_type3A = arith.extui %lt3A_302 : i1 to i32
      %cond3A = arith.constant 0 : i32
      %cond3A_303 = arith.cmpi ne, %convert_element_type3A, %cond3A : i32
      scf.if %cond3A_303 {
        %add3A_468 = arith.constant 2 : i32
        %add3A_469 = arith.addi %mul3A_68, %add3A_468 : i32
        %mul3A_470 = arith.constant 4 : i32
        %mul3A_471 = arith.muli %add3A_469, %mul3A_470 : i32
        %add3A_472 = arith.constant 0 : i32
        %add3A_473 = arith.addi %mul3A_471, %add3A_472 : i32
        %dma_start3A_474 = arith.constant 0 : i32
        %dma_start3A_475 = arith.constant 0 : i32
        %dma_start3A_476 = arith.constant 0 : i32
        %dma_start3A_477 = arith.constant 0 : i32
        %dma_start3A_478 = tpu.memref_slice %arg9[%dma_start3A_474, %dma_start3A_475, %dma_start3A_476, %dma_start3A_477] : memref<2x4x128x16xf32, #tpu.memory_space<vmem>> -> memref<1x1x128x16xf32, #tpu.memory_space<vmem>>
        %dma_start3A_479 = tpu.memref_squeeze %dma_start3A_478 : memref<1x1x128x16xf32, #tpu.memory_space<vmem>> -> memref<128x16xf32, #tpu.memory_space<vmem>>
        %dma_start3A_480 = arith.constant 0 : i32
        %dma_start3A_481 = tpu.memref_slice %arg7[%add3A_473, %dma_start3A_480] : memref<80x128xi32, #tpu.memory_space<vmem>> -> memref<1x128xi32, #tpu.memory_space<vmem>>
        %dma_start3A_482 = tpu.memref_squeeze %dma_start3A_481 : memref<1x128xi32, #tpu.memory_space<vmem>> -> memref<128xi32, #tpu.memory_space<vmem>>
        %dma_start3A_483 = arith.constant 0 : i32
        %dma_start3A_484 = arith.constant 0 : i32
        %dma_start3A_485 = tpu.memref_slice %arg11[%dma_start3A_483, %dma_start3A_484] : memref<10240x16xf32, #tpu.memory_space<vmem_shared>> -> memref<10240x16xf32, #tpu.memory_space<vmem_shared>>
        tpu.enqueue_indirect_dma source(%dma_start3A_485 : memref<10240x16xf32, #tpu.memory_space<vmem_shared>>) target(%dma_start3A_479 : memref<128x16xf32, #tpu.memory_space<vmem>>) offsets(%dma_start3A_482 : memref<128xi32, #tpu.memory_space<vmem>>) semaphore(%arg12 : memref<!tpu.dma_semaphore, #tpu.memory_space<semaphore_mem>>)
        %mul3A_486 = arith.constant 4 : i32
        %mul3A_487 = arith.muli %add3A_469, %mul3A_486 : i32
        %add3A_488 = arith.constant 1 : i32
        %add3A_489 = arith.addi %mul3A_487, %add3A_488 : i32
        %dma_start3A_490 = arith.constant 0 : i32
        %dma_start3A_491 = arith.constant 1 : i32
        %dma_start3A_492 = arith.constant 0 : i32
        %dma_start3A_493 = arith.constant 0 : i32
        %dma_start3A_494 = tpu.memref_slice %arg9[%dma_start3A_490, %dma_start3A_491, %dma_start3A_492, %dma_start3A_493] : memref<2x4x128x16xf32, #tpu.memory_space<vmem>> -> memref<1x1x128x16xf32, #tpu.memory_space<vmem>>
        %dma_start3A_495 = tpu.memref_squeeze %dma_start3A_494 : memref<1x1x128x16xf32, #tpu.memory_space<vmem>> -> memref<128x16xf32, #tpu.memory_space<vmem>>
        %dma_start3A_496 = arith.constant 0 : i32
        %dma_start3A_497 = tpu.memref_slice %arg7[%add3A_489, %dma_start3A_496] : memref<80x128xi32, #tpu.memory_space<vmem>> -> memref<1x128xi32, #tpu.memory_space<vmem>>
        %dma_start3A_498 = tpu.memref_squeeze %dma_start3A_497 : memref<1x128xi32, #tpu.memory_space<vmem>> -> memref<128xi32, #tpu.memory_space<vmem>>
        %dma_start3A_499 = arith.constant 0 : i32
        %dma_start3A_500 = arith.constant 0 : i32
        %dma_start3A_501 = tpu.memref_slice %arg11[%dma_start3A_499, %dma_start3A_500] : memref<10240x16xf32, #tpu.memory_space<vmem_shared>> -> memref<10240x16xf32, #tpu.memory_space<vmem_shared>>
        tpu.enqueue_indirect_dma source(%dma_start3A_501 : memref<10240x16xf32, #tpu.memory_space<vmem_shared>>) target(%dma_start3A_495 : memref<128x16xf32, #tpu.memory_space<vmem>>) offsets(%dma_start3A_498 : memref<128xi32, #tpu.memory_space<vmem>>) semaphore(%arg12 : memref<!tpu.dma_semaphore, #tpu.memory_space<semaphore_mem>>)
        %mul3A_502 = arith.constant 4 : i32
        %mul3A_503 = arith.muli %add3A_469, %mul3A_502 : i32
        %add3A_504 = arith.constant 2 : i32
        %add3A_505 = arith.addi %mul3A_503, %add3A_504 : i32
        %dma_start3A_506 = arith.constant 0 : i32
        %dma_start3A_507 = arith.constant 2 : i32
        %dma_start3A_508 = arith.constant 0 : i32
        %dma_start3A_509 = arith.constant 0 : i32
        %dma_start3A_510 = tpu.memref_slice %arg9[%dma_start3A_506, %dma_start3A_507, %dma_start3A_508, %dma_start3A_509] : memref<2x4x128x16xf32, #tpu.memory_space<vmem>> -> memref<1x1x128x16xf32, #tpu.memory_space<vmem>>
        %dma_start3A_511 = tpu.memref_squeeze %dma_start3A_510 : memref<1x1x128x16xf32, #tpu.memory_space<vmem>> -> memref<128x16xf32, #tpu.memory_space<vmem>>
        %dma_start3A_512 = arith.constant 0 : i32
        %dma_start3A_513 = tpu.memref_slice %arg7[%add3A_505, %dma_start3A_512] : memref<80x128xi32, #tpu.memory_space<vmem>> -> memref<1x128xi32, #tpu.memory_space<vmem>>
        %dma_start3A_514 = tpu.memref_squeeze %dma_start3A_513 : memref<1x128xi32, #tpu.memory_space<vmem>> -> memref<128xi32, #tpu.memory_space<vmem>>
        %dma_start3A_515 = arith.constant 0 : i32
        %dma_start3A_516 = arith.constant 0 : i32
        %dma_start3A_517 = tpu.memref_slice %arg11[%dma_start3A_515, %dma_start3A_516] : memref<10240x16xf32, #tpu.memory_space<vmem_shared>> -> memref<10240x16xf32, #tpu.memory_space<vmem_shared>>
        tpu.enqueue_indirect_dma source(%dma_start3A_517 : memref<10240x16xf32, #tpu.memory_space<vmem_shared>>) target(%dma_start3A_511 : memref<128x16xf32, #tpu.memory_space<vmem>>) offsets(%dma_start3A_514 : memref<128xi32, #tpu.memory_space<vmem>>) semaphore(%arg12 : memref<!tpu.dma_semaphore, #tpu.memory_space<semaphore_mem>>)
        %mul3A_518 = arith.constant 4 : i32
        %mul3A_519 = arith.muli %add3A_469, %mul3A_518 : i32
        %add3A_520 = arith.constant 3 : i32
        %add3A_521 = arith.addi %mul3A_519, %add3A_520 : i32
        %dma_start3A_522 = arith.constant 0 : i32
        %dma_start3A_523 = arith.constant 3 : i32
        %dma_start3A_524 = arith.constant 0 : i32
        %dma_start3A_525 = arith.constant 0 : i32
        %dma_start3A_526 = tpu.memref_slice %arg9[%dma_start3A_522, %dma_start3A_523, %dma_start3A_524, %dma_start3A_525] : memref<2x4x128x16xf32, #tpu.memory_space<vmem>> -> memref<1x1x128x16xf32, #tpu.memory_space<vmem>>
        %dma_start3A_527 = tpu.memref_squeeze %dma_start3A_526 : memref<1x1x128x16xf32, #tpu.memory_space<vmem>> -> memref<128x16xf32, #tpu.memory_space<vmem>>
        %dma_start3A_528 = arith.constant 0 : i32
        %dma_start3A_529 = tpu.memref_slice %arg7[%add3A_521, %dma_start3A_528] : memref<80x128xi32, #tpu.memory_space<vmem>> -> memref<1x128xi32, #tpu.memory_space<vmem>>
        %dma_start3A_530 = tpu.memref_squeeze %dma_start3A_529 : memref<1x128xi32, #tpu.memory_space<vmem>> -> memref<128xi32, #tpu.memory_space<vmem>>
        %dma_start3A_531 = arith.constant 0 : i32
        %dma_start3A_532 = arith.constant 0 : i32
        %dma_start3A_533 = tpu.memref_slice %arg11[%dma_start3A_531, %dma_start3A_532] : memref<10240x16xf32, #tpu.memory_space<vmem_shared>> -> memref<10240x16xf32, #tpu.memory_space<vmem_shared>>
        tpu.enqueue_indirect_dma source(%dma_start3A_533 : memref<10240x16xf32, #tpu.memory_space<vmem_shared>>) target(%dma_start3A_527 : memref<128x16xf32, #tpu.memory_space<vmem>>) offsets(%dma_start3A_530 : memref<128xi32, #tpu.memory_space<vmem>>) semaphore(%arg12 : memref<!tpu.dma_semaphore, #tpu.memory_space<semaphore_mem>>)
      } else {
      }
      %dma_wait3A_304 = arith.constant 0 : i32
      %dma_wait3A_305 = arith.constant 1 : i32
      %dma_wait3A_306 = arith.constant 0 : i32
      %dma_wait3A_307 = arith.constant 0 : i32
      %dma_wait3A_308 = arith.constant 0 : i32
      %dma_wait3A_309 = tpu.memref_slice %arg9[%dma_wait3A_305, %dma_wait3A_306, %dma_wait3A_307, %dma_wait3A_308] : memref<2x4x128x16xf32, #tpu.memory_space<vmem>> -> memref<1x1x128x16xf32, #tpu.memory_space<vmem>>
      %dma_wait3A_310 = tpu.memref_squeeze %dma_wait3A_309 : memref<1x1x128x16xf32, #tpu.memory_space<vmem>> -> memref<128x16xf32, #tpu.memory_space<vmem>>
      %dma_wait3A_311 = arith.constant 0 : i32
      %dma_wait3A_312 = tpu.memref_slice %arg7[%dma_wait3A_304, %dma_wait3A_311] : memref<80x128xi32, #tpu.memory_space<vmem>> -> memref<1x128xi32, #tpu.memory_space<vmem>>
      %dma_wait3A_313 = tpu.memref_squeeze %dma_wait3A_312 : memref<1x128xi32, #tpu.memory_space<vmem>> -> memref<128xi32, #tpu.memory_space<vmem>>
      %dma_wait3A_314 = arith.constant 0 : i32
      %dma_wait3A_315 = arith.constant 0 : i32
      %dma_wait3A_316 = tpu.memref_slice %arg11[%dma_wait3A_314, %dma_wait3A_315] : memref<10240x16xf32, #tpu.memory_space<vmem_shared>> -> memref<10240x16xf32, #tpu.memory_space<vmem_shared>>
      tpu.wait_indirect_dma semaphore(%arg13 : memref<!tpu.dma_semaphore, #tpu.memory_space<semaphore_mem>>) src(%dma_wait3A_316 : memref<10240x16xf32, #tpu.memory_space<vmem_shared>>) dst(%dma_wait3A_310 : memref<128x16xf32, #tpu.memory_space<vmem>>)
      %dma_wait3A_317 = arith.constant 1 : i32
      %dma_wait3A_318 = arith.constant 1 : i32
      %dma_wait3A_319 = arith.constant 1 : i32
      %dma_wait3A_320 = arith.constant 0 : i32
      %dma_wait3A_321 = arith.constant 0 : i32
      %dma_wait3A_322 = tpu.memref_slice %arg9[%dma_wait3A_318, %dma_wait3A_319, %dma_wait3A_320, %dma_wait3A_321] : memref<2x4x128x16xf32, #tpu.memory_space<vmem>> -> memref<1x1x128x16xf32, #tpu.memory_space<vmem>>
      %dma_wait3A_323 = tpu.memref_squeeze %dma_wait3A_322 : memref<1x1x128x16xf32, #tpu.memory_space<vmem>> -> memref<128x16xf32, #tpu.memory_space<vmem>>
      %dma_wait3A_324 = arith.constant 0 : i32
      %dma_wait3A_325 = tpu.memref_slice %arg7[%dma_wait3A_317, %dma_wait3A_324] : memref<80x128xi32, #tpu.memory_space<vmem>> -> memref<1x128xi32, #tpu.memory_space<vmem>>
      %dma_wait3A_326 = tpu.memref_squeeze %dma_wait3A_325 : memref<1x128xi32, #tpu.memory_space<vmem>> -> memref<128xi32, #tpu.memory_space<vmem>>
      %dma_wait3A_327 = arith.constant 0 : i32
      %dma_wait3A_328 = arith.constant 0 : i32
      %dma_wait3A_329 = tpu.memref_slice %arg11[%dma_wait3A_327, %dma_wait3A_328] : memref<10240x16xf32, #tpu.memory_space<vmem_shared>> -> memref<10240x16xf32, #tpu.memory_space<vmem_shared>>
      tpu.wait_indirect_dma semaphore(%arg13 : memref<!tpu.dma_semaphore, #tpu.memory_space<semaphore_mem>>) src(%dma_wait3A_329 : memref<10240x16xf32, #tpu.memory_space<vmem_shared>>) dst(%dma_wait3A_323 : memref<128x16xf32, #tpu.memory_space<vmem>>)
      %dma_wait3A_330 = arith.constant 2 : i32
      %dma_wait3A_331 = arith.constant 1 : i32
      %dma_wait3A_332 = arith.constant 2 : i32
      %dma_wait3A_333 = arith.constant 0 : i32
      %dma_wait3A_334 = arith.constant 0 : i32
      %dma_wait3A_335 = tpu.memref_slice %arg9[%dma_wait3A_331, %dma_wait3A_332, %dma_wait3A_333, %dma_wait3A_334] : memref<2x4x128x16xf32, #tpu.memory_space<vmem>> -> memref<1x1x128x16xf32, #tpu.memory_space<vmem>>
      %dma_wait3A_336 = tpu.memref_squeeze %dma_wait3A_335 : memref<1x1x128x16xf32, #tpu.memory_space<vmem>> -> memref<128x16xf32, #tpu.memory_space<vmem>>
      %dma_wait3A_337 = arith.constant 0 : i32
      %dma_wait3A_338 = tpu.memref_slice %arg7[%dma_wait3A_330, %dma_wait3A_337] : memref<80x128xi32, #tpu.memory_space<vmem>> -> memref<1x128xi32, #tpu.memory_space<vmem>>
      %dma_wait3A_339 = tpu.memref_squeeze %dma_wait3A_338 : memref<1x128xi32, #tpu.memory_space<vmem>> -> memref<128xi32, #tpu.memory_space<vmem>>
      %dma_wait3A_340 = arith.constant 0 : i32
      %dma_wait3A_341 = arith.constant 0 : i32
      %dma_wait3A_342 = tpu.memref_slice %arg11[%dma_wait3A_340, %dma_wait3A_341] : memref<10240x16xf32, #tpu.memory_space<vmem_shared>> -> memref<10240x16xf32, #tpu.memory_space<vmem_shared>>
      tpu.wait_indirect_dma semaphore(%arg13 : memref<!tpu.dma_semaphore, #tpu.memory_space<semaphore_mem>>) src(%dma_wait3A_342 : memref<10240x16xf32, #tpu.memory_space<vmem_shared>>) dst(%dma_wait3A_336 : memref<128x16xf32, #tpu.memory_space<vmem>>)
      %dma_wait3A_343 = arith.constant 3 : i32
      %dma_wait3A_344 = arith.constant 1 : i32
      %dma_wait3A_345 = arith.constant 3 : i32
      %dma_wait3A_346 = arith.constant 0 : i32
      %dma_wait3A_347 = arith.constant 0 : i32
      %dma_wait3A_348 = tpu.memref_slice %arg9[%dma_wait3A_344, %dma_wait3A_345, %dma_wait3A_346, %dma_wait3A_347] : memref<2x4x128x16xf32, #tpu.memory_space<vmem>> -> memref<1x1x128x16xf32, #tpu.memory_space<vmem>>
      %dma_wait3A_349 = tpu.memref_squeeze %dma_wait3A_348 : memref<1x1x128x16xf32, #tpu.memory_space<vmem>> -> memref<128x16xf32, #tpu.memory_space<vmem>>
      %dma_wait3A_350 = arith.constant 0 : i32
      %dma_wait3A_351 = tpu.memref_slice %arg7[%dma_wait3A_343, %dma_wait3A_350] : memref<80x128xi32, #tpu.memory_space<vmem>> -> memref<1x128xi32, #tpu.memory_space<vmem>>
      %dma_wait3A_352 = tpu.memref_squeeze %dma_wait3A_351 : memref<1x128xi32, #tpu.memory_space<vmem>> -> memref<128xi32, #tpu.memory_space<vmem>>
      %dma_wait3A_353 = arith.constant 0 : i32
      %dma_wait3A_354 = arith.constant 0 : i32
      %dma_wait3A_355 = tpu.memref_slice %arg11[%dma_wait3A_353, %dma_wait3A_354] : memref<10240x16xf32, #tpu.memory_space<vmem_shared>> -> memref<10240x16xf32, #tpu.memory_space<vmem_shared>>
      tpu.wait_indirect_dma semaphore(%arg13 : memref<!tpu.dma_semaphore, #tpu.memory_space<semaphore_mem>>) src(%dma_wait3A_355 : memref<10240x16xf32, #tpu.memory_space<vmem_shared>>) dst(%dma_wait3A_349 : memref<128x16xf32, #tpu.memory_space<vmem>>)
      %mul3A_356 = arith.constant 4 : i32
      %mul3A_357 = arith.muli %add3A_72, %mul3A_356 : i32
      %add3A_358 = arith.constant 0 : i32
      %add3A_359 = arith.addi %mul3A_357, %add3A_358 : i32
      %dma_start3A_360 = arith.constant 1 : i32
      %dma_start3A_361 = arith.constant 0 : i32
      %dma_start3A_362 = arith.constant 0 : i32
      %dma_start3A_363 = arith.constant 0 : i32
      %dma_start3A_364 = tpu.memref_slice %arg9[%dma_start3A_360, %dma_start3A_361, %dma_start3A_362, %dma_start3A_363] : memref<2x4x128x16xf32, #tpu.memory_space<vmem>> -> memref<1x1x128x16xf32, #tpu.memory_space<vmem>>
      %dma_start3A_365 = tpu.memref_squeeze %dma_start3A_364 : memref<1x1x128x16xf32, #tpu.memory_space<vmem>> -> memref<128x16xf32, #tpu.memory_space<vmem>>
      %dma_start3A_366 = arith.constant 0 : i32
      %dma_start3A_367 = tpu.memref_slice %arg8[%add3A_359, %dma_start3A_366] : memref<80x128xi32, #tpu.memory_space<vmem>> -> memref<1x128xi32, #tpu.memory_space<vmem>>
      %dma_start3A_368 = tpu.memref_squeeze %dma_start3A_367 : memref<1x128xi32, #tpu.memory_space<vmem>> -> memref<128xi32, #tpu.memory_space<vmem>>
      %dma_start3A_369 = arith.constant 0 : i32
      %dma_start3A_370 = arith.constant 0 : i32
      %dma_start3A_371 = tpu.memref_slice %arg10[%dma_start3A_369, %dma_start3A_370] : memref<10240x16xf32, #tpu.memory_space<vmem_shared>> -> memref<10240x16xf32, #tpu.memory_space<vmem_shared>>
      tpu.enqueue_indirect_dma source(%dma_start3A_365 : memref<128x16xf32, #tpu.memory_space<vmem>>) target(%dma_start3A_371 : memref<10240x16xf32, #tpu.memory_space<vmem_shared>>) offsets(%dma_start3A_368 : memref<128xi32, #tpu.memory_space<vmem>>) semaphore(%arg14 : memref<!tpu.dma_semaphore, #tpu.memory_space<semaphore_mem>>) {add = true}
      %mul3A_372 = arith.constant 4 : i32
      %mul3A_373 = arith.muli %add3A_72, %mul3A_372 : i32
      %add3A_374 = arith.constant 1 : i32
      %add3A_375 = arith.addi %mul3A_373, %add3A_374 : i32
      %dma_start3A_376 = arith.constant 1 : i32
      %dma_start3A_377 = arith.constant 1 : i32
      %dma_start3A_378 = arith.constant 0 : i32
      %dma_start3A_379 = arith.constant 0 : i32
      %dma_start3A_380 = tpu.memref_slice %arg9[%dma_start3A_376, %dma_start3A_377, %dma_start3A_378, %dma_start3A_379] : memref<2x4x128x16xf32, #tpu.memory_space<vmem>> -> memref<1x1x128x16xf32, #tpu.memory_space<vmem>>
      %dma_start3A_381 = tpu.memref_squeeze %dma_start3A_380 : memref<1x1x128x16xf32, #tpu.memory_space<vmem>> -> memref<128x16xf32, #tpu.memory_space<vmem>>
      %dma_start3A_382 = arith.constant 0 : i32
      %dma_start3A_383 = tpu.memref_slice %arg8[%add3A_375, %dma_start3A_382] : memref<80x128xi32, #tpu.memory_space<vmem>> -> memref<1x128xi32, #tpu.memory_space<vmem>>
      %dma_start3A_384 = tpu.memref_squeeze %dma_start3A_383 : memref<1x128xi32, #tpu.memory_space<vmem>> -> memref<128xi32, #tpu.memory_space<vmem>>
      %dma_start3A_385 = arith.constant 0 : i32
      %dma_start3A_386 = arith.constant 0 : i32
      %dma_start3A_387 = tpu.memref_slice %arg10[%dma_start3A_385, %dma_start3A_386] : memref<10240x16xf32, #tpu.memory_space<vmem_shared>> -> memref<10240x16xf32, #tpu.memory_space<vmem_shared>>
      tpu.enqueue_indirect_dma source(%dma_start3A_381 : memref<128x16xf32, #tpu.memory_space<vmem>>) target(%dma_start3A_387 : memref<10240x16xf32, #tpu.memory_space<vmem_shared>>) offsets(%dma_start3A_384 : memref<128xi32, #tpu.memory_space<vmem>>) semaphore(%arg14 : memref<!tpu.dma_semaphore, #tpu.memory_space<semaphore_mem>>) {add = true}
      %mul3A_388 = arith.constant 4 : i32
      %mul3A_389 = arith.muli %add3A_72, %mul3A_388 : i32
      %add3A_390 = arith.constant 2 : i32
      %add3A_391 = arith.addi %mul3A_389, %add3A_390 : i32
      %dma_start3A_392 = arith.constant 1 : i32
      %dma_start3A_393 = arith.constant 2 : i32
      %dma_start3A_394 = arith.constant 0 : i32
      %dma_start3A_395 = arith.constant 0 : i32
      %dma_start3A_396 = tpu.memref_slice %arg9[%dma_start3A_392, %dma_start3A_393, %dma_start3A_394, %dma_start3A_395] : memref<2x4x128x16xf32, #tpu.memory_space<vmem>> -> memref<1x1x128x16xf32, #tpu.memory_space<vmem>>
      %dma_start3A_397 = tpu.memref_squeeze %dma_start3A_396 : memref<1x1x128x16xf32, #tpu.memory_space<vmem>> -> memref<128x16xf32, #tpu.memory_space<vmem>>
      %dma_start3A_398 = arith.constant 0 : i32
      %dma_start3A_399 = tpu.memref_slice %arg8[%add3A_391, %dma_start3A_398] : memref<80x128xi32, #tpu.memory_space<vmem>> -> memref<1x128xi32, #tpu.memory_space<vmem>>
      %dma_start3A_400 = tpu.memref_squeeze %dma_start3A_399 : memref<1x128xi32, #tpu.memory_space<vmem>> -> memref<128xi32, #tpu.memory_space<vmem>>
      %dma_start3A_401 = arith.constant 0 : i32
      %dma_start3A_402 = arith.constant 0 : i32
      %dma_start3A_403 = tpu.memref_slice %arg10[%dma_start3A_401, %dma_start3A_402] : memref<10240x16xf32, #tpu.memory_space<vmem_shared>> -> memref<10240x16xf32, #tpu.memory_space<vmem_shared>>
      tpu.enqueue_indirect_dma source(%dma_start3A_397 : memref<128x16xf32, #tpu.memory_space<vmem>>) target(%dma_start3A_403 : memref<10240x16xf32, #tpu.memory_space<vmem_shared>>) offsets(%dma_start3A_400 : memref<128xi32, #tpu.memory_space<vmem>>) semaphore(%arg14 : memref<!tpu.dma_semaphore, #tpu.memory_space<semaphore_mem>>) {add = true}
      %mul3A_404 = arith.constant 4 : i32
      %mul3A_405 = arith.muli %add3A_72, %mul3A_404 : i32
      %add3A_406 = arith.constant 3 : i32
      %add3A_407 = arith.addi %mul3A_405, %add3A_406 : i32
      %dma_start3A_408 = arith.constant 1 : i32
      %dma_start3A_409 = arith.constant 3 : i32
      %dma_start3A_410 = arith.constant 0 : i32
      %dma_start3A_411 = arith.constant 0 : i32
      %dma_start3A_412 = tpu.memref_slice %arg9[%dma_start3A_408, %dma_start3A_409, %dma_start3A_410, %dma_start3A_411] : memref<2x4x128x16xf32, #tpu.memory_space<vmem>> -> memref<1x1x128x16xf32, #tpu.memory_space<vmem>>
      %dma_start3A_413 = tpu.memref_squeeze %dma_start3A_412 : memref<1x1x128x16xf32, #tpu.memory_space<vmem>> -> memref<128x16xf32, #tpu.memory_space<vmem>>
      %dma_start3A_414 = arith.constant 0 : i32
      %dma_start3A_415 = tpu.memref_slice %arg8[%add3A_407, %dma_start3A_414] : memref<80x128xi32, #tpu.memory_space<vmem>> -> memref<1x128xi32, #tpu.memory_space<vmem>>
      %dma_start3A_416 = tpu.memref_squeeze %dma_start3A_415 : memref<1x128xi32, #tpu.memory_space<vmem>> -> memref<128xi32, #tpu.memory_space<vmem>>
      %dma_start3A_417 = arith.constant 0 : i32
      %dma_start3A_418 = arith.constant 0 : i32
      %dma_start3A_419 = tpu.memref_slice %arg10[%dma_start3A_417, %dma_start3A_418] : memref<10240x16xf32, #tpu.memory_space<vmem_shared>> -> memref<10240x16xf32, #tpu.memory_space<vmem_shared>>
      tpu.enqueue_indirect_dma source(%dma_start3A_413 : memref<128x16xf32, #tpu.memory_space<vmem>>) target(%dma_start3A_419 : memref<10240x16xf32, #tpu.memory_space<vmem_shared>>) offsets(%dma_start3A_416 : memref<128xi32, #tpu.memory_space<vmem>>) semaphore(%arg14 : memref<!tpu.dma_semaphore, #tpu.memory_space<semaphore_mem>>) {add = true}
      %dma_wait3A_420 = arith.constant 1 : i32
      %dma_wait3A_421 = arith.constant 0 : i32
      %dma_wait3A_422 = arith.constant 0 : i32
      %dma_wait3A_423 = arith.constant 0 : i32
      %dma_wait3A_424 = tpu.memref_slice %arg9[%dma_wait3A_420, %dma_wait3A_421, %dma_wait3A_422, %dma_wait3A_423] : memref<2x4x128x16xf32, #tpu.memory_space<vmem>> -> memref<1x1x128x16xf32, #tpu.memory_space<vmem>>
      %dma_wait3A_425 = tpu.memref_squeeze %dma_wait3A_424 : memref<1x1x128x16xf32, #tpu.memory_space<vmem>> -> memref<128x16xf32, #tpu.memory_space<vmem>>
      %dma_wait3A_426 = arith.constant 0 : i32
      %dma_wait3A_427 = tpu.memref_slice %arg8[%add3A_359, %dma_wait3A_426] : memref<80x128xi32, #tpu.memory_space<vmem>> -> memref<1x128xi32, #tpu.memory_space<vmem>>
      %dma_wait3A_428 = tpu.memref_squeeze %dma_wait3A_427 : memref<1x128xi32, #tpu.memory_space<vmem>> -> memref<128xi32, #tpu.memory_space<vmem>>
      %dma_wait3A_429 = arith.constant 0 : i32
      %dma_wait3A_430 = arith.constant 0 : i32
      %dma_wait3A_431 = tpu.memref_slice %arg10[%dma_wait3A_429, %dma_wait3A_430] : memref<10240x16xf32, #tpu.memory_space<vmem_shared>> -> memref<10240x16xf32, #tpu.memory_space<vmem_shared>>
      tpu.wait_indirect_dma semaphore(%arg14 : memref<!tpu.dma_semaphore, #tpu.memory_space<semaphore_mem>>) src(%dma_wait3A_425 : memref<128x16xf32, #tpu.memory_space<vmem>>) dst(%dma_wait3A_431 : memref<10240x16xf32, #tpu.memory_space<vmem_shared>>)
      %dma_wait3A_432 = arith.constant 1 : i32
      %dma_wait3A_433 = arith.constant 1 : i32
      %dma_wait3A_434 = arith.constant 0 : i32
      %dma_wait3A_435 = arith.constant 0 : i32
      %dma_wait3A_436 = tpu.memref_slice %arg9[%dma_wait3A_432, %dma_wait3A_433, %dma_wait3A_434, %dma_wait3A_435] : memref<2x4x128x16xf32, #tpu.memory_space<vmem>> -> memref<1x1x128x16xf32, #tpu.memory_space<vmem>>
      %dma_wait3A_437 = tpu.memref_squeeze %dma_wait3A_436 : memref<1x1x128x16xf32, #tpu.memory_space<vmem>> -> memref<128x16xf32, #tpu.memory_space<vmem>>
      %dma_wait3A_438 = arith.constant 0 : i32
      %dma_wait3A_439 = tpu.memref_slice %arg8[%add3A_375, %dma_wait3A_438] : memref<80x128xi32, #tpu.memory_space<vmem>> -> memref<1x128xi32, #tpu.memory_space<vmem>>
      %dma_wait3A_440 = tpu.memref_squeeze %dma_wait3A_439 : memref<1x128xi32, #tpu.memory_space<vmem>> -> memref<128xi32, #tpu.memory_space<vmem>>
      %dma_wait3A_441 = arith.constant 0 : i32
      %dma_wait3A_442 = arith.constant 0 : i32
      %dma_wait3A_443 = tpu.memref_slice %arg10[%dma_wait3A_441, %dma_wait3A_442] : memref<10240x16xf32, #tpu.memory_space<vmem_shared>> -> memref<10240x16xf32, #tpu.memory_space<vmem_shared>>
      tpu.wait_indirect_dma semaphore(%arg14 : memref<!tpu.dma_semaphore, #tpu.memory_space<semaphore_mem>>) src(%dma_wait3A_437 : memref<128x16xf32, #tpu.memory_space<vmem>>) dst(%dma_wait3A_443 : memref<10240x16xf32, #tpu.memory_space<vmem_shared>>)
      %dma_wait3A_444 = arith.constant 1 : i32
      %dma_wait3A_445 = arith.constant 2 : i32
      %dma_wait3A_446 = arith.constant 0 : i32
      %dma_wait3A_447 = arith.constant 0 : i32
      %dma_wait3A_448 = tpu.memref_slice %arg9[%dma_wait3A_444, %dma_wait3A_445, %dma_wait3A_446, %dma_wait3A_447] : memref<2x4x128x16xf32, #tpu.memory_space<vmem>> -> memref<1x1x128x16xf32, #tpu.memory_space<vmem>>
      %dma_wait3A_449 = tpu.memref_squeeze %dma_wait3A_448 : memref<1x1x128x16xf32, #tpu.memory_space<vmem>> -> memref<128x16xf32, #tpu.memory_space<vmem>>
      %dma_wait3A_450 = arith.constant 0 : i32
      %dma_wait3A_451 = tpu.memref_slice %arg8[%add3A_391, %dma_wait3A_450] : memref<80x128xi32, #tpu.memory_space<vmem>> -> memref<1x128xi32, #tpu.memory_space<vmem>>
      %dma_wait3A_452 = tpu.memref_squeeze %dma_wait3A_451 : memref<1x128xi32, #tpu.memory_space<vmem>> -> memref<128xi32, #tpu.memory_space<vmem>>
      %dma_wait3A_453 = arith.constant 0 : i32
      %dma_wait3A_454 = arith.constant 0 : i32
      %dma_wait3A_455 = tpu.memref_slice %arg10[%dma_wait3A_453, %dma_wait3A_454] : memref<10240x16xf32, #tpu.memory_space<vmem_shared>> -> memref<10240x16xf32, #tpu.memory_space<vmem_shared>>
      tpu.wait_indirect_dma semaphore(%arg14 : memref<!tpu.dma_semaphore, #tpu.memory_space<semaphore_mem>>) src(%dma_wait3A_449 : memref<128x16xf32, #tpu.memory_space<vmem>>) dst(%dma_wait3A_455 : memref<10240x16xf32, #tpu.memory_space<vmem_shared>>)
      %dma_wait3A_456 = arith.constant 1 : i32
      %dma_wait3A_457 = arith.constant 3 : i32
      %dma_wait3A_458 = arith.constant 0 : i32
      %dma_wait3A_459 = arith.constant 0 : i32
      %dma_wait3A_460 = tpu.memref_slice %arg9[%dma_wait3A_456, %dma_wait3A_457, %dma_wait3A_458, %dma_wait3A_459] : memref<2x4x128x16xf32, #tpu.memory_space<vmem>> -> memref<1x1x128x16xf32, #tpu.memory_space<vmem>>
      %dma_wait3A_461 = tpu.memref_squeeze %dma_wait3A_460 : memref<1x1x128x16xf32, #tpu.memory_space<vmem>> -> memref<128x16xf32, #tpu.memory_space<vmem>>
      %dma_wait3A_462 = arith.constant 0 : i32
      %dma_wait3A_463 = tpu.memref_slice %arg8[%add3A_407, %dma_wait3A_462] : memref<80x128xi32, #tpu.memory_space<vmem>> -> memref<1x128xi32, #tpu.memory_space<vmem>>
      %dma_wait3A_464 = tpu.memref_squeeze %dma_wait3A_463 : memref<1x128xi32, #tpu.memory_space<vmem>> -> memref<128xi32, #tpu.memory_space<vmem>>
      %dma_wait3A_465 = arith.constant 0 : i32
      %dma_wait3A_466 = arith.constant 0 : i32
      %dma_wait3A_467 = tpu.memref_slice %arg10[%dma_wait3A_465, %dma_wait3A_466] : memref<10240x16xf32, #tpu.memory_space<vmem_shared>> -> memref<10240x16xf32, #tpu.memory_space<vmem_shared>>
      tpu.wait_indirect_dma semaphore(%arg14 : memref<!tpu.dma_semaphore, #tpu.memory_space<semaphore_mem>>) src(%dma_wait3A_461 : memref<128x16xf32, #tpu.memory_space<vmem>>) dst(%dma_wait3A_467 : memref<10240x16xf32, #tpu.memory_space<vmem_shared>>)
    }
    %scan3A_62 = arith.constant 10 : i32
    %barrier3A_63 = arith.constant 0 : index
    tpu.barrier barrier_id(%barrier3A_63)
    %mul3A_64 = arith.constant 640 : i32
    %mul3A_65 = arith.muli %arg1, %mul3A_64 : i32
    "tpu.region"() ({
      %run_scoped3A = tpu.sem_alloc : memref<!tpu.dma_semaphore, #tpu.memory_space<semaphore_mem>>
      %dma_start3A_66 = arith.constant 0 : i32
      %dma_start3A_67 = arith.constant 0 : i32
      %dma_start3A_68 = tpu.memref_slice %arg6[%arg0, %dma_start3A_66, %dma_start3A_67] : memref<2x10240x16xf32, #tpu.memory_space<hbm>> -> memref<1x10240x16xf32, #tpu.memory_space<hbm>>
      %dma_start3A_69 = tpu.memref_squeeze %dma_start3A_68 : memref<1x10240x16xf32, #tpu.memory_space<hbm>> -> memref<10240x16xf32, #tpu.memory_space<hbm>>
      %dma_start3A_70 = arith.constant 0 : i32
      %dma_start3A_71 = tpu.memref_slice %dma_start3A_69[%mul3A_65, %dma_start3A_70] : memref<10240x16xf32, #tpu.memory_space<hbm>> -> memref<640x16xf32, #tpu.memory_space<hbm>>
      %dma_start3A_72 = arith.constant 0 : i32
      %dma_start3A_73 = tpu.memref_slice %arg10[%mul3A_65, %dma_start3A_72] : memref<10240x16xf32, #tpu.memory_space<vmem_shared>> -> memref<640x16xf32, #tpu.memory_space<vmem_shared>>
      tpu.enqueue_dma source(%dma_start3A_73 : memref<640x16xf32, #tpu.memory_space<vmem_shared>>) target(%dma_start3A_71 : memref<640x16xf32, #tpu.memory_space<hbm>>) target_semaphore(%run_scoped3A : memref<!tpu.dma_semaphore, #tpu.memory_space<semaphore_mem>>)
      %dma_wait3A = arith.constant 0 : i32
      %dma_wait3A_74 = arith.constant 0 : i32
      %dma_wait3A_75 = tpu.memref_slice %arg6[%arg0, %dma_wait3A, %dma_wait3A_74] : memref<2x10240x16xf32, #tpu.memory_space<hbm>> -> memref<1x10240x16xf32, #tpu.memory_space<hbm>>
      %dma_wait3A_76 = tpu.memref_squeeze %dma_wait3A_75 : memref<1x10240x16xf32, #tpu.memory_space<hbm>> -> memref<10240x16xf32, #tpu.memory_space<hbm>>
      %dma_wait3A_77 = arith.constant 0 : i32
      %dma_wait3A_78 = tpu.memref_slice %dma_wait3A_76[%mul3A_65, %dma_wait3A_77] : memref<10240x16xf32, #tpu.memory_space<hbm>> -> memref<640x16xf32, #tpu.memory_space<hbm>>
      %dma_wait3A_79 = arith.constant 0 : i32
      %dma_wait3A_80 = tpu.memref_slice %arg10[%mul3A_65, %dma_wait3A_79] : memref<10240x16xf32, #tpu.memory_space<vmem_shared>> -> memref<640x16xf32, #tpu.memory_space<vmem_shared>>
      tpu.wait_dma2 semaphore(%run_scoped3A : memref<!tpu.dma_semaphore, #tpu.memory_space<semaphore_mem>>) src(%dma_wait3A_80 : memref<640x16xf32, #tpu.memory_space<vmem_shared>>) dst(%dma_wait3A_78 : memref<640x16xf32, #tpu.memory_space<hbm>>)
      tpu.yield
    }) : () -> ()
    return
  }
}

#map = affine_map<(d0, d1) -> (0, 0)>
#map1 = affine_map<(d0, d1) -> (0, 0, 0)>
module attributes {stable_mosaic.version = 14 : i64} {
  func.func @_sc_agg_body(%arg0: i32, %arg1: i32, %arg2: memref<10240x32xf32, #tpu.memory_space<hbm>>, %arg3: memref<32x80x128xi32, #tpu.memory_space<hbm>>, %arg4: memref<32x80x128xi32, #tpu.memory_space<hbm>>, %arg5: memref<640x32xf32, #tpu.memory_space<hbm>>, %arg6: memref<640x8xf32, #tpu.memory_space<hbm>>, %arg7: memref<128x8xf32, #tpu.memory_space<hbm>>, %arg8: memref<2x10240x32xf32, #tpu.memory_space<hbm>>, %arg9: memref<2x10240x8xf32, #tpu.memory_space<hbm>>, %arg10: memref<80x128xi32, #tpu.memory_space<vmem>>, %arg11: memref<80x128xi32, #tpu.memory_space<vmem>>, %arg12: memref<2x4x128x32xf32, #tpu.memory_space<vmem>>, %arg13: memref<128x8xf32, #tpu.memory_space<vmem>>, %arg14: memref<10240x32xf32, #tpu.memory_space<vmem_shared>>, %arg15: memref<10240x8xf32, #tpu.memory_space<vmem_shared>>, %arg16: memref<10240x32xf32, #tpu.memory_space<vmem_shared>>, %arg17: memref<!tpu.dma_semaphore, #tpu.memory_space<semaphore_mem>>, %arg18: memref<!tpu.dma_semaphore, #tpu.memory_space<semaphore_mem>>, %arg19: memref<!tpu.dma_semaphore, #tpu.memory_space<semaphore_mem>>) attributes {dimension_semantics = [#tpu.dimension_semantics<core_parallel>, #tpu.dimension_semantics<subcore_parallel>], iteration_bounds = array<i64: 2, 16>, scalar_prefetch = 0 : i64, scratch_operands = 10 : i64, tpu.core_type = #tpu.core_type<sc_vector_subcore>, window_params = [{transform_indices = #map}, {transform_indices = #map1}, {transform_indices = #map1}, {transform_indices = #map}, {transform_indices = #map}, {transform_indices = #map}, {transform_indices = #map1}, {transform_indices = #map1}]} {
    %mul3A = arith.constant 16 : i32
    %mul3A_0 = arith.muli %arg0, %mul3A : i32
    %add3A = arith.addi %mul3A_0, %arg1 : i32
    "tpu.region"() ({
      %run_scoped3A = tpu.sem_alloc : memref<!tpu.dma_semaphore, #tpu.memory_space<semaphore_mem>>
      %dma_start3A_68 = arith.constant 0 : i32
      %dma_start3A_69 = arith.constant 0 : i32
      %dma_start3A_70 = tpu.memref_slice %arg3[%add3A, %dma_start3A_68, %dma_start3A_69] : memref<32x80x128xi32, #tpu.memory_space<hbm>> -> memref<1x80x128xi32, #tpu.memory_space<hbm>>
      %dma_start3A_71 = tpu.memref_squeeze %dma_start3A_70 : memref<1x80x128xi32, #tpu.memory_space<hbm>> -> memref<80x128xi32, #tpu.memory_space<hbm>>
      %dma_start3A_72 = arith.constant 0 : i32
      %dma_start3A_73 = arith.constant 0 : i32
      %dma_start3A_74 = tpu.memref_slice %arg3[%add3A, %dma_start3A_72, %dma_start3A_73] : memref<32x80x128xi32, #tpu.memory_space<hbm>> -> memref<1x80x128xi32, #tpu.memory_space<hbm>>
      %dma_start3A_75 = tpu.memref_squeeze %dma_start3A_74 : memref<1x80x128xi32, #tpu.memory_space<hbm>> -> memref<80x128xi32, #tpu.memory_space<hbm>>
      tpu.enqueue_dma source(%dma_start3A_75 : memref<80x128xi32, #tpu.memory_space<hbm>>) target(%arg10 : memref<80x128xi32, #tpu.memory_space<vmem>>) target_semaphore(%run_scoped3A : memref<!tpu.dma_semaphore, #tpu.memory_space<semaphore_mem>>)
      %dma_wait3A = arith.constant 0 : i32
      %dma_wait3A_76 = arith.constant 0 : i32
      %dma_wait3A_77 = tpu.memref_slice %arg3[%add3A, %dma_wait3A, %dma_wait3A_76] : memref<32x80x128xi32, #tpu.memory_space<hbm>> -> memref<1x80x128xi32, #tpu.memory_space<hbm>>
      %dma_wait3A_78 = tpu.memref_squeeze %dma_wait3A_77 : memref<1x80x128xi32, #tpu.memory_space<hbm>> -> memref<80x128xi32, #tpu.memory_space<hbm>>
      %dma_wait3A_79 = arith.constant 0 : i32
      %dma_wait3A_80 = arith.constant 0 : i32
      %dma_wait3A_81 = tpu.memref_slice %arg3[%add3A, %dma_wait3A_79, %dma_wait3A_80] : memref<32x80x128xi32, #tpu.memory_space<hbm>> -> memref<1x80x128xi32, #tpu.memory_space<hbm>>
      %dma_wait3A_82 = tpu.memref_squeeze %dma_wait3A_81 : memref<1x80x128xi32, #tpu.memory_space<hbm>> -> memref<80x128xi32, #tpu.memory_space<hbm>>
      tpu.wait_dma2 semaphore(%run_scoped3A : memref<!tpu.dma_semaphore, #tpu.memory_space<semaphore_mem>>) src(%dma_wait3A_82 : memref<80x128xi32, #tpu.memory_space<hbm>>) dst(%arg10 : memref<80x128xi32, #tpu.memory_space<vmem>>)
      tpu.yield
    }) : () -> ()
    "tpu.region"() ({
      %run_scoped3A = tpu.sem_alloc : memref<!tpu.dma_semaphore, #tpu.memory_space<semaphore_mem>>
      %dma_start3A_68 = arith.constant 0 : i32
      %dma_start3A_69 = arith.constant 0 : i32
      %dma_start3A_70 = tpu.memref_slice %arg4[%add3A, %dma_start3A_68, %dma_start3A_69] : memref<32x80x128xi32, #tpu.memory_space<hbm>> -> memref<1x80x128xi32, #tpu.memory_space<hbm>>
      %dma_start3A_71 = tpu.memref_squeeze %dma_start3A_70 : memref<1x80x128xi32, #tpu.memory_space<hbm>> -> memref<80x128xi32, #tpu.memory_space<hbm>>
      %dma_start3A_72 = arith.constant 0 : i32
      %dma_start3A_73 = arith.constant 0 : i32
      %dma_start3A_74 = tpu.memref_slice %arg4[%add3A, %dma_start3A_72, %dma_start3A_73] : memref<32x80x128xi32, #tpu.memory_space<hbm>> -> memref<1x80x128xi32, #tpu.memory_space<hbm>>
      %dma_start3A_75 = tpu.memref_squeeze %dma_start3A_74 : memref<1x80x128xi32, #tpu.memory_space<hbm>> -> memref<80x128xi32, #tpu.memory_space<hbm>>
      tpu.enqueue_dma source(%dma_start3A_75 : memref<80x128xi32, #tpu.memory_space<hbm>>) target(%arg11 : memref<80x128xi32, #tpu.memory_space<vmem>>) target_semaphore(%run_scoped3A : memref<!tpu.dma_semaphore, #tpu.memory_space<semaphore_mem>>)
      %dma_wait3A = arith.constant 0 : i32
      %dma_wait3A_76 = arith.constant 0 : i32
      %dma_wait3A_77 = tpu.memref_slice %arg4[%add3A, %dma_wait3A, %dma_wait3A_76] : memref<32x80x128xi32, #tpu.memory_space<hbm>> -> memref<1x80x128xi32, #tpu.memory_space<hbm>>
      %dma_wait3A_78 = tpu.memref_squeeze %dma_wait3A_77 : memref<1x80x128xi32, #tpu.memory_space<hbm>> -> memref<80x128xi32, #tpu.memory_space<hbm>>
      %dma_wait3A_79 = arith.constant 0 : i32
      %dma_wait3A_80 = arith.constant 0 : i32
      %dma_wait3A_81 = tpu.memref_slice %arg4[%add3A, %dma_wait3A_79, %dma_wait3A_80] : memref<32x80x128xi32, #tpu.memory_space<hbm>> -> memref<1x80x128xi32, #tpu.memory_space<hbm>>
      %dma_wait3A_82 = tpu.memref_squeeze %dma_wait3A_81 : memref<1x80x128xi32, #tpu.memory_space<hbm>> -> memref<80x128xi32, #tpu.memory_space<hbm>>
      tpu.wait_dma2 semaphore(%run_scoped3A : memref<!tpu.dma_semaphore, #tpu.memory_space<semaphore_mem>>) src(%dma_wait3A_82 : memref<80x128xi32, #tpu.memory_space<hbm>>) dst(%arg11 : memref<80x128xi32, #tpu.memory_space<vmem>>)
      tpu.yield
    }) : () -> ()
    %mul3A_1 = arith.constant 640 : i32
    %mul3A_2 = arith.muli %arg1, %mul3A_1 : i32
    "tpu.region"() ({
      %run_scoped3A = tpu.sem_alloc : memref<!tpu.dma_semaphore, #tpu.memory_space<semaphore_mem>>
      %dma_start3A_68 = arith.constant 0 : i32
      %dma_start3A_69 = tpu.memref_slice %arg14[%mul3A_2, %dma_start3A_68] : memref<10240x32xf32, #tpu.memory_space<vmem_shared>> -> memref<640x32xf32, #tpu.memory_space<vmem_shared>>
      tpu.enqueue_dma source(%arg5 : memref<640x32xf32, #tpu.memory_space<hbm>>) target(%dma_start3A_69 : memref<640x32xf32, #tpu.memory_space<vmem_shared>>) target_semaphore(%run_scoped3A : memref<!tpu.dma_semaphore, #tpu.memory_space<semaphore_mem>>)
      %dma_wait3A = arith.constant 0 : i32
      %dma_wait3A_70 = tpu.memref_slice %arg14[%mul3A_2, %dma_wait3A] : memref<10240x32xf32, #tpu.memory_space<vmem_shared>> -> memref<640x32xf32, #tpu.memory_space<vmem_shared>>
      tpu.wait_dma2 semaphore(%run_scoped3A : memref<!tpu.dma_semaphore, #tpu.memory_space<semaphore_mem>>) src(%arg5 : memref<640x32xf32, #tpu.memory_space<hbm>>) dst(%dma_wait3A_70 : memref<640x32xf32, #tpu.memory_space<vmem_shared>>)
      tpu.yield
    }) : () -> ()
    %mul3A_3 = arith.constant 640 : i32
    %mul3A_4 = arith.muli %arg1, %mul3A_3 : i32
    %mul3A_5 = arith.constant 640 : i32
    %mul3A_6 = arith.muli %arg1, %mul3A_5 : i32
    "tpu.region"() ({
      %run_scoped3A = tpu.sem_alloc : memref<!tpu.dma_semaphore, #tpu.memory_space<semaphore_mem>>
      %dma_start3A_68 = arith.constant 0 : i32
      %dma_start3A_69 = tpu.memref_slice %arg16[%mul3A_6, %dma_start3A_68] : memref<10240x32xf32, #tpu.memory_space<vmem_shared>> -> memref<640x32xf32, #tpu.memory_space<vmem_shared>>
      %dma_start3A_70 = arith.constant 0 : i32
      %dma_start3A_71 = tpu.memref_slice %arg2[%mul3A_4, %dma_start3A_70] : memref<10240x32xf32, #tpu.memory_space<hbm>> -> memref<640x32xf32, #tpu.memory_space<hbm>>
      tpu.enqueue_dma source(%dma_start3A_71 : memref<640x32xf32, #tpu.memory_space<hbm>>) target(%dma_start3A_69 : memref<640x32xf32, #tpu.memory_space<vmem_shared>>) target_semaphore(%run_scoped3A : memref<!tpu.dma_semaphore, #tpu.memory_space<semaphore_mem>>)
      %dma_wait3A = arith.constant 0 : i32
      %dma_wait3A_72 = tpu.memref_slice %arg16[%mul3A_6, %dma_wait3A] : memref<10240x32xf32, #tpu.memory_space<vmem_shared>> -> memref<640x32xf32, #tpu.memory_space<vmem_shared>>
      %dma_wait3A_73 = arith.constant 0 : i32
      %dma_wait3A_74 = tpu.memref_slice %arg2[%mul3A_4, %dma_wait3A_73] : memref<10240x32xf32, #tpu.memory_space<hbm>> -> memref<640x32xf32, #tpu.memory_space<hbm>>
      tpu.wait_dma2 semaphore(%run_scoped3A : memref<!tpu.dma_semaphore, #tpu.memory_space<semaphore_mem>>) src(%dma_wait3A_74 : memref<640x32xf32, #tpu.memory_space<hbm>>) dst(%dma_wait3A_72 : memref<640x32xf32, #tpu.memory_space<vmem_shared>>)
      tpu.yield
    }) : () -> ()
    %mul3A_7 = arith.constant 640 : i32
    %mul3A_8 = arith.muli %arg1, %mul3A_7 : i32
    "tpu.region"() ({
      %run_scoped3A = tpu.sem_alloc : memref<!tpu.dma_semaphore, #tpu.memory_space<semaphore_mem>>
      %dma_start3A_68 = arith.constant 0 : i32
      %dma_start3A_69 = tpu.memref_slice %arg15[%mul3A_8, %dma_start3A_68] : memref<10240x8xf32, #tpu.memory_space<vmem_shared>> -> memref<640x8xf32, #tpu.memory_space<vmem_shared>>
      tpu.enqueue_dma source(%arg6 : memref<640x8xf32, #tpu.memory_space<hbm>>) target(%dma_start3A_69 : memref<640x8xf32, #tpu.memory_space<vmem_shared>>) target_semaphore(%run_scoped3A : memref<!tpu.dma_semaphore, #tpu.memory_space<semaphore_mem>>)
      %dma_wait3A = arith.constant 0 : i32
      %dma_wait3A_70 = tpu.memref_slice %arg15[%mul3A_8, %dma_wait3A] : memref<10240x8xf32, #tpu.memory_space<vmem_shared>> -> memref<640x8xf32, #tpu.memory_space<vmem_shared>>
      tpu.wait_dma2 semaphore(%run_scoped3A : memref<!tpu.dma_semaphore, #tpu.memory_space<semaphore_mem>>) src(%arg6 : memref<640x8xf32, #tpu.memory_space<hbm>>) dst(%dma_wait3A_70 : memref<640x8xf32, #tpu.memory_space<vmem_shared>>)
      tpu.yield
    }) : () -> ()
    "tpu.region"() ({
      %run_scoped3A = tpu.sem_alloc : memref<!tpu.dma_semaphore, #tpu.memory_space<semaphore_mem>>
      tpu.enqueue_dma source(%arg7 : memref<128x8xf32, #tpu.memory_space<hbm>>) target(%arg13 : memref<128x8xf32, #tpu.memory_space<vmem>>) target_semaphore(%run_scoped3A : memref<!tpu.dma_semaphore, #tpu.memory_space<semaphore_mem>>)
      tpu.wait_dma2 semaphore(%run_scoped3A : memref<!tpu.dma_semaphore, #tpu.memory_space<semaphore_mem>>) src(%arg7 : memref<128x8xf32, #tpu.memory_space<hbm>>) dst(%arg13 : memref<128x8xf32, #tpu.memory_space<vmem>>)
      tpu.yield
    }) : () -> ()
    %barrier3A = arith.constant 0 : index
    tpu.barrier barrier_id(%barrier3A)
    %dma_start3A = arith.constant 0 : i32
    %dma_start3A_9 = arith.constant 0 : i32
    %dma_start3A_10 = arith.constant 0 : i32
    %dma_start3A_11 = arith.constant 0 : i32
    %dma_start3A_12 = arith.constant 0 : i32
    %dma_start3A_13 = tpu.memref_slice %arg12[%dma_start3A_9, %dma_start3A_10, %dma_start3A_11, %dma_start3A_12] : memref<2x4x128x32xf32, #tpu.memory_space<vmem>> -> memref<1x1x128x32xf32, #tpu.memory_space<vmem>>
    %dma_start3A_14 = tpu.memref_squeeze %dma_start3A_13 : memref<1x1x128x32xf32, #tpu.memory_space<vmem>> -> memref<128x32xf32, #tpu.memory_space<vmem>>
    %dma_start3A_15 = arith.constant 0 : i32
    %dma_start3A_16 = tpu.memref_slice %arg10[%dma_start3A, %dma_start3A_15] : memref<80x128xi32, #tpu.memory_space<vmem>> -> memref<1x128xi32, #tpu.memory_space<vmem>>
    %dma_start3A_17 = tpu.memref_squeeze %dma_start3A_16 : memref<1x128xi32, #tpu.memory_space<vmem>> -> memref<128xi32, #tpu.memory_space<vmem>>
    %dma_start3A_18 = arith.constant 0 : i32
    %dma_start3A_19 = arith.constant 0 : i32
    %dma_start3A_20 = tpu.memref_slice %arg16[%dma_start3A_18, %dma_start3A_19] : memref<10240x32xf32, #tpu.memory_space<vmem_shared>> -> memref<10240x32xf32, #tpu.memory_space<vmem_shared>>
    tpu.enqueue_indirect_dma source(%dma_start3A_20 : memref<10240x32xf32, #tpu.memory_space<vmem_shared>>) target(%dma_start3A_14 : memref<128x32xf32, #tpu.memory_space<vmem>>) offsets(%dma_start3A_17 : memref<128xi32, #tpu.memory_space<vmem>>) semaphore(%arg17 : memref<!tpu.dma_semaphore, #tpu.memory_space<semaphore_mem>>)
    %dma_start3A_21 = arith.constant 1 : i32
    %dma_start3A_22 = arith.constant 0 : i32
    %dma_start3A_23 = arith.constant 1 : i32
    %dma_start3A_24 = arith.constant 0 : i32
    %dma_start3A_25 = arith.constant 0 : i32
    %dma_start3A_26 = tpu.memref_slice %arg12[%dma_start3A_22, %dma_start3A_23, %dma_start3A_24, %dma_start3A_25] : memref<2x4x128x32xf32, #tpu.memory_space<vmem>> -> memref<1x1x128x32xf32, #tpu.memory_space<vmem>>
    %dma_start3A_27 = tpu.memref_squeeze %dma_start3A_26 : memref<1x1x128x32xf32, #tpu.memory_space<vmem>> -> memref<128x32xf32, #tpu.memory_space<vmem>>
    %dma_start3A_28 = arith.constant 0 : i32
    %dma_start3A_29 = tpu.memref_slice %arg10[%dma_start3A_21, %dma_start3A_28] : memref<80x128xi32, #tpu.memory_space<vmem>> -> memref<1x128xi32, #tpu.memory_space<vmem>>
    %dma_start3A_30 = tpu.memref_squeeze %dma_start3A_29 : memref<1x128xi32, #tpu.memory_space<vmem>> -> memref<128xi32, #tpu.memory_space<vmem>>
    %dma_start3A_31 = arith.constant 0 : i32
    %dma_start3A_32 = arith.constant 0 : i32
    %dma_start3A_33 = tpu.memref_slice %arg16[%dma_start3A_31, %dma_start3A_32] : memref<10240x32xf32, #tpu.memory_space<vmem_shared>> -> memref<10240x32xf32, #tpu.memory_space<vmem_shared>>
    tpu.enqueue_indirect_dma source(%dma_start3A_33 : memref<10240x32xf32, #tpu.memory_space<vmem_shared>>) target(%dma_start3A_27 : memref<128x32xf32, #tpu.memory_space<vmem>>) offsets(%dma_start3A_30 : memref<128xi32, #tpu.memory_space<vmem>>) semaphore(%arg17 : memref<!tpu.dma_semaphore, #tpu.memory_space<semaphore_mem>>)
    %dma_start3A_34 = arith.constant 2 : i32
    %dma_start3A_35 = arith.constant 0 : i32
    %dma_start3A_36 = arith.constant 2 : i32
    %dma_start3A_37 = arith.constant 0 : i32
    %dma_start3A_38 = arith.constant 0 : i32
    %dma_start3A_39 = tpu.memref_slice %arg12[%dma_start3A_35, %dma_start3A_36, %dma_start3A_37, %dma_start3A_38] : memref<2x4x128x32xf32, #tpu.memory_space<vmem>> -> memref<1x1x128x32xf32, #tpu.memory_space<vmem>>
    %dma_start3A_40 = tpu.memref_squeeze %dma_start3A_39 : memref<1x1x128x32xf32, #tpu.memory_space<vmem>> -> memref<128x32xf32, #tpu.memory_space<vmem>>
    %dma_start3A_41 = arith.constant 0 : i32
    %dma_start3A_42 = tpu.memref_slice %arg10[%dma_start3A_34, %dma_start3A_41] : memref<80x128xi32, #tpu.memory_space<vmem>> -> memref<1x128xi32, #tpu.memory_space<vmem>>
    %dma_start3A_43 = tpu.memref_squeeze %dma_start3A_42 : memref<1x128xi32, #tpu.memory_space<vmem>> -> memref<128xi32, #tpu.memory_space<vmem>>
    %dma_start3A_44 = arith.constant 0 : i32
    %dma_start3A_45 = arith.constant 0 : i32
    %dma_start3A_46 = tpu.memref_slice %arg16[%dma_start3A_44, %dma_start3A_45] : memref<10240x32xf32, #tpu.memory_space<vmem_shared>> -> memref<10240x32xf32, #tpu.memory_space<vmem_shared>>
    tpu.enqueue_indirect_dma source(%dma_start3A_46 : memref<10240x32xf32, #tpu.memory_space<vmem_shared>>) target(%dma_start3A_40 : memref<128x32xf32, #tpu.memory_space<vmem>>) offsets(%dma_start3A_43 : memref<128xi32, #tpu.memory_space<vmem>>) semaphore(%arg17 : memref<!tpu.dma_semaphore, #tpu.memory_space<semaphore_mem>>)
    %dma_start3A_47 = arith.constant 3 : i32
    %dma_start3A_48 = arith.constant 0 : i32
    %dma_start3A_49 = arith.constant 3 : i32
    %dma_start3A_50 = arith.constant 0 : i32
    %dma_start3A_51 = arith.constant 0 : i32
    %dma_start3A_52 = tpu.memref_slice %arg12[%dma_start3A_48, %dma_start3A_49, %dma_start3A_50, %dma_start3A_51] : memref<2x4x128x32xf32, #tpu.memory_space<vmem>> -> memref<1x1x128x32xf32, #tpu.memory_space<vmem>>
    %dma_start3A_53 = tpu.memref_squeeze %dma_start3A_52 : memref<1x1x128x32xf32, #tpu.memory_space<vmem>> -> memref<128x32xf32, #tpu.memory_space<vmem>>
    %dma_start3A_54 = arith.constant 0 : i32
    %dma_start3A_55 = tpu.memref_slice %arg10[%dma_start3A_47, %dma_start3A_54] : memref<80x128xi32, #tpu.memory_space<vmem>> -> memref<1x128xi32, #tpu.memory_space<vmem>>
    %dma_start3A_56 = tpu.memref_squeeze %dma_start3A_55 : memref<1x128xi32, #tpu.memory_space<vmem>> -> memref<128xi32, #tpu.memory_space<vmem>>
    %dma_start3A_57 = arith.constant 0 : i32
    %dma_start3A_58 = arith.constant 0 : i32
    %dma_start3A_59 = tpu.memref_slice %arg16[%dma_start3A_57, %dma_start3A_58] : memref<10240x32xf32, #tpu.memory_space<vmem_shared>> -> memref<10240x32xf32, #tpu.memory_space<vmem_shared>>
    tpu.enqueue_indirect_dma source(%dma_start3A_59 : memref<10240x32xf32, #tpu.memory_space<vmem_shared>>) target(%dma_start3A_53 : memref<128x32xf32, #tpu.memory_space<vmem>>) offsets(%dma_start3A_56 : memref<128xi32, #tpu.memory_space<vmem>>) semaphore(%arg17 : memref<!tpu.dma_semaphore, #tpu.memory_space<semaphore_mem>>)
    %scan3A = arith.constant 0 : i32
    %scan3A_60 = arith.constant 0 : i32
    %scan3A_61 = arith.constant 10 : i32
    %scan3A_62 = arith.addi %scan3A_60, %scan3A_61 : i32
    %scan3A_63 = arith.constant 1 : i32
    scf.for %scan3A_68 = %scan3A_60 to %scan3A_62 step %scan3A_63  : i32 {
      %mul3A_69 = arith.constant 2 : i32
      %mul3A_70 = arith.muli %mul3A_69, %scan3A_68 : i32
      %mul3A_71 = arith.constant 2 : i32
      %mul3A_72 = arith.muli %mul3A_71, %scan3A_68 : i32
      %add3A_73 = arith.constant 1 : i32
      %add3A_74 = arith.addi %mul3A_72, %add3A_73 : i32
      %dma_wait3A = arith.constant 0 : i32
      %dma_wait3A_75 = arith.constant 0 : i32
      %dma_wait3A_76 = arith.constant 0 : i32
      %dma_wait3A_77 = arith.constant 0 : i32
      %dma_wait3A_78 = arith.constant 0 : i32
      %dma_wait3A_79 = tpu.memref_slice %arg12[%dma_wait3A_75, %dma_wait3A_76, %dma_wait3A_77, %dma_wait3A_78] : memref<2x4x128x32xf32, #tpu.memory_space<vmem>> -> memref<1x1x128x32xf32, #tpu.memory_space<vmem>>
      %dma_wait3A_80 = tpu.memref_squeeze %dma_wait3A_79 : memref<1x1x128x32xf32, #tpu.memory_space<vmem>> -> memref<128x32xf32, #tpu.memory_space<vmem>>
      %dma_wait3A_81 = arith.constant 0 : i32
      %dma_wait3A_82 = tpu.memref_slice %arg10[%dma_wait3A, %dma_wait3A_81] : memref<80x128xi32, #tpu.memory_space<vmem>> -> memref<1x128xi32, #tpu.memory_space<vmem>>
      %dma_wait3A_83 = tpu.memref_squeeze %dma_wait3A_82 : memref<1x128xi32, #tpu.memory_space<vmem>> -> memref<128xi32, #tpu.memory_space<vmem>>
      %dma_wait3A_84 = arith.constant 0 : i32
      %dma_wait3A_85 = arith.constant 0 : i32
      %dma_wait3A_86 = tpu.memref_slice %arg16[%dma_wait3A_84, %dma_wait3A_85] : memref<10240x32xf32, #tpu.memory_space<vmem_shared>> -> memref<10240x32xf32, #tpu.memory_space<vmem_shared>>
      tpu.wait_indirect_dma semaphore(%arg17 : memref<!tpu.dma_semaphore, #tpu.memory_space<semaphore_mem>>) src(%dma_wait3A_86 : memref<10240x32xf32, #tpu.memory_space<vmem_shared>>) dst(%dma_wait3A_80 : memref<128x32xf32, #tpu.memory_space<vmem>>)
      %dma_wait3A_87 = arith.constant 1 : i32
      %dma_wait3A_88 = arith.constant 0 : i32
      %dma_wait3A_89 = arith.constant 1 : i32
      %dma_wait3A_90 = arith.constant 0 : i32
      %dma_wait3A_91 = arith.constant 0 : i32
      %dma_wait3A_92 = tpu.memref_slice %arg12[%dma_wait3A_88, %dma_wait3A_89, %dma_wait3A_90, %dma_wait3A_91] : memref<2x4x128x32xf32, #tpu.memory_space<vmem>> -> memref<1x1x128x32xf32, #tpu.memory_space<vmem>>
      %dma_wait3A_93 = tpu.memref_squeeze %dma_wait3A_92 : memref<1x1x128x32xf32, #tpu.memory_space<vmem>> -> memref<128x32xf32, #tpu.memory_space<vmem>>
      %dma_wait3A_94 = arith.constant 0 : i32
      %dma_wait3A_95 = tpu.memref_slice %arg10[%dma_wait3A_87, %dma_wait3A_94] : memref<80x128xi32, #tpu.memory_space<vmem>> -> memref<1x128xi32, #tpu.memory_space<vmem>>
      %dma_wait3A_96 = tpu.memref_squeeze %dma_wait3A_95 : memref<1x128xi32, #tpu.memory_space<vmem>> -> memref<128xi32, #tpu.memory_space<vmem>>
      %dma_wait3A_97 = arith.constant 0 : i32
      %dma_wait3A_98 = arith.constant 0 : i32
      %dma_wait3A_99 = tpu.memref_slice %arg16[%dma_wait3A_97, %dma_wait3A_98] : memref<10240x32xf32, #tpu.memory_space<vmem_shared>> -> memref<10240x32xf32, #tpu.memory_space<vmem_shared>>
      tpu.wait_indirect_dma semaphore(%arg17 : memref<!tpu.dma_semaphore, #tpu.memory_space<semaphore_mem>>) src(%dma_wait3A_99 : memref<10240x32xf32, #tpu.memory_space<vmem_shared>>) dst(%dma_wait3A_93 : memref<128x32xf32, #tpu.memory_space<vmem>>)
      %dma_wait3A_100 = arith.constant 2 : i32
      %dma_wait3A_101 = arith.constant 0 : i32
      %dma_wait3A_102 = arith.constant 2 : i32
      %dma_wait3A_103 = arith.constant 0 : i32
      %dma_wait3A_104 = arith.constant 0 : i32
      %dma_wait3A_105 = tpu.memref_slice %arg12[%dma_wait3A_101, %dma_wait3A_102, %dma_wait3A_103, %dma_wait3A_104] : memref<2x4x128x32xf32, #tpu.memory_space<vmem>> -> memref<1x1x128x32xf32, #tpu.memory_space<vmem>>
      %dma_wait3A_106 = tpu.memref_squeeze %dma_wait3A_105 : memref<1x1x128x32xf32, #tpu.memory_space<vmem>> -> memref<128x32xf32, #tpu.memory_space<vmem>>
      %dma_wait3A_107 = arith.constant 0 : i32
      %dma_wait3A_108 = tpu.memref_slice %arg10[%dma_wait3A_100, %dma_wait3A_107] : memref<80x128xi32, #tpu.memory_space<vmem>> -> memref<1x128xi32, #tpu.memory_space<vmem>>
      %dma_wait3A_109 = tpu.memref_squeeze %dma_wait3A_108 : memref<1x128xi32, #tpu.memory_space<vmem>> -> memref<128xi32, #tpu.memory_space<vmem>>
      %dma_wait3A_110 = arith.constant 0 : i32
      %dma_wait3A_111 = arith.constant 0 : i32
      %dma_wait3A_112 = tpu.memref_slice %arg16[%dma_wait3A_110, %dma_wait3A_111] : memref<10240x32xf32, #tpu.memory_space<vmem_shared>> -> memref<10240x32xf32, #tpu.memory_space<vmem_shared>>
      tpu.wait_indirect_dma semaphore(%arg17 : memref<!tpu.dma_semaphore, #tpu.memory_space<semaphore_mem>>) src(%dma_wait3A_112 : memref<10240x32xf32, #tpu.memory_space<vmem_shared>>) dst(%dma_wait3A_106 : memref<128x32xf32, #tpu.memory_space<vmem>>)
      %dma_wait3A_113 = arith.constant 3 : i32
      %dma_wait3A_114 = arith.constant 0 : i32
      %dma_wait3A_115 = arith.constant 3 : i32
      %dma_wait3A_116 = arith.constant 0 : i32
      %dma_wait3A_117 = arith.constant 0 : i32
      %dma_wait3A_118 = tpu.memref_slice %arg12[%dma_wait3A_114, %dma_wait3A_115, %dma_wait3A_116, %dma_wait3A_117] : memref<2x4x128x32xf32, #tpu.memory_space<vmem>> -> memref<1x1x128x32xf32, #tpu.memory_space<vmem>>
      %dma_wait3A_119 = tpu.memref_squeeze %dma_wait3A_118 : memref<1x1x128x32xf32, #tpu.memory_space<vmem>> -> memref<128x32xf32, #tpu.memory_space<vmem>>
      %dma_wait3A_120 = arith.constant 0 : i32
      %dma_wait3A_121 = tpu.memref_slice %arg10[%dma_wait3A_113, %dma_wait3A_120] : memref<80x128xi32, #tpu.memory_space<vmem>> -> memref<1x128xi32, #tpu.memory_space<vmem>>
      %dma_wait3A_122 = tpu.memref_squeeze %dma_wait3A_121 : memref<1x128xi32, #tpu.memory_space<vmem>> -> memref<128xi32, #tpu.memory_space<vmem>>
      %dma_wait3A_123 = arith.constant 0 : i32
      %dma_wait3A_124 = arith.constant 0 : i32
      %dma_wait3A_125 = tpu.memref_slice %arg16[%dma_wait3A_123, %dma_wait3A_124] : memref<10240x32xf32, #tpu.memory_space<vmem_shared>> -> memref<10240x32xf32, #tpu.memory_space<vmem_shared>>
      tpu.wait_indirect_dma semaphore(%arg17 : memref<!tpu.dma_semaphore, #tpu.memory_space<semaphore_mem>>) src(%dma_wait3A_125 : memref<10240x32xf32, #tpu.memory_space<vmem_shared>>) dst(%dma_wait3A_119 : memref<128x32xf32, #tpu.memory_space<vmem>>)
      %mul3A_126 = arith.constant 4 : i32
      %mul3A_127 = arith.muli %add3A_74, %mul3A_126 : i32
      %add3A_128 = arith.constant 0 : i32
      %add3A_129 = arith.addi %mul3A_127, %add3A_128 : i32
      %dma_start3A_130 = arith.constant 1 : i32
      %dma_start3A_131 = arith.constant 0 : i32
      %dma_start3A_132 = arith.constant 0 : i32
      %dma_start3A_133 = arith.constant 0 : i32
      %dma_start3A_134 = tpu.memref_slice %arg12[%dma_start3A_130, %dma_start3A_131, %dma_start3A_132, %dma_start3A_133] : memref<2x4x128x32xf32, #tpu.memory_space<vmem>> -> memref<1x1x128x32xf32, #tpu.memory_space<vmem>>
      %dma_start3A_135 = tpu.memref_squeeze %dma_start3A_134 : memref<1x1x128x32xf32, #tpu.memory_space<vmem>> -> memref<128x32xf32, #tpu.memory_space<vmem>>
      %dma_start3A_136 = arith.constant 0 : i32
      %dma_start3A_137 = tpu.memref_slice %arg10[%add3A_129, %dma_start3A_136] : memref<80x128xi32, #tpu.memory_space<vmem>> -> memref<1x128xi32, #tpu.memory_space<vmem>>
      %dma_start3A_138 = tpu.memref_squeeze %dma_start3A_137 : memref<1x128xi32, #tpu.memory_space<vmem>> -> memref<128xi32, #tpu.memory_space<vmem>>
      %dma_start3A_139 = arith.constant 0 : i32
      %dma_start3A_140 = arith.constant 0 : i32
      %dma_start3A_141 = tpu.memref_slice %arg16[%dma_start3A_139, %dma_start3A_140] : memref<10240x32xf32, #tpu.memory_space<vmem_shared>> -> memref<10240x32xf32, #tpu.memory_space<vmem_shared>>
      tpu.enqueue_indirect_dma source(%dma_start3A_141 : memref<10240x32xf32, #tpu.memory_space<vmem_shared>>) target(%dma_start3A_135 : memref<128x32xf32, #tpu.memory_space<vmem>>) offsets(%dma_start3A_138 : memref<128xi32, #tpu.memory_space<vmem>>) semaphore(%arg18 : memref<!tpu.dma_semaphore, #tpu.memory_space<semaphore_mem>>)
      %mul3A_142 = arith.constant 4 : i32
      %mul3A_143 = arith.muli %add3A_74, %mul3A_142 : i32
      %add3A_144 = arith.constant 1 : i32
      %add3A_145 = arith.addi %mul3A_143, %add3A_144 : i32
      %dma_start3A_146 = arith.constant 1 : i32
      %dma_start3A_147 = arith.constant 1 : i32
      %dma_start3A_148 = arith.constant 0 : i32
      %dma_start3A_149 = arith.constant 0 : i32
      %dma_start3A_150 = tpu.memref_slice %arg12[%dma_start3A_146, %dma_start3A_147, %dma_start3A_148, %dma_start3A_149] : memref<2x4x128x32xf32, #tpu.memory_space<vmem>> -> memref<1x1x128x32xf32, #tpu.memory_space<vmem>>
      %dma_start3A_151 = tpu.memref_squeeze %dma_start3A_150 : memref<1x1x128x32xf32, #tpu.memory_space<vmem>> -> memref<128x32xf32, #tpu.memory_space<vmem>>
      %dma_start3A_152 = arith.constant 0 : i32
      %dma_start3A_153 = tpu.memref_slice %arg10[%add3A_145, %dma_start3A_152] : memref<80x128xi32, #tpu.memory_space<vmem>> -> memref<1x128xi32, #tpu.memory_space<vmem>>
      %dma_start3A_154 = tpu.memref_squeeze %dma_start3A_153 : memref<1x128xi32, #tpu.memory_space<vmem>> -> memref<128xi32, #tpu.memory_space<vmem>>
      %dma_start3A_155 = arith.constant 0 : i32
      %dma_start3A_156 = arith.constant 0 : i32
      %dma_start3A_157 = tpu.memref_slice %arg16[%dma_start3A_155, %dma_start3A_156] : memref<10240x32xf32, #tpu.memory_space<vmem_shared>> -> memref<10240x32xf32, #tpu.memory_space<vmem_shared>>
      tpu.enqueue_indirect_dma source(%dma_start3A_157 : memref<10240x32xf32, #tpu.memory_space<vmem_shared>>) target(%dma_start3A_151 : memref<128x32xf32, #tpu.memory_space<vmem>>) offsets(%dma_start3A_154 : memref<128xi32, #tpu.memory_space<vmem>>) semaphore(%arg18 : memref<!tpu.dma_semaphore, #tpu.memory_space<semaphore_mem>>)
      %mul3A_158 = arith.constant 4 : i32
      %mul3A_159 = arith.muli %add3A_74, %mul3A_158 : i32
      %add3A_160 = arith.constant 2 : i32
      %add3A_161 = arith.addi %mul3A_159, %add3A_160 : i32
      %dma_start3A_162 = arith.constant 1 : i32
      %dma_start3A_163 = arith.constant 2 : i32
      %dma_start3A_164 = arith.constant 0 : i32
      %dma_start3A_165 = arith.constant 0 : i32
      %dma_start3A_166 = tpu.memref_slice %arg12[%dma_start3A_162, %dma_start3A_163, %dma_start3A_164, %dma_start3A_165] : memref<2x4x128x32xf32, #tpu.memory_space<vmem>> -> memref<1x1x128x32xf32, #tpu.memory_space<vmem>>
      %dma_start3A_167 = tpu.memref_squeeze %dma_start3A_166 : memref<1x1x128x32xf32, #tpu.memory_space<vmem>> -> memref<128x32xf32, #tpu.memory_space<vmem>>
      %dma_start3A_168 = arith.constant 0 : i32
      %dma_start3A_169 = tpu.memref_slice %arg10[%add3A_161, %dma_start3A_168] : memref<80x128xi32, #tpu.memory_space<vmem>> -> memref<1x128xi32, #tpu.memory_space<vmem>>
      %dma_start3A_170 = tpu.memref_squeeze %dma_start3A_169 : memref<1x128xi32, #tpu.memory_space<vmem>> -> memref<128xi32, #tpu.memory_space<vmem>>
      %dma_start3A_171 = arith.constant 0 : i32
      %dma_start3A_172 = arith.constant 0 : i32
      %dma_start3A_173 = tpu.memref_slice %arg16[%dma_start3A_171, %dma_start3A_172] : memref<10240x32xf32, #tpu.memory_space<vmem_shared>> -> memref<10240x32xf32, #tpu.memory_space<vmem_shared>>
      tpu.enqueue_indirect_dma source(%dma_start3A_173 : memref<10240x32xf32, #tpu.memory_space<vmem_shared>>) target(%dma_start3A_167 : memref<128x32xf32, #tpu.memory_space<vmem>>) offsets(%dma_start3A_170 : memref<128xi32, #tpu.memory_space<vmem>>) semaphore(%arg18 : memref<!tpu.dma_semaphore, #tpu.memory_space<semaphore_mem>>)
      %mul3A_174 = arith.constant 4 : i32
      %mul3A_175 = arith.muli %add3A_74, %mul3A_174 : i32
      %add3A_176 = arith.constant 3 : i32
      %add3A_177 = arith.addi %mul3A_175, %add3A_176 : i32
      %dma_start3A_178 = arith.constant 1 : i32
      %dma_start3A_179 = arith.constant 3 : i32
      %dma_start3A_180 = arith.constant 0 : i32
      %dma_start3A_181 = arith.constant 0 : i32
      %dma_start3A_182 = tpu.memref_slice %arg12[%dma_start3A_178, %dma_start3A_179, %dma_start3A_180, %dma_start3A_181] : memref<2x4x128x32xf32, #tpu.memory_space<vmem>> -> memref<1x1x128x32xf32, #tpu.memory_space<vmem>>
      %dma_start3A_183 = tpu.memref_squeeze %dma_start3A_182 : memref<1x1x128x32xf32, #tpu.memory_space<vmem>> -> memref<128x32xf32, #tpu.memory_space<vmem>>
      %dma_start3A_184 = arith.constant 0 : i32
      %dma_start3A_185 = tpu.memref_slice %arg10[%add3A_177, %dma_start3A_184] : memref<80x128xi32, #tpu.memory_space<vmem>> -> memref<1x128xi32, #tpu.memory_space<vmem>>
      %dma_start3A_186 = tpu.memref_squeeze %dma_start3A_185 : memref<1x128xi32, #tpu.memory_space<vmem>> -> memref<128xi32, #tpu.memory_space<vmem>>
      %dma_start3A_187 = arith.constant 0 : i32
      %dma_start3A_188 = arith.constant 0 : i32
      %dma_start3A_189 = tpu.memref_slice %arg16[%dma_start3A_187, %dma_start3A_188] : memref<10240x32xf32, #tpu.memory_space<vmem_shared>> -> memref<10240x32xf32, #tpu.memory_space<vmem_shared>>
      tpu.enqueue_indirect_dma source(%dma_start3A_189 : memref<10240x32xf32, #tpu.memory_space<vmem_shared>>) target(%dma_start3A_183 : memref<128x32xf32, #tpu.memory_space<vmem>>) offsets(%dma_start3A_186 : memref<128xi32, #tpu.memory_space<vmem>>) semaphore(%arg18 : memref<!tpu.dma_semaphore, #tpu.memory_space<semaphore_mem>>)
      %mul3A_190 = arith.constant 4 : i32
      %mul3A_191 = arith.muli %mul3A_70, %mul3A_190 : i32
      %add3A_192 = arith.constant 0 : i32
      %add3A_193 = arith.addi %mul3A_191, %add3A_192 : i32
      %dma_start3A_194 = arith.constant 0 : i32
      %dma_start3A_195 = arith.constant 0 : i32
      %dma_start3A_196 = arith.constant 0 : i32
      %dma_start3A_197 = arith.constant 0 : i32
      %dma_start3A_198 = tpu.memref_slice %arg12[%dma_start3A_194, %dma_start3A_195, %dma_start3A_196, %dma_start3A_197] : memref<2x4x128x32xf32, #tpu.memory_space<vmem>> -> memref<1x1x128x32xf32, #tpu.memory_space<vmem>>
      %dma_start3A_199 = tpu.memref_squeeze %dma_start3A_198 : memref<1x1x128x32xf32, #tpu.memory_space<vmem>> -> memref<128x32xf32, #tpu.memory_space<vmem>>
      %dma_start3A_200 = arith.constant 0 : i32
      %dma_start3A_201 = tpu.memref_slice %arg11[%add3A_193, %dma_start3A_200] : memref<80x128xi32, #tpu.memory_space<vmem>> -> memref<1x128xi32, #tpu.memory_space<vmem>>
      %dma_start3A_202 = tpu.memref_squeeze %dma_start3A_201 : memref<1x128xi32, #tpu.memory_space<vmem>> -> memref<128xi32, #tpu.memory_space<vmem>>
      %dma_start3A_203 = arith.constant 0 : i32
      %dma_start3A_204 = arith.constant 0 : i32
      %dma_start3A_205 = tpu.memref_slice %arg14[%dma_start3A_203, %dma_start3A_204] : memref<10240x32xf32, #tpu.memory_space<vmem_shared>> -> memref<10240x32xf32, #tpu.memory_space<vmem_shared>>
      tpu.enqueue_indirect_dma source(%dma_start3A_199 : memref<128x32xf32, #tpu.memory_space<vmem>>) target(%dma_start3A_205 : memref<10240x32xf32, #tpu.memory_space<vmem_shared>>) offsets(%dma_start3A_202 : memref<128xi32, #tpu.memory_space<vmem>>) semaphore(%arg19 : memref<!tpu.dma_semaphore, #tpu.memory_space<semaphore_mem>>) {add = true}
      %dma_start3A_206 = arith.constant 0 : i32
      %dma_start3A_207 = tpu.memref_slice %arg11[%add3A_193, %dma_start3A_206] : memref<80x128xi32, #tpu.memory_space<vmem>> -> memref<1x128xi32, #tpu.memory_space<vmem>>
      %dma_start3A_208 = tpu.memref_squeeze %dma_start3A_207 : memref<1x128xi32, #tpu.memory_space<vmem>> -> memref<128xi32, #tpu.memory_space<vmem>>
      %dma_start3A_209 = arith.constant 0 : i32
      %dma_start3A_210 = arith.constant 0 : i32
      %dma_start3A_211 = tpu.memref_slice %arg15[%dma_start3A_209, %dma_start3A_210] : memref<10240x8xf32, #tpu.memory_space<vmem_shared>> -> memref<10240x8xf32, #tpu.memory_space<vmem_shared>>
      tpu.enqueue_indirect_dma source(%arg13 : memref<128x8xf32, #tpu.memory_space<vmem>>) target(%dma_start3A_211 : memref<10240x8xf32, #tpu.memory_space<vmem_shared>>) offsets(%dma_start3A_208 : memref<128xi32, #tpu.memory_space<vmem>>) semaphore(%arg19 : memref<!tpu.dma_semaphore, #tpu.memory_space<semaphore_mem>>) {add = true}
      %mul3A_212 = arith.constant 4 : i32
      %mul3A_213 = arith.muli %mul3A_70, %mul3A_212 : i32
      %add3A_214 = arith.constant 1 : i32
      %add3A_215 = arith.addi %mul3A_213, %add3A_214 : i32
      %dma_start3A_216 = arith.constant 0 : i32
      %dma_start3A_217 = arith.constant 1 : i32
      %dma_start3A_218 = arith.constant 0 : i32
      %dma_start3A_219 = arith.constant 0 : i32
      %dma_start3A_220 = tpu.memref_slice %arg12[%dma_start3A_216, %dma_start3A_217, %dma_start3A_218, %dma_start3A_219] : memref<2x4x128x32xf32, #tpu.memory_space<vmem>> -> memref<1x1x128x32xf32, #tpu.memory_space<vmem>>
      %dma_start3A_221 = tpu.memref_squeeze %dma_start3A_220 : memref<1x1x128x32xf32, #tpu.memory_space<vmem>> -> memref<128x32xf32, #tpu.memory_space<vmem>>
      %dma_start3A_222 = arith.constant 0 : i32
      %dma_start3A_223 = tpu.memref_slice %arg11[%add3A_215, %dma_start3A_222] : memref<80x128xi32, #tpu.memory_space<vmem>> -> memref<1x128xi32, #tpu.memory_space<vmem>>
      %dma_start3A_224 = tpu.memref_squeeze %dma_start3A_223 : memref<1x128xi32, #tpu.memory_space<vmem>> -> memref<128xi32, #tpu.memory_space<vmem>>
      %dma_start3A_225 = arith.constant 0 : i32
      %dma_start3A_226 = arith.constant 0 : i32
      %dma_start3A_227 = tpu.memref_slice %arg14[%dma_start3A_225, %dma_start3A_226] : memref<10240x32xf32, #tpu.memory_space<vmem_shared>> -> memref<10240x32xf32, #tpu.memory_space<vmem_shared>>
      tpu.enqueue_indirect_dma source(%dma_start3A_221 : memref<128x32xf32, #tpu.memory_space<vmem>>) target(%dma_start3A_227 : memref<10240x32xf32, #tpu.memory_space<vmem_shared>>) offsets(%dma_start3A_224 : memref<128xi32, #tpu.memory_space<vmem>>) semaphore(%arg19 : memref<!tpu.dma_semaphore, #tpu.memory_space<semaphore_mem>>) {add = true}
      %dma_start3A_228 = arith.constant 0 : i32
      %dma_start3A_229 = tpu.memref_slice %arg11[%add3A_215, %dma_start3A_228] : memref<80x128xi32, #tpu.memory_space<vmem>> -> memref<1x128xi32, #tpu.memory_space<vmem>>
      %dma_start3A_230 = tpu.memref_squeeze %dma_start3A_229 : memref<1x128xi32, #tpu.memory_space<vmem>> -> memref<128xi32, #tpu.memory_space<vmem>>
      %dma_start3A_231 = arith.constant 0 : i32
      %dma_start3A_232 = arith.constant 0 : i32
      %dma_start3A_233 = tpu.memref_slice %arg15[%dma_start3A_231, %dma_start3A_232] : memref<10240x8xf32, #tpu.memory_space<vmem_shared>> -> memref<10240x8xf32, #tpu.memory_space<vmem_shared>>
      tpu.enqueue_indirect_dma source(%arg13 : memref<128x8xf32, #tpu.memory_space<vmem>>) target(%dma_start3A_233 : memref<10240x8xf32, #tpu.memory_space<vmem_shared>>) offsets(%dma_start3A_230 : memref<128xi32, #tpu.memory_space<vmem>>) semaphore(%arg19 : memref<!tpu.dma_semaphore, #tpu.memory_space<semaphore_mem>>) {add = true}
      %mul3A_234 = arith.constant 4 : i32
      %mul3A_235 = arith.muli %mul3A_70, %mul3A_234 : i32
      %add3A_236 = arith.constant 2 : i32
      %add3A_237 = arith.addi %mul3A_235, %add3A_236 : i32
      %dma_start3A_238 = arith.constant 0 : i32
      %dma_start3A_239 = arith.constant 2 : i32
      %dma_start3A_240 = arith.constant 0 : i32
      %dma_start3A_241 = arith.constant 0 : i32
      %dma_start3A_242 = tpu.memref_slice %arg12[%dma_start3A_238, %dma_start3A_239, %dma_start3A_240, %dma_start3A_241] : memref<2x4x128x32xf32, #tpu.memory_space<vmem>> -> memref<1x1x128x32xf32, #tpu.memory_space<vmem>>
      %dma_start3A_243 = tpu.memref_squeeze %dma_start3A_242 : memref<1x1x128x32xf32, #tpu.memory_space<vmem>> -> memref<128x32xf32, #tpu.memory_space<vmem>>
      %dma_start3A_244 = arith.constant 0 : i32
      %dma_start3A_245 = tpu.memref_slice %arg11[%add3A_237, %dma_start3A_244] : memref<80x128xi32, #tpu.memory_space<vmem>> -> memref<1x128xi32, #tpu.memory_space<vmem>>
      %dma_start3A_246 = tpu.memref_squeeze %dma_start3A_245 : memref<1x128xi32, #tpu.memory_space<vmem>> -> memref<128xi32, #tpu.memory_space<vmem>>
      %dma_start3A_247 = arith.constant 0 : i32
      %dma_start3A_248 = arith.constant 0 : i32
      %dma_start3A_249 = tpu.memref_slice %arg14[%dma_start3A_247, %dma_start3A_248] : memref<10240x32xf32, #tpu.memory_space<vmem_shared>> -> memref<10240x32xf32, #tpu.memory_space<vmem_shared>>
      tpu.enqueue_indirect_dma source(%dma_start3A_243 : memref<128x32xf32, #tpu.memory_space<vmem>>) target(%dma_start3A_249 : memref<10240x32xf32, #tpu.memory_space<vmem_shared>>) offsets(%dma_start3A_246 : memref<128xi32, #tpu.memory_space<vmem>>) semaphore(%arg19 : memref<!tpu.dma_semaphore, #tpu.memory_space<semaphore_mem>>) {add = true}
      %dma_start3A_250 = arith.constant 0 : i32
      %dma_start3A_251 = tpu.memref_slice %arg11[%add3A_237, %dma_start3A_250] : memref<80x128xi32, #tpu.memory_space<vmem>> -> memref<1x128xi32, #tpu.memory_space<vmem>>
      %dma_start3A_252 = tpu.memref_squeeze %dma_start3A_251 : memref<1x128xi32, #tpu.memory_space<vmem>> -> memref<128xi32, #tpu.memory_space<vmem>>
      %dma_start3A_253 = arith.constant 0 : i32
      %dma_start3A_254 = arith.constant 0 : i32
      %dma_start3A_255 = tpu.memref_slice %arg15[%dma_start3A_253, %dma_start3A_254] : memref<10240x8xf32, #tpu.memory_space<vmem_shared>> -> memref<10240x8xf32, #tpu.memory_space<vmem_shared>>
      tpu.enqueue_indirect_dma source(%arg13 : memref<128x8xf32, #tpu.memory_space<vmem>>) target(%dma_start3A_255 : memref<10240x8xf32, #tpu.memory_space<vmem_shared>>) offsets(%dma_start3A_252 : memref<128xi32, #tpu.memory_space<vmem>>) semaphore(%arg19 : memref<!tpu.dma_semaphore, #tpu.memory_space<semaphore_mem>>) {add = true}
      %mul3A_256 = arith.constant 4 : i32
      %mul3A_257 = arith.muli %mul3A_70, %mul3A_256 : i32
      %add3A_258 = arith.constant 3 : i32
      %add3A_259 = arith.addi %mul3A_257, %add3A_258 : i32
      %dma_start3A_260 = arith.constant 0 : i32
      %dma_start3A_261 = arith.constant 3 : i32
      %dma_start3A_262 = arith.constant 0 : i32
      %dma_start3A_263 = arith.constant 0 : i32
      %dma_start3A_264 = tpu.memref_slice %arg12[%dma_start3A_260, %dma_start3A_261, %dma_start3A_262, %dma_start3A_263] : memref<2x4x128x32xf32, #tpu.memory_space<vmem>> -> memref<1x1x128x32xf32, #tpu.memory_space<vmem>>
      %dma_start3A_265 = tpu.memref_squeeze %dma_start3A_264 : memref<1x1x128x32xf32, #tpu.memory_space<vmem>> -> memref<128x32xf32, #tpu.memory_space<vmem>>
      %dma_start3A_266 = arith.constant 0 : i32
      %dma_start3A_267 = tpu.memref_slice %arg11[%add3A_259, %dma_start3A_266] : memref<80x128xi32, #tpu.memory_space<vmem>> -> memref<1x128xi32, #tpu.memory_space<vmem>>
      %dma_start3A_268 = tpu.memref_squeeze %dma_start3A_267 : memref<1x128xi32, #tpu.memory_space<vmem>> -> memref<128xi32, #tpu.memory_space<vmem>>
      %dma_start3A_269 = arith.constant 0 : i32
      %dma_start3A_270 = arith.constant 0 : i32
      %dma_start3A_271 = tpu.memref_slice %arg14[%dma_start3A_269, %dma_start3A_270] : memref<10240x32xf32, #tpu.memory_space<vmem_shared>> -> memref<10240x32xf32, #tpu.memory_space<vmem_shared>>
      tpu.enqueue_indirect_dma source(%dma_start3A_265 : memref<128x32xf32, #tpu.memory_space<vmem>>) target(%dma_start3A_271 : memref<10240x32xf32, #tpu.memory_space<vmem_shared>>) offsets(%dma_start3A_268 : memref<128xi32, #tpu.memory_space<vmem>>) semaphore(%arg19 : memref<!tpu.dma_semaphore, #tpu.memory_space<semaphore_mem>>) {add = true}
      %dma_start3A_272 = arith.constant 0 : i32
      %dma_start3A_273 = tpu.memref_slice %arg11[%add3A_259, %dma_start3A_272] : memref<80x128xi32, #tpu.memory_space<vmem>> -> memref<1x128xi32, #tpu.memory_space<vmem>>
      %dma_start3A_274 = tpu.memref_squeeze %dma_start3A_273 : memref<1x128xi32, #tpu.memory_space<vmem>> -> memref<128xi32, #tpu.memory_space<vmem>>
      %dma_start3A_275 = arith.constant 0 : i32
      %dma_start3A_276 = arith.constant 0 : i32
      %dma_start3A_277 = tpu.memref_slice %arg15[%dma_start3A_275, %dma_start3A_276] : memref<10240x8xf32, #tpu.memory_space<vmem_shared>> -> memref<10240x8xf32, #tpu.memory_space<vmem_shared>>
      tpu.enqueue_indirect_dma source(%arg13 : memref<128x8xf32, #tpu.memory_space<vmem>>) target(%dma_start3A_277 : memref<10240x8xf32, #tpu.memory_space<vmem_shared>>) offsets(%dma_start3A_274 : memref<128xi32, #tpu.memory_space<vmem>>) semaphore(%arg19 : memref<!tpu.dma_semaphore, #tpu.memory_space<semaphore_mem>>) {add = true}
      %dma_wait3A_278 = arith.constant 0 : i32
      %dma_wait3A_279 = arith.constant 0 : i32
      %dma_wait3A_280 = arith.constant 0 : i32
      %dma_wait3A_281 = arith.constant 0 : i32
      %dma_wait3A_282 = tpu.memref_slice %arg12[%dma_wait3A_278, %dma_wait3A_279, %dma_wait3A_280, %dma_wait3A_281] : memref<2x4x128x32xf32, #tpu.memory_space<vmem>> -> memref<1x1x128x32xf32, #tpu.memory_space<vmem>>
      %dma_wait3A_283 = tpu.memref_squeeze %dma_wait3A_282 : memref<1x1x128x32xf32, #tpu.memory_space<vmem>> -> memref<128x32xf32, #tpu.memory_space<vmem>>
      %dma_wait3A_284 = arith.constant 0 : i32
      %dma_wait3A_285 = tpu.memref_slice %arg11[%add3A_193, %dma_wait3A_284] : memref<80x128xi32, #tpu.memory_space<vmem>> -> memref<1x128xi32, #tpu.memory_space<vmem>>
      %dma_wait3A_286 = tpu.memref_squeeze %dma_wait3A_285 : memref<1x128xi32, #tpu.memory_space<vmem>> -> memref<128xi32, #tpu.memory_space<vmem>>
      %dma_wait3A_287 = arith.constant 0 : i32
      %dma_wait3A_288 = arith.constant 0 : i32
      %dma_wait3A_289 = tpu.memref_slice %arg14[%dma_wait3A_287, %dma_wait3A_288] : memref<10240x32xf32, #tpu.memory_space<vmem_shared>> -> memref<10240x32xf32, #tpu.memory_space<vmem_shared>>
      tpu.wait_indirect_dma semaphore(%arg19 : memref<!tpu.dma_semaphore, #tpu.memory_space<semaphore_mem>>) src(%dma_wait3A_283 : memref<128x32xf32, #tpu.memory_space<vmem>>) dst(%dma_wait3A_289 : memref<10240x32xf32, #tpu.memory_space<vmem_shared>>)
      %dma_wait3A_290 = arith.constant 0 : i32
      %dma_wait3A_291 = tpu.memref_slice %arg11[%add3A_193, %dma_wait3A_290] : memref<80x128xi32, #tpu.memory_space<vmem>> -> memref<1x128xi32, #tpu.memory_space<vmem>>
      %dma_wait3A_292 = tpu.memref_squeeze %dma_wait3A_291 : memref<1x128xi32, #tpu.memory_space<vmem>> -> memref<128xi32, #tpu.memory_space<vmem>>
      %dma_wait3A_293 = arith.constant 0 : i32
      %dma_wait3A_294 = arith.constant 0 : i32
      %dma_wait3A_295 = tpu.memref_slice %arg15[%dma_wait3A_293, %dma_wait3A_294] : memref<10240x8xf32, #tpu.memory_space<vmem_shared>> -> memref<10240x8xf32, #tpu.memory_space<vmem_shared>>
      tpu.wait_indirect_dma semaphore(%arg19 : memref<!tpu.dma_semaphore, #tpu.memory_space<semaphore_mem>>) src(%arg13 : memref<128x8xf32, #tpu.memory_space<vmem>>) dst(%dma_wait3A_295 : memref<10240x8xf32, #tpu.memory_space<vmem_shared>>)
      %dma_wait3A_296 = arith.constant 0 : i32
      %dma_wait3A_297 = arith.constant 1 : i32
      %dma_wait3A_298 = arith.constant 0 : i32
      %dma_wait3A_299 = arith.constant 0 : i32
      %dma_wait3A_300 = tpu.memref_slice %arg12[%dma_wait3A_296, %dma_wait3A_297, %dma_wait3A_298, %dma_wait3A_299] : memref<2x4x128x32xf32, #tpu.memory_space<vmem>> -> memref<1x1x128x32xf32, #tpu.memory_space<vmem>>
      %dma_wait3A_301 = tpu.memref_squeeze %dma_wait3A_300 : memref<1x1x128x32xf32, #tpu.memory_space<vmem>> -> memref<128x32xf32, #tpu.memory_space<vmem>>
      %dma_wait3A_302 = arith.constant 0 : i32
      %dma_wait3A_303 = tpu.memref_slice %arg11[%add3A_215, %dma_wait3A_302] : memref<80x128xi32, #tpu.memory_space<vmem>> -> memref<1x128xi32, #tpu.memory_space<vmem>>
      %dma_wait3A_304 = tpu.memref_squeeze %dma_wait3A_303 : memref<1x128xi32, #tpu.memory_space<vmem>> -> memref<128xi32, #tpu.memory_space<vmem>>
      %dma_wait3A_305 = arith.constant 0 : i32
      %dma_wait3A_306 = arith.constant 0 : i32
      %dma_wait3A_307 = tpu.memref_slice %arg14[%dma_wait3A_305, %dma_wait3A_306] : memref<10240x32xf32, #tpu.memory_space<vmem_shared>> -> memref<10240x32xf32, #tpu.memory_space<vmem_shared>>
      tpu.wait_indirect_dma semaphore(%arg19 : memref<!tpu.dma_semaphore, #tpu.memory_space<semaphore_mem>>) src(%dma_wait3A_301 : memref<128x32xf32, #tpu.memory_space<vmem>>) dst(%dma_wait3A_307 : memref<10240x32xf32, #tpu.memory_space<vmem_shared>>)
      %dma_wait3A_308 = arith.constant 0 : i32
      %dma_wait3A_309 = tpu.memref_slice %arg11[%add3A_215, %dma_wait3A_308] : memref<80x128xi32, #tpu.memory_space<vmem>> -> memref<1x128xi32, #tpu.memory_space<vmem>>
      %dma_wait3A_310 = tpu.memref_squeeze %dma_wait3A_309 : memref<1x128xi32, #tpu.memory_space<vmem>> -> memref<128xi32, #tpu.memory_space<vmem>>
      %dma_wait3A_311 = arith.constant 0 : i32
      %dma_wait3A_312 = arith.constant 0 : i32
      %dma_wait3A_313 = tpu.memref_slice %arg15[%dma_wait3A_311, %dma_wait3A_312] : memref<10240x8xf32, #tpu.memory_space<vmem_shared>> -> memref<10240x8xf32, #tpu.memory_space<vmem_shared>>
      tpu.wait_indirect_dma semaphore(%arg19 : memref<!tpu.dma_semaphore, #tpu.memory_space<semaphore_mem>>) src(%arg13 : memref<128x8xf32, #tpu.memory_space<vmem>>) dst(%dma_wait3A_313 : memref<10240x8xf32, #tpu.memory_space<vmem_shared>>)
      %dma_wait3A_314 = arith.constant 0 : i32
      %dma_wait3A_315 = arith.constant 2 : i32
      %dma_wait3A_316 = arith.constant 0 : i32
      %dma_wait3A_317 = arith.constant 0 : i32
      %dma_wait3A_318 = tpu.memref_slice %arg12[%dma_wait3A_314, %dma_wait3A_315, %dma_wait3A_316, %dma_wait3A_317] : memref<2x4x128x32xf32, #tpu.memory_space<vmem>> -> memref<1x1x128x32xf32, #tpu.memory_space<vmem>>
      %dma_wait3A_319 = tpu.memref_squeeze %dma_wait3A_318 : memref<1x1x128x32xf32, #tpu.memory_space<vmem>> -> memref<128x32xf32, #tpu.memory_space<vmem>>
      %dma_wait3A_320 = arith.constant 0 : i32
      %dma_wait3A_321 = tpu.memref_slice %arg11[%add3A_237, %dma_wait3A_320] : memref<80x128xi32, #tpu.memory_space<vmem>> -> memref<1x128xi32, #tpu.memory_space<vmem>>
      %dma_wait3A_322 = tpu.memref_squeeze %dma_wait3A_321 : memref<1x128xi32, #tpu.memory_space<vmem>> -> memref<128xi32, #tpu.memory_space<vmem>>
      %dma_wait3A_323 = arith.constant 0 : i32
      %dma_wait3A_324 = arith.constant 0 : i32
      %dma_wait3A_325 = tpu.memref_slice %arg14[%dma_wait3A_323, %dma_wait3A_324] : memref<10240x32xf32, #tpu.memory_space<vmem_shared>> -> memref<10240x32xf32, #tpu.memory_space<vmem_shared>>
      tpu.wait_indirect_dma semaphore(%arg19 : memref<!tpu.dma_semaphore, #tpu.memory_space<semaphore_mem>>) src(%dma_wait3A_319 : memref<128x32xf32, #tpu.memory_space<vmem>>) dst(%dma_wait3A_325 : memref<10240x32xf32, #tpu.memory_space<vmem_shared>>)
      %dma_wait3A_326 = arith.constant 0 : i32
      %dma_wait3A_327 = tpu.memref_slice %arg11[%add3A_237, %dma_wait3A_326] : memref<80x128xi32, #tpu.memory_space<vmem>> -> memref<1x128xi32, #tpu.memory_space<vmem>>
      %dma_wait3A_328 = tpu.memref_squeeze %dma_wait3A_327 : memref<1x128xi32, #tpu.memory_space<vmem>> -> memref<128xi32, #tpu.memory_space<vmem>>
      %dma_wait3A_329 = arith.constant 0 : i32
      %dma_wait3A_330 = arith.constant 0 : i32
      %dma_wait3A_331 = tpu.memref_slice %arg15[%dma_wait3A_329, %dma_wait3A_330] : memref<10240x8xf32, #tpu.memory_space<vmem_shared>> -> memref<10240x8xf32, #tpu.memory_space<vmem_shared>>
      tpu.wait_indirect_dma semaphore(%arg19 : memref<!tpu.dma_semaphore, #tpu.memory_space<semaphore_mem>>) src(%arg13 : memref<128x8xf32, #tpu.memory_space<vmem>>) dst(%dma_wait3A_331 : memref<10240x8xf32, #tpu.memory_space<vmem_shared>>)
      %dma_wait3A_332 = arith.constant 0 : i32
      %dma_wait3A_333 = arith.constant 3 : i32
      %dma_wait3A_334 = arith.constant 0 : i32
      %dma_wait3A_335 = arith.constant 0 : i32
      %dma_wait3A_336 = tpu.memref_slice %arg12[%dma_wait3A_332, %dma_wait3A_333, %dma_wait3A_334, %dma_wait3A_335] : memref<2x4x128x32xf32, #tpu.memory_space<vmem>> -> memref<1x1x128x32xf32, #tpu.memory_space<vmem>>
      %dma_wait3A_337 = tpu.memref_squeeze %dma_wait3A_336 : memref<1x1x128x32xf32, #tpu.memory_space<vmem>> -> memref<128x32xf32, #tpu.memory_space<vmem>>
      %dma_wait3A_338 = arith.constant 0 : i32
      %dma_wait3A_339 = tpu.memref_slice %arg11[%add3A_259, %dma_wait3A_338] : memref<80x128xi32, #tpu.memory_space<vmem>> -> memref<1x128xi32, #tpu.memory_space<vmem>>
      %dma_wait3A_340 = tpu.memref_squeeze %dma_wait3A_339 : memref<1x128xi32, #tpu.memory_space<vmem>> -> memref<128xi32, #tpu.memory_space<vmem>>
      %dma_wait3A_341 = arith.constant 0 : i32
      %dma_wait3A_342 = arith.constant 0 : i32
      %dma_wait3A_343 = tpu.memref_slice %arg14[%dma_wait3A_341, %dma_wait3A_342] : memref<10240x32xf32, #tpu.memory_space<vmem_shared>> -> memref<10240x32xf32, #tpu.memory_space<vmem_shared>>
      tpu.wait_indirect_dma semaphore(%arg19 : memref<!tpu.dma_semaphore, #tpu.memory_space<semaphore_mem>>) src(%dma_wait3A_337 : memref<128x32xf32, #tpu.memory_space<vmem>>) dst(%dma_wait3A_343 : memref<10240x32xf32, #tpu.memory_space<vmem_shared>>)
      %dma_wait3A_344 = arith.constant 0 : i32
      %dma_wait3A_345 = tpu.memref_slice %arg11[%add3A_259, %dma_wait3A_344] : memref<80x128xi32, #tpu.memory_space<vmem>> -> memref<1x128xi32, #tpu.memory_space<vmem>>
      %dma_wait3A_346 = tpu.memref_squeeze %dma_wait3A_345 : memref<1x128xi32, #tpu.memory_space<vmem>> -> memref<128xi32, #tpu.memory_space<vmem>>
      %dma_wait3A_347 = arith.constant 0 : i32
      %dma_wait3A_348 = arith.constant 0 : i32
      %dma_wait3A_349 = tpu.memref_slice %arg15[%dma_wait3A_347, %dma_wait3A_348] : memref<10240x8xf32, #tpu.memory_space<vmem_shared>> -> memref<10240x8xf32, #tpu.memory_space<vmem_shared>>
      tpu.wait_indirect_dma semaphore(%arg19 : memref<!tpu.dma_semaphore, #tpu.memory_space<semaphore_mem>>) src(%arg13 : memref<128x8xf32, #tpu.memory_space<vmem>>) dst(%dma_wait3A_349 : memref<10240x8xf32, #tpu.memory_space<vmem_shared>>)
      %add3A_350 = arith.constant 1 : i32
      %add3A_351 = arith.addi %scan3A_68, %add3A_350 : i32
      %lt3A = arith.constant 10 : i32
      %lt3A_352 = arith.cmpi slt, %add3A_351, %lt3A : i32
      %convert_element_type3A = arith.extui %lt3A_352 : i1 to i32
      %cond3A = arith.constant 0 : i32
      %cond3A_353 = arith.cmpi ne, %convert_element_type3A, %cond3A : i32
      scf.if %cond3A_353 {
        %add3A_566 = arith.constant 2 : i32
        %add3A_567 = arith.addi %mul3A_70, %add3A_566 : i32
        %mul3A_568 = arith.constant 4 : i32
        %mul3A_569 = arith.muli %add3A_567, %mul3A_568 : i32
        %add3A_570 = arith.constant 0 : i32
        %add3A_571 = arith.addi %mul3A_569, %add3A_570 : i32
        %dma_start3A_572 = arith.constant 0 : i32
        %dma_start3A_573 = arith.constant 0 : i32
        %dma_start3A_574 = arith.constant 0 : i32
        %dma_start3A_575 = arith.constant 0 : i32
        %dma_start3A_576 = tpu.memref_slice %arg12[%dma_start3A_572, %dma_start3A_573, %dma_start3A_574, %dma_start3A_575] : memref<2x4x128x32xf32, #tpu.memory_space<vmem>> -> memref<1x1x128x32xf32, #tpu.memory_space<vmem>>
        %dma_start3A_577 = tpu.memref_squeeze %dma_start3A_576 : memref<1x1x128x32xf32, #tpu.memory_space<vmem>> -> memref<128x32xf32, #tpu.memory_space<vmem>>
        %dma_start3A_578 = arith.constant 0 : i32
        %dma_start3A_579 = tpu.memref_slice %arg10[%add3A_571, %dma_start3A_578] : memref<80x128xi32, #tpu.memory_space<vmem>> -> memref<1x128xi32, #tpu.memory_space<vmem>>
        %dma_start3A_580 = tpu.memref_squeeze %dma_start3A_579 : memref<1x128xi32, #tpu.memory_space<vmem>> -> memref<128xi32, #tpu.memory_space<vmem>>
        %dma_start3A_581 = arith.constant 0 : i32
        %dma_start3A_582 = arith.constant 0 : i32
        %dma_start3A_583 = tpu.memref_slice %arg16[%dma_start3A_581, %dma_start3A_582] : memref<10240x32xf32, #tpu.memory_space<vmem_shared>> -> memref<10240x32xf32, #tpu.memory_space<vmem_shared>>
        tpu.enqueue_indirect_dma source(%dma_start3A_583 : memref<10240x32xf32, #tpu.memory_space<vmem_shared>>) target(%dma_start3A_577 : memref<128x32xf32, #tpu.memory_space<vmem>>) offsets(%dma_start3A_580 : memref<128xi32, #tpu.memory_space<vmem>>) semaphore(%arg17 : memref<!tpu.dma_semaphore, #tpu.memory_space<semaphore_mem>>)
        %mul3A_584 = arith.constant 4 : i32
        %mul3A_585 = arith.muli %add3A_567, %mul3A_584 : i32
        %add3A_586 = arith.constant 1 : i32
        %add3A_587 = arith.addi %mul3A_585, %add3A_586 : i32
        %dma_start3A_588 = arith.constant 0 : i32
        %dma_start3A_589 = arith.constant 1 : i32
        %dma_start3A_590 = arith.constant 0 : i32
        %dma_start3A_591 = arith.constant 0 : i32
        %dma_start3A_592 = tpu.memref_slice %arg12[%dma_start3A_588, %dma_start3A_589, %dma_start3A_590, %dma_start3A_591] : memref<2x4x128x32xf32, #tpu.memory_space<vmem>> -> memref<1x1x128x32xf32, #tpu.memory_space<vmem>>
        %dma_start3A_593 = tpu.memref_squeeze %dma_start3A_592 : memref<1x1x128x32xf32, #tpu.memory_space<vmem>> -> memref<128x32xf32, #tpu.memory_space<vmem>>
        %dma_start3A_594 = arith.constant 0 : i32
        %dma_start3A_595 = tpu.memref_slice %arg10[%add3A_587, %dma_start3A_594] : memref<80x128xi32, #tpu.memory_space<vmem>> -> memref<1x128xi32, #tpu.memory_space<vmem>>
        %dma_start3A_596 = tpu.memref_squeeze %dma_start3A_595 : memref<1x128xi32, #tpu.memory_space<vmem>> -> memref<128xi32, #tpu.memory_space<vmem>>
        %dma_start3A_597 = arith.constant 0 : i32
        %dma_start3A_598 = arith.constant 0 : i32
        %dma_start3A_599 = tpu.memref_slice %arg16[%dma_start3A_597, %dma_start3A_598] : memref<10240x32xf32, #tpu.memory_space<vmem_shared>> -> memref<10240x32xf32, #tpu.memory_space<vmem_shared>>
        tpu.enqueue_indirect_dma source(%dma_start3A_599 : memref<10240x32xf32, #tpu.memory_space<vmem_shared>>) target(%dma_start3A_593 : memref<128x32xf32, #tpu.memory_space<vmem>>) offsets(%dma_start3A_596 : memref<128xi32, #tpu.memory_space<vmem>>) semaphore(%arg17 : memref<!tpu.dma_semaphore, #tpu.memory_space<semaphore_mem>>)
        %mul3A_600 = arith.constant 4 : i32
        %mul3A_601 = arith.muli %add3A_567, %mul3A_600 : i32
        %add3A_602 = arith.constant 2 : i32
        %add3A_603 = arith.addi %mul3A_601, %add3A_602 : i32
        %dma_start3A_604 = arith.constant 0 : i32
        %dma_start3A_605 = arith.constant 2 : i32
        %dma_start3A_606 = arith.constant 0 : i32
        %dma_start3A_607 = arith.constant 0 : i32
        %dma_start3A_608 = tpu.memref_slice %arg12[%dma_start3A_604, %dma_start3A_605, %dma_start3A_606, %dma_start3A_607] : memref<2x4x128x32xf32, #tpu.memory_space<vmem>> -> memref<1x1x128x32xf32, #tpu.memory_space<vmem>>
        %dma_start3A_609 = tpu.memref_squeeze %dma_start3A_608 : memref<1x1x128x32xf32, #tpu.memory_space<vmem>> -> memref<128x32xf32, #tpu.memory_space<vmem>>
        %dma_start3A_610 = arith.constant 0 : i32
        %dma_start3A_611 = tpu.memref_slice %arg10[%add3A_603, %dma_start3A_610] : memref<80x128xi32, #tpu.memory_space<vmem>> -> memref<1x128xi32, #tpu.memory_space<vmem>>
        %dma_start3A_612 = tpu.memref_squeeze %dma_start3A_611 : memref<1x128xi32, #tpu.memory_space<vmem>> -> memref<128xi32, #tpu.memory_space<vmem>>
        %dma_start3A_613 = arith.constant 0 : i32
        %dma_start3A_614 = arith.constant 0 : i32
        %dma_start3A_615 = tpu.memref_slice %arg16[%dma_start3A_613, %dma_start3A_614] : memref<10240x32xf32, #tpu.memory_space<vmem_shared>> -> memref<10240x32xf32, #tpu.memory_space<vmem_shared>>
        tpu.enqueue_indirect_dma source(%dma_start3A_615 : memref<10240x32xf32, #tpu.memory_space<vmem_shared>>) target(%dma_start3A_609 : memref<128x32xf32, #tpu.memory_space<vmem>>) offsets(%dma_start3A_612 : memref<128xi32, #tpu.memory_space<vmem>>) semaphore(%arg17 : memref<!tpu.dma_semaphore, #tpu.memory_space<semaphore_mem>>)
        %mul3A_616 = arith.constant 4 : i32
        %mul3A_617 = arith.muli %add3A_567, %mul3A_616 : i32
        %add3A_618 = arith.constant 3 : i32
        %add3A_619 = arith.addi %mul3A_617, %add3A_618 : i32
        %dma_start3A_620 = arith.constant 0 : i32
        %dma_start3A_621 = arith.constant 3 : i32
        %dma_start3A_622 = arith.constant 0 : i32
        %dma_start3A_623 = arith.constant 0 : i32
        %dma_start3A_624 = tpu.memref_slice %arg12[%dma_start3A_620, %dma_start3A_621, %dma_start3A_622, %dma_start3A_623] : memref<2x4x128x32xf32, #tpu.memory_space<vmem>> -> memref<1x1x128x32xf32, #tpu.memory_space<vmem>>
        %dma_start3A_625 = tpu.memref_squeeze %dma_start3A_624 : memref<1x1x128x32xf32, #tpu.memory_space<vmem>> -> memref<128x32xf32, #tpu.memory_space<vmem>>
        %dma_start3A_626 = arith.constant 0 : i32
        %dma_start3A_627 = tpu.memref_slice %arg10[%add3A_619, %dma_start3A_626] : memref<80x128xi32, #tpu.memory_space<vmem>> -> memref<1x128xi32, #tpu.memory_space<vmem>>
        %dma_start3A_628 = tpu.memref_squeeze %dma_start3A_627 : memref<1x128xi32, #tpu.memory_space<vmem>> -> memref<128xi32, #tpu.memory_space<vmem>>
        %dma_start3A_629 = arith.constant 0 : i32
        %dma_start3A_630 = arith.constant 0 : i32
        %dma_start3A_631 = tpu.memref_slice %arg16[%dma_start3A_629, %dma_start3A_630] : memref<10240x32xf32, #tpu.memory_space<vmem_shared>> -> memref<10240x32xf32, #tpu.memory_space<vmem_shared>>
        tpu.enqueue_indirect_dma source(%dma_start3A_631 : memref<10240x32xf32, #tpu.memory_space<vmem_shared>>) target(%dma_start3A_625 : memref<128x32xf32, #tpu.memory_space<vmem>>) offsets(%dma_start3A_628 : memref<128xi32, #tpu.memory_space<vmem>>) semaphore(%arg17 : memref<!tpu.dma_semaphore, #tpu.memory_space<semaphore_mem>>)
      } else {
      }
      %dma_wait3A_354 = arith.constant 0 : i32
      %dma_wait3A_355 = arith.constant 1 : i32
      %dma_wait3A_356 = arith.constant 0 : i32
      %dma_wait3A_357 = arith.constant 0 : i32
      %dma_wait3A_358 = arith.constant 0 : i32
      %dma_wait3A_359 = tpu.memref_slice %arg12[%dma_wait3A_355, %dma_wait3A_356, %dma_wait3A_357, %dma_wait3A_358] : memref<2x4x128x32xf32, #tpu.memory_space<vmem>> -> memref<1x1x128x32xf32, #tpu.memory_space<vmem>>
      %dma_wait3A_360 = tpu.memref_squeeze %dma_wait3A_359 : memref<1x1x128x32xf32, #tpu.memory_space<vmem>> -> memref<128x32xf32, #tpu.memory_space<vmem>>
      %dma_wait3A_361 = arith.constant 0 : i32
      %dma_wait3A_362 = tpu.memref_slice %arg10[%dma_wait3A_354, %dma_wait3A_361] : memref<80x128xi32, #tpu.memory_space<vmem>> -> memref<1x128xi32, #tpu.memory_space<vmem>>
      %dma_wait3A_363 = tpu.memref_squeeze %dma_wait3A_362 : memref<1x128xi32, #tpu.memory_space<vmem>> -> memref<128xi32, #tpu.memory_space<vmem>>
      %dma_wait3A_364 = arith.constant 0 : i32
      %dma_wait3A_365 = arith.constant 0 : i32
      %dma_wait3A_366 = tpu.memref_slice %arg16[%dma_wait3A_364, %dma_wait3A_365] : memref<10240x32xf32, #tpu.memory_space<vmem_shared>> -> memref<10240x32xf32, #tpu.memory_space<vmem_shared>>
      tpu.wait_indirect_dma semaphore(%arg18 : memref<!tpu.dma_semaphore, #tpu.memory_space<semaphore_mem>>) src(%dma_wait3A_366 : memref<10240x32xf32, #tpu.memory_space<vmem_shared>>) dst(%dma_wait3A_360 : memref<128x32xf32, #tpu.memory_space<vmem>>)
      %dma_wait3A_367 = arith.constant 1 : i32
      %dma_wait3A_368 = arith.constant 1 : i32
      %dma_wait3A_369 = arith.constant 1 : i32
      %dma_wait3A_370 = arith.constant 0 : i32
      %dma_wait3A_371 = arith.constant 0 : i32
      %dma_wait3A_372 = tpu.memref_slice %arg12[%dma_wait3A_368, %dma_wait3A_369, %dma_wait3A_370, %dma_wait3A_371] : memref<2x4x128x32xf32, #tpu.memory_space<vmem>> -> memref<1x1x128x32xf32, #tpu.memory_space<vmem>>
      %dma_wait3A_373 = tpu.memref_squeeze %dma_wait3A_372 : memref<1x1x128x32xf32, #tpu.memory_space<vmem>> -> memref<128x32xf32, #tpu.memory_space<vmem>>
      %dma_wait3A_374 = arith.constant 0 : i32
      %dma_wait3A_375 = tpu.memref_slice %arg10[%dma_wait3A_367, %dma_wait3A_374] : memref<80x128xi32, #tpu.memory_space<vmem>> -> memref<1x128xi32, #tpu.memory_space<vmem>>
      %dma_wait3A_376 = tpu.memref_squeeze %dma_wait3A_375 : memref<1x128xi32, #tpu.memory_space<vmem>> -> memref<128xi32, #tpu.memory_space<vmem>>
      %dma_wait3A_377 = arith.constant 0 : i32
      %dma_wait3A_378 = arith.constant 0 : i32
      %dma_wait3A_379 = tpu.memref_slice %arg16[%dma_wait3A_377, %dma_wait3A_378] : memref<10240x32xf32, #tpu.memory_space<vmem_shared>> -> memref<10240x32xf32, #tpu.memory_space<vmem_shared>>
      tpu.wait_indirect_dma semaphore(%arg18 : memref<!tpu.dma_semaphore, #tpu.memory_space<semaphore_mem>>) src(%dma_wait3A_379 : memref<10240x32xf32, #tpu.memory_space<vmem_shared>>) dst(%dma_wait3A_373 : memref<128x32xf32, #tpu.memory_space<vmem>>)
      %dma_wait3A_380 = arith.constant 2 : i32
      %dma_wait3A_381 = arith.constant 1 : i32
      %dma_wait3A_382 = arith.constant 2 : i32
      %dma_wait3A_383 = arith.constant 0 : i32
      %dma_wait3A_384 = arith.constant 0 : i32
      %dma_wait3A_385 = tpu.memref_slice %arg12[%dma_wait3A_381, %dma_wait3A_382, %dma_wait3A_383, %dma_wait3A_384] : memref<2x4x128x32xf32, #tpu.memory_space<vmem>> -> memref<1x1x128x32xf32, #tpu.memory_space<vmem>>
      %dma_wait3A_386 = tpu.memref_squeeze %dma_wait3A_385 : memref<1x1x128x32xf32, #tpu.memory_space<vmem>> -> memref<128x32xf32, #tpu.memory_space<vmem>>
      %dma_wait3A_387 = arith.constant 0 : i32
      %dma_wait3A_388 = tpu.memref_slice %arg10[%dma_wait3A_380, %dma_wait3A_387] : memref<80x128xi32, #tpu.memory_space<vmem>> -> memref<1x128xi32, #tpu.memory_space<vmem>>
      %dma_wait3A_389 = tpu.memref_squeeze %dma_wait3A_388 : memref<1x128xi32, #tpu.memory_space<vmem>> -> memref<128xi32, #tpu.memory_space<vmem>>
      %dma_wait3A_390 = arith.constant 0 : i32
      %dma_wait3A_391 = arith.constant 0 : i32
      %dma_wait3A_392 = tpu.memref_slice %arg16[%dma_wait3A_390, %dma_wait3A_391] : memref<10240x32xf32, #tpu.memory_space<vmem_shared>> -> memref<10240x32xf32, #tpu.memory_space<vmem_shared>>
      tpu.wait_indirect_dma semaphore(%arg18 : memref<!tpu.dma_semaphore, #tpu.memory_space<semaphore_mem>>) src(%dma_wait3A_392 : memref<10240x32xf32, #tpu.memory_space<vmem_shared>>) dst(%dma_wait3A_386 : memref<128x32xf32, #tpu.memory_space<vmem>>)
      %dma_wait3A_393 = arith.constant 3 : i32
      %dma_wait3A_394 = arith.constant 1 : i32
      %dma_wait3A_395 = arith.constant 3 : i32
      %dma_wait3A_396 = arith.constant 0 : i32
      %dma_wait3A_397 = arith.constant 0 : i32
      %dma_wait3A_398 = tpu.memref_slice %arg12[%dma_wait3A_394, %dma_wait3A_395, %dma_wait3A_396, %dma_wait3A_397] : memref<2x4x128x32xf32, #tpu.memory_space<vmem>> -> memref<1x1x128x32xf32, #tpu.memory_space<vmem>>
      %dma_wait3A_399 = tpu.memref_squeeze %dma_wait3A_398 : memref<1x1x128x32xf32, #tpu.memory_space<vmem>> -> memref<128x32xf32, #tpu.memory_space<vmem>>
      %dma_wait3A_400 = arith.constant 0 : i32
      %dma_wait3A_401 = tpu.memref_slice %arg10[%dma_wait3A_393, %dma_wait3A_400] : memref<80x128xi32, #tpu.memory_space<vmem>> -> memref<1x128xi32, #tpu.memory_space<vmem>>
      %dma_wait3A_402 = tpu.memref_squeeze %dma_wait3A_401 : memref<1x128xi32, #tpu.memory_space<vmem>> -> memref<128xi32, #tpu.memory_space<vmem>>
      %dma_wait3A_403 = arith.constant 0 : i32
      %dma_wait3A_404 = arith.constant 0 : i32
      %dma_wait3A_405 = tpu.memref_slice %arg16[%dma_wait3A_403, %dma_wait3A_404] : memref<10240x32xf32, #tpu.memory_space<vmem_shared>> -> memref<10240x32xf32, #tpu.memory_space<vmem_shared>>
      tpu.wait_indirect_dma semaphore(%arg18 : memref<!tpu.dma_semaphore, #tpu.memory_space<semaphore_mem>>) src(%dma_wait3A_405 : memref<10240x32xf32, #tpu.memory_space<vmem_shared>>) dst(%dma_wait3A_399 : memref<128x32xf32, #tpu.memory_space<vmem>>)
      %mul3A_406 = arith.constant 4 : i32
      %mul3A_407 = arith.muli %add3A_74, %mul3A_406 : i32
      %add3A_408 = arith.constant 0 : i32
      %add3A_409 = arith.addi %mul3A_407, %add3A_408 : i32
      %dma_start3A_410 = arith.constant 1 : i32
      %dma_start3A_411 = arith.constant 0 : i32
      %dma_start3A_412 = arith.constant 0 : i32
      %dma_start3A_413 = arith.constant 0 : i32
      %dma_start3A_414 = tpu.memref_slice %arg12[%dma_start3A_410, %dma_start3A_411, %dma_start3A_412, %dma_start3A_413] : memref<2x4x128x32xf32, #tpu.memory_space<vmem>> -> memref<1x1x128x32xf32, #tpu.memory_space<vmem>>
      %dma_start3A_415 = tpu.memref_squeeze %dma_start3A_414 : memref<1x1x128x32xf32, #tpu.memory_space<vmem>> -> memref<128x32xf32, #tpu.memory_space<vmem>>
      %dma_start3A_416 = arith.constant 0 : i32
      %dma_start3A_417 = tpu.memref_slice %arg11[%add3A_409, %dma_start3A_416] : memref<80x128xi32, #tpu.memory_space<vmem>> -> memref<1x128xi32, #tpu.memory_space<vmem>>
      %dma_start3A_418 = tpu.memref_squeeze %dma_start3A_417 : memref<1x128xi32, #tpu.memory_space<vmem>> -> memref<128xi32, #tpu.memory_space<vmem>>
      %dma_start3A_419 = arith.constant 0 : i32
      %dma_start3A_420 = arith.constant 0 : i32
      %dma_start3A_421 = tpu.memref_slice %arg14[%dma_start3A_419, %dma_start3A_420] : memref<10240x32xf32, #tpu.memory_space<vmem_shared>> -> memref<10240x32xf32, #tpu.memory_space<vmem_shared>>
      tpu.enqueue_indirect_dma source(%dma_start3A_415 : memref<128x32xf32, #tpu.memory_space<vmem>>) target(%dma_start3A_421 : memref<10240x32xf32, #tpu.memory_space<vmem_shared>>) offsets(%dma_start3A_418 : memref<128xi32, #tpu.memory_space<vmem>>) semaphore(%arg19 : memref<!tpu.dma_semaphore, #tpu.memory_space<semaphore_mem>>) {add = true}
      %dma_start3A_422 = arith.constant 0 : i32
      %dma_start3A_423 = tpu.memref_slice %arg11[%add3A_409, %dma_start3A_422] : memref<80x128xi32, #tpu.memory_space<vmem>> -> memref<1x128xi32, #tpu.memory_space<vmem>>
      %dma_start3A_424 = tpu.memref_squeeze %dma_start3A_423 : memref<1x128xi32, #tpu.memory_space<vmem>> -> memref<128xi32, #tpu.memory_space<vmem>>
      %dma_start3A_425 = arith.constant 0 : i32
      %dma_start3A_426 = arith.constant 0 : i32
      %dma_start3A_427 = tpu.memref_slice %arg15[%dma_start3A_425, %dma_start3A_426] : memref<10240x8xf32, #tpu.memory_space<vmem_shared>> -> memref<10240x8xf32, #tpu.memory_space<vmem_shared>>
      tpu.enqueue_indirect_dma source(%arg13 : memref<128x8xf32, #tpu.memory_space<vmem>>) target(%dma_start3A_427 : memref<10240x8xf32, #tpu.memory_space<vmem_shared>>) offsets(%dma_start3A_424 : memref<128xi32, #tpu.memory_space<vmem>>) semaphore(%arg19 : memref<!tpu.dma_semaphore, #tpu.memory_space<semaphore_mem>>) {add = true}
      %mul3A_428 = arith.constant 4 : i32
      %mul3A_429 = arith.muli %add3A_74, %mul3A_428 : i32
      %add3A_430 = arith.constant 1 : i32
      %add3A_431 = arith.addi %mul3A_429, %add3A_430 : i32
      %dma_start3A_432 = arith.constant 1 : i32
      %dma_start3A_433 = arith.constant 1 : i32
      %dma_start3A_434 = arith.constant 0 : i32
      %dma_start3A_435 = arith.constant 0 : i32
      %dma_start3A_436 = tpu.memref_slice %arg12[%dma_start3A_432, %dma_start3A_433, %dma_start3A_434, %dma_start3A_435] : memref<2x4x128x32xf32, #tpu.memory_space<vmem>> -> memref<1x1x128x32xf32, #tpu.memory_space<vmem>>
      %dma_start3A_437 = tpu.memref_squeeze %dma_start3A_436 : memref<1x1x128x32xf32, #tpu.memory_space<vmem>> -> memref<128x32xf32, #tpu.memory_space<vmem>>
      %dma_start3A_438 = arith.constant 0 : i32
      %dma_start3A_439 = tpu.memref_slice %arg11[%add3A_431, %dma_start3A_438] : memref<80x128xi32, #tpu.memory_space<vmem>> -> memref<1x128xi32, #tpu.memory_space<vmem>>
      %dma_start3A_440 = tpu.memref_squeeze %dma_start3A_439 : memref<1x128xi32, #tpu.memory_space<vmem>> -> memref<128xi32, #tpu.memory_space<vmem>>
      %dma_start3A_441 = arith.constant 0 : i32
      %dma_start3A_442 = arith.constant 0 : i32
      %dma_start3A_443 = tpu.memref_slice %arg14[%dma_start3A_441, %dma_start3A_442] : memref<10240x32xf32, #tpu.memory_space<vmem_shared>> -> memref<10240x32xf32, #tpu.memory_space<vmem_shared>>
      tpu.enqueue_indirect_dma source(%dma_start3A_437 : memref<128x32xf32, #tpu.memory_space<vmem>>) target(%dma_start3A_443 : memref<10240x32xf32, #tpu.memory_space<vmem_shared>>) offsets(%dma_start3A_440 : memref<128xi32, #tpu.memory_space<vmem>>) semaphore(%arg19 : memref<!tpu.dma_semaphore, #tpu.memory_space<semaphore_mem>>) {add = true}
      %dma_start3A_444 = arith.constant 0 : i32
      %dma_start3A_445 = tpu.memref_slice %arg11[%add3A_431, %dma_start3A_444] : memref<80x128xi32, #tpu.memory_space<vmem>> -> memref<1x128xi32, #tpu.memory_space<vmem>>
      %dma_start3A_446 = tpu.memref_squeeze %dma_start3A_445 : memref<1x128xi32, #tpu.memory_space<vmem>> -> memref<128xi32, #tpu.memory_space<vmem>>
      %dma_start3A_447 = arith.constant 0 : i32
      %dma_start3A_448 = arith.constant 0 : i32
      %dma_start3A_449 = tpu.memref_slice %arg15[%dma_start3A_447, %dma_start3A_448] : memref<10240x8xf32, #tpu.memory_space<vmem_shared>> -> memref<10240x8xf32, #tpu.memory_space<vmem_shared>>
      tpu.enqueue_indirect_dma source(%arg13 : memref<128x8xf32, #tpu.memory_space<vmem>>) target(%dma_start3A_449 : memref<10240x8xf32, #tpu.memory_space<vmem_shared>>) offsets(%dma_start3A_446 : memref<128xi32, #tpu.memory_space<vmem>>) semaphore(%arg19 : memref<!tpu.dma_semaphore, #tpu.memory_space<semaphore_mem>>) {add = true}
      %mul3A_450 = arith.constant 4 : i32
      %mul3A_451 = arith.muli %add3A_74, %mul3A_450 : i32
      %add3A_452 = arith.constant 2 : i32
      %add3A_453 = arith.addi %mul3A_451, %add3A_452 : i32
      %dma_start3A_454 = arith.constant 1 : i32
      %dma_start3A_455 = arith.constant 2 : i32
      %dma_start3A_456 = arith.constant 0 : i32
      %dma_start3A_457 = arith.constant 0 : i32
      %dma_start3A_458 = tpu.memref_slice %arg12[%dma_start3A_454, %dma_start3A_455, %dma_start3A_456, %dma_start3A_457] : memref<2x4x128x32xf32, #tpu.memory_space<vmem>> -> memref<1x1x128x32xf32, #tpu.memory_space<vmem>>
      %dma_start3A_459 = tpu.memref_squeeze %dma_start3A_458 : memref<1x1x128x32xf32, #tpu.memory_space<vmem>> -> memref<128x32xf32, #tpu.memory_space<vmem>>
      %dma_start3A_460 = arith.constant 0 : i32
      %dma_start3A_461 = tpu.memref_slice %arg11[%add3A_453, %dma_start3A_460] : memref<80x128xi32, #tpu.memory_space<vmem>> -> memref<1x128xi32, #tpu.memory_space<vmem>>
      %dma_start3A_462 = tpu.memref_squeeze %dma_start3A_461 : memref<1x128xi32, #tpu.memory_space<vmem>> -> memref<128xi32, #tpu.memory_space<vmem>>
      %dma_start3A_463 = arith.constant 0 : i32
      %dma_start3A_464 = arith.constant 0 : i32
      %dma_start3A_465 = tpu.memref_slice %arg14[%dma_start3A_463, %dma_start3A_464] : memref<10240x32xf32, #tpu.memory_space<vmem_shared>> -> memref<10240x32xf32, #tpu.memory_space<vmem_shared>>
      tpu.enqueue_indirect_dma source(%dma_start3A_459 : memref<128x32xf32, #tpu.memory_space<vmem>>) target(%dma_start3A_465 : memref<10240x32xf32, #tpu.memory_space<vmem_shared>>) offsets(%dma_start3A_462 : memref<128xi32, #tpu.memory_space<vmem>>) semaphore(%arg19 : memref<!tpu.dma_semaphore, #tpu.memory_space<semaphore_mem>>) {add = true}
      %dma_start3A_466 = arith.constant 0 : i32
      %dma_start3A_467 = tpu.memref_slice %arg11[%add3A_453, %dma_start3A_466] : memref<80x128xi32, #tpu.memory_space<vmem>> -> memref<1x128xi32, #tpu.memory_space<vmem>>
      %dma_start3A_468 = tpu.memref_squeeze %dma_start3A_467 : memref<1x128xi32, #tpu.memory_space<vmem>> -> memref<128xi32, #tpu.memory_space<vmem>>
      %dma_start3A_469 = arith.constant 0 : i32
      %dma_start3A_470 = arith.constant 0 : i32
      %dma_start3A_471 = tpu.memref_slice %arg15[%dma_start3A_469, %dma_start3A_470] : memref<10240x8xf32, #tpu.memory_space<vmem_shared>> -> memref<10240x8xf32, #tpu.memory_space<vmem_shared>>
      tpu.enqueue_indirect_dma source(%arg13 : memref<128x8xf32, #tpu.memory_space<vmem>>) target(%dma_start3A_471 : memref<10240x8xf32, #tpu.memory_space<vmem_shared>>) offsets(%dma_start3A_468 : memref<128xi32, #tpu.memory_space<vmem>>) semaphore(%arg19 : memref<!tpu.dma_semaphore, #tpu.memory_space<semaphore_mem>>) {add = true}
      %mul3A_472 = arith.constant 4 : i32
      %mul3A_473 = arith.muli %add3A_74, %mul3A_472 : i32
      %add3A_474 = arith.constant 3 : i32
      %add3A_475 = arith.addi %mul3A_473, %add3A_474 : i32
      %dma_start3A_476 = arith.constant 1 : i32
      %dma_start3A_477 = arith.constant 3 : i32
      %dma_start3A_478 = arith.constant 0 : i32
      %dma_start3A_479 = arith.constant 0 : i32
      %dma_start3A_480 = tpu.memref_slice %arg12[%dma_start3A_476, %dma_start3A_477, %dma_start3A_478, %dma_start3A_479] : memref<2x4x128x32xf32, #tpu.memory_space<vmem>> -> memref<1x1x128x32xf32, #tpu.memory_space<vmem>>
      %dma_start3A_481 = tpu.memref_squeeze %dma_start3A_480 : memref<1x1x128x32xf32, #tpu.memory_space<vmem>> -> memref<128x32xf32, #tpu.memory_space<vmem>>
      %dma_start3A_482 = arith.constant 0 : i32
      %dma_start3A_483 = tpu.memref_slice %arg11[%add3A_475, %dma_start3A_482] : memref<80x128xi32, #tpu.memory_space<vmem>> -> memref<1x128xi32, #tpu.memory_space<vmem>>
      %dma_start3A_484 = tpu.memref_squeeze %dma_start3A_483 : memref<1x128xi32, #tpu.memory_space<vmem>> -> memref<128xi32, #tpu.memory_space<vmem>>
      %dma_start3A_485 = arith.constant 0 : i32
      %dma_start3A_486 = arith.constant 0 : i32
      %dma_start3A_487 = tpu.memref_slice %arg14[%dma_start3A_485, %dma_start3A_486] : memref<10240x32xf32, #tpu.memory_space<vmem_shared>> -> memref<10240x32xf32, #tpu.memory_space<vmem_shared>>
      tpu.enqueue_indirect_dma source(%dma_start3A_481 : memref<128x32xf32, #tpu.memory_space<vmem>>) target(%dma_start3A_487 : memref<10240x32xf32, #tpu.memory_space<vmem_shared>>) offsets(%dma_start3A_484 : memref<128xi32, #tpu.memory_space<vmem>>) semaphore(%arg19 : memref<!tpu.dma_semaphore, #tpu.memory_space<semaphore_mem>>) {add = true}
      %dma_start3A_488 = arith.constant 0 : i32
      %dma_start3A_489 = tpu.memref_slice %arg11[%add3A_475, %dma_start3A_488] : memref<80x128xi32, #tpu.memory_space<vmem>> -> memref<1x128xi32, #tpu.memory_space<vmem>>
      %dma_start3A_490 = tpu.memref_squeeze %dma_start3A_489 : memref<1x128xi32, #tpu.memory_space<vmem>> -> memref<128xi32, #tpu.memory_space<vmem>>
      %dma_start3A_491 = arith.constant 0 : i32
      %dma_start3A_492 = arith.constant 0 : i32
      %dma_start3A_493 = tpu.memref_slice %arg15[%dma_start3A_491, %dma_start3A_492] : memref<10240x8xf32, #tpu.memory_space<vmem_shared>> -> memref<10240x8xf32, #tpu.memory_space<vmem_shared>>
      tpu.enqueue_indirect_dma source(%arg13 : memref<128x8xf32, #tpu.memory_space<vmem>>) target(%dma_start3A_493 : memref<10240x8xf32, #tpu.memory_space<vmem_shared>>) offsets(%dma_start3A_490 : memref<128xi32, #tpu.memory_space<vmem>>) semaphore(%arg19 : memref<!tpu.dma_semaphore, #tpu.memory_space<semaphore_mem>>) {add = true}
      %dma_wait3A_494 = arith.constant 1 : i32
      %dma_wait3A_495 = arith.constant 0 : i32
      %dma_wait3A_496 = arith.constant 0 : i32
      %dma_wait3A_497 = arith.constant 0 : i32
      %dma_wait3A_498 = tpu.memref_slice %arg12[%dma_wait3A_494, %dma_wait3A_495, %dma_wait3A_496, %dma_wait3A_497] : memref<2x4x128x32xf32, #tpu.memory_space<vmem>> -> memref<1x1x128x32xf32, #tpu.memory_space<vmem>>
      %dma_wait3A_499 = tpu.memref_squeeze %dma_wait3A_498 : memref<1x1x128x32xf32, #tpu.memory_space<vmem>> -> memref<128x32xf32, #tpu.memory_space<vmem>>
      %dma_wait3A_500 = arith.constant 0 : i32
      %dma_wait3A_501 = tpu.memref_slice %arg11[%add3A_409, %dma_wait3A_500] : memref<80x128xi32, #tpu.memory_space<vmem>> -> memref<1x128xi32, #tpu.memory_space<vmem>>
      %dma_wait3A_502 = tpu.memref_squeeze %dma_wait3A_501 : memref<1x128xi32, #tpu.memory_space<vmem>> -> memref<128xi32, #tpu.memory_space<vmem>>
      %dma_wait3A_503 = arith.constant 0 : i32
      %dma_wait3A_504 = arith.constant 0 : i32
      %dma_wait3A_505 = tpu.memref_slice %arg14[%dma_wait3A_503, %dma_wait3A_504] : memref<10240x32xf32, #tpu.memory_space<vmem_shared>> -> memref<10240x32xf32, #tpu.memory_space<vmem_shared>>
      tpu.wait_indirect_dma semaphore(%arg19 : memref<!tpu.dma_semaphore, #tpu.memory_space<semaphore_mem>>) src(%dma_wait3A_499 : memref<128x32xf32, #tpu.memory_space<vmem>>) dst(%dma_wait3A_505 : memref<10240x32xf32, #tpu.memory_space<vmem_shared>>)
      %dma_wait3A_506 = arith.constant 0 : i32
      %dma_wait3A_507 = tpu.memref_slice %arg11[%add3A_409, %dma_wait3A_506] : memref<80x128xi32, #tpu.memory_space<vmem>> -> memref<1x128xi32, #tpu.memory_space<vmem>>
      %dma_wait3A_508 = tpu.memref_squeeze %dma_wait3A_507 : memref<1x128xi32, #tpu.memory_space<vmem>> -> memref<128xi32, #tpu.memory_space<vmem>>
      %dma_wait3A_509 = arith.constant 0 : i32
      %dma_wait3A_510 = arith.constant 0 : i32
      %dma_wait3A_511 = tpu.memref_slice %arg15[%dma_wait3A_509, %dma_wait3A_510] : memref<10240x8xf32, #tpu.memory_space<vmem_shared>> -> memref<10240x8xf32, #tpu.memory_space<vmem_shared>>
      tpu.wait_indirect_dma semaphore(%arg19 : memref<!tpu.dma_semaphore, #tpu.memory_space<semaphore_mem>>) src(%arg13 : memref<128x8xf32, #tpu.memory_space<vmem>>) dst(%dma_wait3A_511 : memref<10240x8xf32, #tpu.memory_space<vmem_shared>>)
      %dma_wait3A_512 = arith.constant 1 : i32
      %dma_wait3A_513 = arith.constant 1 : i32
      %dma_wait3A_514 = arith.constant 0 : i32
      %dma_wait3A_515 = arith.constant 0 : i32
      %dma_wait3A_516 = tpu.memref_slice %arg12[%dma_wait3A_512, %dma_wait3A_513, %dma_wait3A_514, %dma_wait3A_515] : memref<2x4x128x32xf32, #tpu.memory_space<vmem>> -> memref<1x1x128x32xf32, #tpu.memory_space<vmem>>
      %dma_wait3A_517 = tpu.memref_squeeze %dma_wait3A_516 : memref<1x1x128x32xf32, #tpu.memory_space<vmem>> -> memref<128x32xf32, #tpu.memory_space<vmem>>
      %dma_wait3A_518 = arith.constant 0 : i32
      %dma_wait3A_519 = tpu.memref_slice %arg11[%add3A_431, %dma_wait3A_518] : memref<80x128xi32, #tpu.memory_space<vmem>> -> memref<1x128xi32, #tpu.memory_space<vmem>>
      %dma_wait3A_520 = tpu.memref_squeeze %dma_wait3A_519 : memref<1x128xi32, #tpu.memory_space<vmem>> -> memref<128xi32, #tpu.memory_space<vmem>>
      %dma_wait3A_521 = arith.constant 0 : i32
      %dma_wait3A_522 = arith.constant 0 : i32
      %dma_wait3A_523 = tpu.memref_slice %arg14[%dma_wait3A_521, %dma_wait3A_522] : memref<10240x32xf32, #tpu.memory_space<vmem_shared>> -> memref<10240x32xf32, #tpu.memory_space<vmem_shared>>
      tpu.wait_indirect_dma semaphore(%arg19 : memref<!tpu.dma_semaphore, #tpu.memory_space<semaphore_mem>>) src(%dma_wait3A_517 : memref<128x32xf32, #tpu.memory_space<vmem>>) dst(%dma_wait3A_523 : memref<10240x32xf32, #tpu.memory_space<vmem_shared>>)
      %dma_wait3A_524 = arith.constant 0 : i32
      %dma_wait3A_525 = tpu.memref_slice %arg11[%add3A_431, %dma_wait3A_524] : memref<80x128xi32, #tpu.memory_space<vmem>> -> memref<1x128xi32, #tpu.memory_space<vmem>>
      %dma_wait3A_526 = tpu.memref_squeeze %dma_wait3A_525 : memref<1x128xi32, #tpu.memory_space<vmem>> -> memref<128xi32, #tpu.memory_space<vmem>>
      %dma_wait3A_527 = arith.constant 0 : i32
      %dma_wait3A_528 = arith.constant 0 : i32
      %dma_wait3A_529 = tpu.memref_slice %arg15[%dma_wait3A_527, %dma_wait3A_528] : memref<10240x8xf32, #tpu.memory_space<vmem_shared>> -> memref<10240x8xf32, #tpu.memory_space<vmem_shared>>
      tpu.wait_indirect_dma semaphore(%arg19 : memref<!tpu.dma_semaphore, #tpu.memory_space<semaphore_mem>>) src(%arg13 : memref<128x8xf32, #tpu.memory_space<vmem>>) dst(%dma_wait3A_529 : memref<10240x8xf32, #tpu.memory_space<vmem_shared>>)
      %dma_wait3A_530 = arith.constant 1 : i32
      %dma_wait3A_531 = arith.constant 2 : i32
      %dma_wait3A_532 = arith.constant 0 : i32
      %dma_wait3A_533 = arith.constant 0 : i32
      %dma_wait3A_534 = tpu.memref_slice %arg12[%dma_wait3A_530, %dma_wait3A_531, %dma_wait3A_532, %dma_wait3A_533] : memref<2x4x128x32xf32, #tpu.memory_space<vmem>> -> memref<1x1x128x32xf32, #tpu.memory_space<vmem>>
      %dma_wait3A_535 = tpu.memref_squeeze %dma_wait3A_534 : memref<1x1x128x32xf32, #tpu.memory_space<vmem>> -> memref<128x32xf32, #tpu.memory_space<vmem>>
      %dma_wait3A_536 = arith.constant 0 : i32
      %dma_wait3A_537 = tpu.memref_slice %arg11[%add3A_453, %dma_wait3A_536] : memref<80x128xi32, #tpu.memory_space<vmem>> -> memref<1x128xi32, #tpu.memory_space<vmem>>
      %dma_wait3A_538 = tpu.memref_squeeze %dma_wait3A_537 : memref<1x128xi32, #tpu.memory_space<vmem>> -> memref<128xi32, #tpu.memory_space<vmem>>
      %dma_wait3A_539 = arith.constant 0 : i32
      %dma_wait3A_540 = arith.constant 0 : i32
      %dma_wait3A_541 = tpu.memref_slice %arg14[%dma_wait3A_539, %dma_wait3A_540] : memref<10240x32xf32, #tpu.memory_space<vmem_shared>> -> memref<10240x32xf32, #tpu.memory_space<vmem_shared>>
      tpu.wait_indirect_dma semaphore(%arg19 : memref<!tpu.dma_semaphore, #tpu.memory_space<semaphore_mem>>) src(%dma_wait3A_535 : memref<128x32xf32, #tpu.memory_space<vmem>>) dst(%dma_wait3A_541 : memref<10240x32xf32, #tpu.memory_space<vmem_shared>>)
      %dma_wait3A_542 = arith.constant 0 : i32
      %dma_wait3A_543 = tpu.memref_slice %arg11[%add3A_453, %dma_wait3A_542] : memref<80x128xi32, #tpu.memory_space<vmem>> -> memref<1x128xi32, #tpu.memory_space<vmem>>
      %dma_wait3A_544 = tpu.memref_squeeze %dma_wait3A_543 : memref<1x128xi32, #tpu.memory_space<vmem>> -> memref<128xi32, #tpu.memory_space<vmem>>
      %dma_wait3A_545 = arith.constant 0 : i32
      %dma_wait3A_546 = arith.constant 0 : i32
      %dma_wait3A_547 = tpu.memref_slice %arg15[%dma_wait3A_545, %dma_wait3A_546] : memref<10240x8xf32, #tpu.memory_space<vmem_shared>> -> memref<10240x8xf32, #tpu.memory_space<vmem_shared>>
      tpu.wait_indirect_dma semaphore(%arg19 : memref<!tpu.dma_semaphore, #tpu.memory_space<semaphore_mem>>) src(%arg13 : memref<128x8xf32, #tpu.memory_space<vmem>>) dst(%dma_wait3A_547 : memref<10240x8xf32, #tpu.memory_space<vmem_shared>>)
      %dma_wait3A_548 = arith.constant 1 : i32
      %dma_wait3A_549 = arith.constant 3 : i32
      %dma_wait3A_550 = arith.constant 0 : i32
      %dma_wait3A_551 = arith.constant 0 : i32
      %dma_wait3A_552 = tpu.memref_slice %arg12[%dma_wait3A_548, %dma_wait3A_549, %dma_wait3A_550, %dma_wait3A_551] : memref<2x4x128x32xf32, #tpu.memory_space<vmem>> -> memref<1x1x128x32xf32, #tpu.memory_space<vmem>>
      %dma_wait3A_553 = tpu.memref_squeeze %dma_wait3A_552 : memref<1x1x128x32xf32, #tpu.memory_space<vmem>> -> memref<128x32xf32, #tpu.memory_space<vmem>>
      %dma_wait3A_554 = arith.constant 0 : i32
      %dma_wait3A_555 = tpu.memref_slice %arg11[%add3A_475, %dma_wait3A_554] : memref<80x128xi32, #tpu.memory_space<vmem>> -> memref<1x128xi32, #tpu.memory_space<vmem>>
      %dma_wait3A_556 = tpu.memref_squeeze %dma_wait3A_555 : memref<1x128xi32, #tpu.memory_space<vmem>> -> memref<128xi32, #tpu.memory_space<vmem>>
      %dma_wait3A_557 = arith.constant 0 : i32
      %dma_wait3A_558 = arith.constant 0 : i32
      %dma_wait3A_559 = tpu.memref_slice %arg14[%dma_wait3A_557, %dma_wait3A_558] : memref<10240x32xf32, #tpu.memory_space<vmem_shared>> -> memref<10240x32xf32, #tpu.memory_space<vmem_shared>>
      tpu.wait_indirect_dma semaphore(%arg19 : memref<!tpu.dma_semaphore, #tpu.memory_space<semaphore_mem>>) src(%dma_wait3A_553 : memref<128x32xf32, #tpu.memory_space<vmem>>) dst(%dma_wait3A_559 : memref<10240x32xf32, #tpu.memory_space<vmem_shared>>)
      %dma_wait3A_560 = arith.constant 0 : i32
      %dma_wait3A_561 = tpu.memref_slice %arg11[%add3A_475, %dma_wait3A_560] : memref<80x128xi32, #tpu.memory_space<vmem>> -> memref<1x128xi32, #tpu.memory_space<vmem>>
      %dma_wait3A_562 = tpu.memref_squeeze %dma_wait3A_561 : memref<1x128xi32, #tpu.memory_space<vmem>> -> memref<128xi32, #tpu.memory_space<vmem>>
      %dma_wait3A_563 = arith.constant 0 : i32
      %dma_wait3A_564 = arith.constant 0 : i32
      %dma_wait3A_565 = tpu.memref_slice %arg15[%dma_wait3A_563, %dma_wait3A_564] : memref<10240x8xf32, #tpu.memory_space<vmem_shared>> -> memref<10240x8xf32, #tpu.memory_space<vmem_shared>>
      tpu.wait_indirect_dma semaphore(%arg19 : memref<!tpu.dma_semaphore, #tpu.memory_space<semaphore_mem>>) src(%arg13 : memref<128x8xf32, #tpu.memory_space<vmem>>) dst(%dma_wait3A_565 : memref<10240x8xf32, #tpu.memory_space<vmem_shared>>)
    }
    %scan3A_64 = arith.constant 10 : i32
    %barrier3A_65 = arith.constant 0 : index
    tpu.barrier barrier_id(%barrier3A_65)
    %mul3A_66 = arith.constant 640 : i32
    %mul3A_67 = arith.muli %arg1, %mul3A_66 : i32
    "tpu.region"() ({
      %run_scoped3A = tpu.sem_alloc : memref<!tpu.dma_semaphore, #tpu.memory_space<semaphore_mem>>
      %dma_start3A_68 = arith.constant 0 : i32
      %dma_start3A_69 = arith.constant 0 : i32
      %dma_start3A_70 = tpu.memref_slice %arg8[%arg0, %dma_start3A_68, %dma_start3A_69] : memref<2x10240x32xf32, #tpu.memory_space<hbm>> -> memref<1x10240x32xf32, #tpu.memory_space<hbm>>
      %dma_start3A_71 = tpu.memref_squeeze %dma_start3A_70 : memref<1x10240x32xf32, #tpu.memory_space<hbm>> -> memref<10240x32xf32, #tpu.memory_space<hbm>>
      %dma_start3A_72 = arith.constant 0 : i32
      %dma_start3A_73 = tpu.memref_slice %dma_start3A_71[%mul3A_67, %dma_start3A_72] : memref<10240x32xf32, #tpu.memory_space<hbm>> -> memref<640x32xf32, #tpu.memory_space<hbm>>
      %dma_start3A_74 = arith.constant 0 : i32
      %dma_start3A_75 = tpu.memref_slice %arg14[%mul3A_67, %dma_start3A_74] : memref<10240x32xf32, #tpu.memory_space<vmem_shared>> -> memref<640x32xf32, #tpu.memory_space<vmem_shared>>
      tpu.enqueue_dma source(%dma_start3A_75 : memref<640x32xf32, #tpu.memory_space<vmem_shared>>) target(%dma_start3A_73 : memref<640x32xf32, #tpu.memory_space<hbm>>) target_semaphore(%run_scoped3A : memref<!tpu.dma_semaphore, #tpu.memory_space<semaphore_mem>>)
      %dma_wait3A = arith.constant 0 : i32
      %dma_wait3A_76 = arith.constant 0 : i32
      %dma_wait3A_77 = tpu.memref_slice %arg8[%arg0, %dma_wait3A, %dma_wait3A_76] : memref<2x10240x32xf32, #tpu.memory_space<hbm>> -> memref<1x10240x32xf32, #tpu.memory_space<hbm>>
      %dma_wait3A_78 = tpu.memref_squeeze %dma_wait3A_77 : memref<1x10240x32xf32, #tpu.memory_space<hbm>> -> memref<10240x32xf32, #tpu.memory_space<hbm>>
      %dma_wait3A_79 = arith.constant 0 : i32
      %dma_wait3A_80 = tpu.memref_slice %dma_wait3A_78[%mul3A_67, %dma_wait3A_79] : memref<10240x32xf32, #tpu.memory_space<hbm>> -> memref<640x32xf32, #tpu.memory_space<hbm>>
      %dma_wait3A_81 = arith.constant 0 : i32
      %dma_wait3A_82 = tpu.memref_slice %arg14[%mul3A_67, %dma_wait3A_81] : memref<10240x32xf32, #tpu.memory_space<vmem_shared>> -> memref<640x32xf32, #tpu.memory_space<vmem_shared>>
      tpu.wait_dma2 semaphore(%run_scoped3A : memref<!tpu.dma_semaphore, #tpu.memory_space<semaphore_mem>>) src(%dma_wait3A_82 : memref<640x32xf32, #tpu.memory_space<vmem_shared>>) dst(%dma_wait3A_80 : memref<640x32xf32, #tpu.memory_space<hbm>>)
      tpu.yield
    }) : () -> ()
    "tpu.region"() ({
      %run_scoped3A = tpu.sem_alloc : memref<!tpu.dma_semaphore, #tpu.memory_space<semaphore_mem>>
      %dma_start3A_68 = arith.constant 0 : i32
      %dma_start3A_69 = arith.constant 0 : i32
      %dma_start3A_70 = tpu.memref_slice %arg9[%arg0, %dma_start3A_68, %dma_start3A_69] : memref<2x10240x8xf32, #tpu.memory_space<hbm>> -> memref<1x10240x8xf32, #tpu.memory_space<hbm>>
      %dma_start3A_71 = tpu.memref_squeeze %dma_start3A_70 : memref<1x10240x8xf32, #tpu.memory_space<hbm>> -> memref<10240x8xf32, #tpu.memory_space<hbm>>
      %dma_start3A_72 = arith.constant 0 : i32
      %dma_start3A_73 = tpu.memref_slice %dma_start3A_71[%mul3A_67, %dma_start3A_72] : memref<10240x8xf32, #tpu.memory_space<hbm>> -> memref<640x8xf32, #tpu.memory_space<hbm>>
      %dma_start3A_74 = arith.constant 0 : i32
      %dma_start3A_75 = tpu.memref_slice %arg15[%mul3A_67, %dma_start3A_74] : memref<10240x8xf32, #tpu.memory_space<vmem_shared>> -> memref<640x8xf32, #tpu.memory_space<vmem_shared>>
      tpu.enqueue_dma source(%dma_start3A_75 : memref<640x8xf32, #tpu.memory_space<vmem_shared>>) target(%dma_start3A_73 : memref<640x8xf32, #tpu.memory_space<hbm>>) target_semaphore(%run_scoped3A : memref<!tpu.dma_semaphore, #tpu.memory_space<semaphore_mem>>)
      %dma_wait3A = arith.constant 0 : i32
      %dma_wait3A_76 = arith.constant 0 : i32
      %dma_wait3A_77 = tpu.memref_slice %arg9[%arg0, %dma_wait3A, %dma_wait3A_76] : memref<2x10240x8xf32, #tpu.memory_space<hbm>> -> memref<1x10240x8xf32, #tpu.memory_space<hbm>>
      %dma_wait3A_78 = tpu.memref_squeeze %dma_wait3A_77 : memref<1x10240x8xf32, #tpu.memory_space<hbm>> -> memref<10240x8xf32, #tpu.memory_space<hbm>>
      %dma_wait3A_79 = arith.constant 0 : i32
      %dma_wait3A_80 = tpu.memref_slice %dma_wait3A_78[%mul3A_67, %dma_wait3A_79] : memref<10240x8xf32, #tpu.memory_space<hbm>> -> memref<640x8xf32, #tpu.memory_space<hbm>>
      %dma_wait3A_81 = arith.constant 0 : i32
      %dma_wait3A_82 = tpu.memref_slice %arg15[%mul3A_67, %dma_wait3A_81] : memref<10240x8xf32, #tpu.memory_space<vmem_shared>> -> memref<640x8xf32, #tpu.memory_space<vmem_shared>>
      tpu.wait_dma2 semaphore(%run_scoped3A : memref<!tpu.dma_semaphore, #tpu.memory_space<semaphore_mem>>) src(%dma_wait3A_82 : memref<640x8xf32, #tpu.memory_space<vmem_shared>>) dst(%dma_wait3A_80 : memref<640x8xf32, #tpu.memory_space<hbm>>)
      tpu.yield
    }) : () -> ()
    return
  }
}

module attributes {stable_mosaic.version = 14 : i64} {
  func.func @_tc1_body(%arg0: i32, %arg1: memref<1024x128xf32, #tpu.memory_space<vmem>>, %arg2: memref<128x64xf32, #tpu.memory_space<vmem>>, %arg3: memref<1024x32xf32, #tpu.memory_space<vmem>>, %arg4: memref<1024x32xf32, #tpu.memory_space<vmem>>) attributes {dimension_semantics = [#tpu.dimension_semantics<arbitrary>], iteration_bounds = array<i64: 10>, scalar_prefetch = 0 : i64, scratch_operands = 0 : i64, tpu.core_type = #tpu.core_type<tc>, window_params = [{transform_indices = @transform_0, window_bounds = array<i64: 1024, 128>}, {pipeline_mode = #tpu.pipeline_mode<synchronous>, transform_indices = @transform_1, window_bounds = array<i64: 128, 64>}, {transform_indices = @transform_2, window_bounds = array<i64: 1024, 32>}, {transform_indices = @transform_3, window_bounds = array<i64: 1024, 32>}]} {
    %get3A = arith.constant 0 : index
    %get3A_0 = arith.constant 0 : index
    %get3A_1 = vector.load %arg1[%get3A, %get3A_0] : memref<1024x128xf32, #tpu.memory_space<vmem>>, vector<1024x128xf32>
    %get3A_2 = arith.constant 0 : index
    %get3A_3 = arith.constant 0 : index
    %get3A_4 = vector.load %arg2[%get3A_2, %get3A_3] : memref<128x64xf32, #tpu.memory_space<vmem>>, vector<128x64xf32>
    %dot_general3A = arith.constant dense<0.000000e+00> : vector<1024x64xf32>
    %dot_general3A_5 = tpu.matmul %get3A_1, %get3A_4, %dot_general3A {dimension_numbers = #tpu.dot_dimension_numbers<[1], [0], [0], [1], [0, 0, 1, 1], [], []>, transpose_lhs_hint = false} : vector<1024x128xf32>, vector<128x64xf32>, vector<1024x64xf32> -> vector<1024x64xf32>
    %slice3A = vector.extract_strided_slice %dot_general3A_5 {offsets = [0, 0], sizes = [1024, 32], strides = [1, 1]} : vector<1024x64xf32> to vector<1024x32xf32>
    %swap3A = arith.constant 0 : index
    %swap3A_6 = arith.constant 0 : index
    %swap3A_7 = vector.load %arg3[%swap3A, %swap3A_6] : memref<1024x32xf32, #tpu.memory_space<vmem>>, vector<1024x32xf32>
    tpu.vector_store %arg3[%swap3A, %swap3A_6], %slice3A {strides = array<i32>} : memref<1024x32xf32, #tpu.memory_space<vmem>>, vector<1024x32xf32>,
    %slice3A_8 = vector.extract_strided_slice %dot_general3A_5 {offsets = [0, 32], sizes = [1024, 32], strides = [1, 1]} : vector<1024x64xf32> to vector<1024x32xf32>
    %swap3A_9 = arith.constant 0 : index
    %swap3A_10 = arith.constant 0 : index
    %swap3A_11 = vector.load %arg4[%swap3A_9, %swap3A_10] : memref<1024x32xf32, #tpu.memory_space<vmem>>, vector<1024x32xf32>
    tpu.vector_store %arg4[%swap3A_9, %swap3A_10], %slice3A_8 {strides = array<i32>} : memref<1024x32xf32, #tpu.memory_space<vmem>>, vector<1024x32xf32>,
    return
  }
  func.func @transform_0(%arg0: i32) -> (i32, i32) {
    %c0_i32 = arith.constant 0 : i32
    %c0_i32_0 = arith.constant 0 : i32
    return %arg0, %c0_i32 : i32, i32
  }
  func.func @transform_1(%arg0: i32) -> (i32, i32) {
    %c0_i32 = arith.constant 0 : i32
    %c0_i32_0 = arith.constant 0 : i32
    %c0_i32_1 = arith.constant 0 : i32
    return %c0_i32, %c0_i32_0 : i32, i32
  }
  func.func @transform_2(%arg0: i32) -> (i32, i32) {
    %c0_i32 = arith.constant 0 : i32
    %c0_i32_0 = arith.constant 0 : i32
    return %arg0, %c0_i32 : i32, i32
  }
  func.func @transform_3(%arg0: i32) -> (i32, i32) {
    %c0_i32 = arith.constant 0 : i32
    %c0_i32_0 = arith.constant 0 : i32
    return %arg0, %c0_i32 : i32, i32
  }
}

module attributes {stable_mosaic.version = 14 : i64} {
  func.func @_tc2_body(%arg0: i32, %arg1: memref<2x1024x32xf32, #tpu.memory_space<vmem>>, %arg2: memref<2x1024x8xf32, #tpu.memory_space<vmem>>, %arg3: memref<1024x32xf32, #tpu.memory_space<vmem>>, %arg4: memref<1x32xf32, #tpu.memory_space<vmem>>, %arg5: memref<32x32xf32, #tpu.memory_space<vmem>>, %arg6: memref<1024x16xf32, #tpu.memory_space<vmem>>, %arg7: memref<1024x16xf32, #tpu.memory_space<vmem>>) attributes {dimension_semantics = [#tpu.dimension_semantics<arbitrary>], iteration_bounds = array<i64: 10>, scalar_prefetch = 0 : i64, scratch_operands = 0 : i64, tpu.core_type = #tpu.core_type<tc>, window_params = [{transform_indices = @transform_0, window_bounds = array<i64: 2, 1024, 32>}, {transform_indices = @transform_1, window_bounds = array<i64: 2, 1024, 8>}, {transform_indices = @transform_2, window_bounds = array<i64: 1024, 32>}, {pipeline_mode = #tpu.pipeline_mode<synchronous>, transform_indices = @transform_3, window_bounds = array<i64: 1, 32>}, {pipeline_mode = #tpu.pipeline_mode<synchronous>, transform_indices = @transform_4, window_bounds = array<i64: 32, 32>}, {transform_indices = @transform_5, window_bounds = array<i64: 1024, 16>}, {transform_indices = @transform_6, window_bounds = array<i64: 1024, 16>}]} {
    %get3A = arith.constant 0 : index
    %get3A_0 = arith.constant 0 : index
    %get3A_1 = arith.constant 0 : index
    %get3A_2 = vector.load %arg1[%get3A, %get3A_0, %get3A_1] : memref<2x1024x32xf32, #tpu.memory_space<vmem>>, vector<1x1024x32xf32>
    %get3A_3 = vector.shape_cast %get3A_2 : vector<1x1024x32xf32> to vector<1024x32xf32>
    %get3A_4 = arith.constant 1 : index
    %get3A_5 = arith.constant 0 : index
    %get3A_6 = arith.constant 0 : index
    %get3A_7 = vector.load %arg1[%get3A_4, %get3A_5, %get3A_6] : memref<2x1024x32xf32, #tpu.memory_space<vmem>>, vector<1x1024x32xf32>
    %get3A_8 = vector.shape_cast %get3A_7 : vector<1x1024x32xf32> to vector<1024x32xf32>
    %add3A = arith.addf %get3A_3, %get3A_8 : vector<1024x32xf32>
    %get3A_9 = arith.constant 0 : index
    %get3A_10 = arith.constant 0 : index
    %get3A_11 = arith.constant 0 : index
    %get3A_12 = vector.load %arg2[%get3A_9, %get3A_10, %get3A_11] : memref<2x1024x8xf32, #tpu.memory_space<vmem>>, vector<1x1024x8xf32>
    %get3A_13 = vector.shape_cast %get3A_12 : vector<1x1024x8xf32> to vector<1024x8xf32>
    %get3A_14 = arith.constant 1 : index
    %get3A_15 = arith.constant 0 : index
    %get3A_16 = arith.constant 0 : index
    %get3A_17 = vector.load %arg2[%get3A_14, %get3A_15, %get3A_16] : memref<2x1024x8xf32, #tpu.memory_space<vmem>>, vector<1x1024x8xf32>
    %get3A_18 = vector.shape_cast %get3A_17 : vector<1x1024x8xf32> to vector<1024x8xf32>
    %add3A_19 = arith.addf %get3A_13, %get3A_18 : vector<1024x8xf32>
    %slice3A = vector.extract_strided_slice %add3A_19 {offsets = [0, 0], sizes = [1024, 1], strides = [1, 1]} : vector<1024x8xf32> to vector<1024x1xf32>
    %max3A = arith.constant 1.000000e+00 : f32
    %max3A_20 = vector.broadcast %max3A : f32 to vector<1024x1xf32>
    %max3A_21 = arith.maximumf %slice3A, %max3A_20 : vector<1024x1xf32>
    %div3A = arith.constant 1.000000e+00 : f32
    %div3A_22 = vector.broadcast %div3A : f32 to vector<1024x1xf32>
    %div3A_23 = arith.divf %div3A_22, %max3A_21 : vector<1024x1xf32>
    %mul3A = vector.broadcast %div3A_23 : vector<1024x1xf32> to vector<1024x32xf32>
    %mul3A_24 = arith.mulf %add3A, %mul3A : vector<1024x32xf32>
    %get3A_25 = arith.constant 0 : index
    %get3A_26 = arith.constant 0 : index
    %get3A_27 = vector.load %arg3[%get3A_25, %get3A_26] : memref<1024x32xf32, #tpu.memory_space<vmem>>, vector<1024x32xf32>
    %add3A_28 = arith.addf %mul3A_24, %get3A_27 : vector<1024x32xf32>
    %get3A_29 = arith.constant 0 : index
    %get3A_30 = arith.constant 0 : index
    %get3A_31 = vector.load %arg4[%get3A_29, %get3A_30] : memref<1x32xf32, #tpu.memory_space<vmem>>, vector<1x32xf32>
    %add3A_32 = vector.broadcast %get3A_31 : vector<1x32xf32> to vector<1024x32xf32>
    %add3A_33 = arith.addf %add3A_28, %add3A_32 : vector<1024x32xf32>
    %max3A_34 = arith.constant 0.000000e+00 : f32
    %max3A_35 = vector.broadcast %max3A_34 : f32 to vector<1024x32xf32>
    %max3A_36 = arith.maximumf %add3A_33, %max3A_35 : vector<1024x32xf32>
    %get3A_37 = arith.constant 0 : index
    %get3A_38 = arith.constant 0 : index
    %get3A_39 = vector.load %arg5[%get3A_37, %get3A_38] : memref<32x32xf32, #tpu.memory_space<vmem>>, vector<32x32xf32>
    %dot_general3A = arith.constant dense<0.000000e+00> : vector<1024x32xf32>
    %dot_general3A_40 = tpu.matmul %max3A_36, %get3A_39, %dot_general3A {dimension_numbers = #tpu.dot_dimension_numbers<[1], [0], [0], [1], [0, 0, 1, 1], [], []>, transpose_lhs_hint = false} : vector<1024x32xf32>, vector<32x32xf32>, vector<1024x32xf32> -> vector<1024x32xf32>
    %slice3A_41 = vector.extract_strided_slice %dot_general3A_40 {offsets = [0, 0], sizes = [1024, 16], strides = [1, 1]} : vector<1024x32xf32> to vector<1024x16xf32>
    %swap3A = arith.constant 0 : index
    %swap3A_42 = arith.constant 0 : index
    %swap3A_43 = vector.load %arg6[%swap3A, %swap3A_42] : memref<1024x16xf32, #tpu.memory_space<vmem>>, vector<1024x16xf32>
    tpu.vector_store %arg6[%swap3A, %swap3A_42], %slice3A_41 {strides = array<i32>} : memref<1024x16xf32, #tpu.memory_space<vmem>>, vector<1024x16xf32>,
    %slice3A_44 = vector.extract_strided_slice %dot_general3A_40 {offsets = [0, 16], sizes = [1024, 16], strides = [1, 1]} : vector<1024x32xf32> to vector<1024x16xf32>
    %swap3A_45 = arith.constant 0 : index
    %swap3A_46 = arith.constant 0 : index
    %swap3A_47 = vector.load %arg7[%swap3A_45, %swap3A_46] : memref<1024x16xf32, #tpu.memory_space<vmem>>, vector<1024x16xf32>
    tpu.vector_store %arg7[%swap3A_45, %swap3A_46], %slice3A_44 {strides = array<i32>} : memref<1024x16xf32, #tpu.memory_space<vmem>>, vector<1024x16xf32>,
    return
  }
  func.func @transform_0(%arg0: i32) -> (i32, i32, i32) {
    %c0_i32 = arith.constant 0 : i32
    %c0_i32_0 = arith.constant 0 : i32
    %c0_i32_1 = arith.constant 0 : i32
    return %c0_i32, %arg0, %c0_i32_0 : i32, i32, i32
  }
  func.func @transform_1(%arg0: i32) -> (i32, i32, i32) {
    %c0_i32 = arith.constant 0 : i32
    %c0_i32_0 = arith.constant 0 : i32
    %c0_i32_1 = arith.constant 0 : i32
    return %c0_i32, %arg0, %c0_i32_0 : i32, i32, i32
  }
  func.func @transform_2(%arg0: i32) -> (i32, i32) {
    %c0_i32 = arith.constant 0 : i32
    %c0_i32_0 = arith.constant 0 : i32
    return %arg0, %c0_i32 : i32, i32
  }
  func.func @transform_3(%arg0: i32) -> (i32, i32) {
    %c0_i32 = arith.constant 0 : i32
    %c0_i32_0 = arith.constant 0 : i32
    %c0_i32_1 = arith.constant 0 : i32
    return %c0_i32, %c0_i32_0 : i32, i32
  }
  func.func @transform_4(%arg0: i32) -> (i32, i32) {
    %c0_i32 = arith.constant 0 : i32
    %c0_i32_0 = arith.constant 0 : i32
    %c0_i32_1 = arith.constant 0 : i32
    return %c0_i32, %c0_i32_0 : i32, i32
  }
  func.func @transform_5(%arg0: i32) -> (i32, i32) {
    %c0_i32 = arith.constant 0 : i32
    %c0_i32_0 = arith.constant 0 : i32
    return %arg0, %c0_i32 : i32, i32
  }
  func.func @transform_6(%arg0: i32) -> (i32, i32) {
    %c0_i32 = arith.constant 0 : i32
    %c0_i32_0 = arith.constant 0 : i32
    return %arg0, %c0_i32 : i32, i32
  }
}

module attributes {stable_mosaic.version = 14 : i64} {
  func.func @_tc3_body(%arg0: i32, %arg1: memref<2x1024x16xf32, #tpu.memory_space<vmem>>, %arg2: memref<2x1024x8xf32, #tpu.memory_space<vmem>>, %arg3: memref<1024x16xf32, #tpu.memory_space<vmem>>, %arg4: memref<1x16xf32, #tpu.memory_space<vmem>>, %arg5: memref<1x1024xi32, #tpu.memory_space<vmem>>, %arg6: memref<16x10xf32, #tpu.memory_space<vmem>>, %arg7: memref<1x10xf32, #tpu.memory_space<vmem>>, %arg8: memref<64x10xf32, #tpu.memory_space<vmem>>, %arg9: memref<64x32xf32, #tpu.memory_space<vmem>>) attributes {dimension_semantics = [#tpu.dimension_semantics<arbitrary>], iteration_bounds = array<i64: 10>, scalar_prefetch = 0 : i64, scratch_operands = 1 : i64, tpu.core_type = #tpu.core_type<tc>, window_params = [{transform_indices = @transform_0, window_bounds = array<i64: 2, 1024, 16>}, {transform_indices = @transform_1, window_bounds = array<i64: 2, 1024, 8>}, {transform_indices = @transform_2, window_bounds = array<i64: 1024, 16>}, {pipeline_mode = #tpu.pipeline_mode<synchronous>, transform_indices = @transform_3, window_bounds = array<i64: 1, 16>}, {transform_indices = @transform_4, window_bounds = array<i64: 1, 1024>}, {pipeline_mode = #tpu.pipeline_mode<synchronous>, transform_indices = @transform_5, window_bounds = array<i64: 16, 10>}, {pipeline_mode = #tpu.pipeline_mode<synchronous>, transform_indices = @transform_6, window_bounds = array<i64: 1, 10>}, {pipeline_mode = #tpu.pipeline_mode<synchronous>, transform_indices = @transform_7, window_bounds = array<i64: 64, 10>}]} {
    %eq3A = arith.constant 0 : i32
    %eq3A_0 = arith.cmpi eq, %arg0, %eq3A : i32
    %convert_element_type3A = arith.extui %eq3A_0 : i1 to i32
    %cond3A = arith.constant 0 : i32
    %cond3A_1 = arith.cmpi ne, %convert_element_type3A, %cond3A : i32
    scf.if %cond3A_1 {
      %broadcast_in_dim3A_60 = arith.constant 0.000000e+00 : f32
      %broadcast_in_dim3A_61 = vector.broadcast %broadcast_in_dim3A_60 : f32 to vector<64x32xf32>
      %swap3A_62 = arith.constant 0 : index
      %swap3A_63 = arith.constant 0 : index
      %swap3A_64 = vector.load %arg9[%swap3A_62, %swap3A_63] : memref<64x32xf32, #tpu.memory_space<vmem>>, vector<64x32xf32>
      tpu.vector_store %arg9[%swap3A_62, %swap3A_63], %broadcast_in_dim3A_61 {strides = array<i32>} : memref<64x32xf32, #tpu.memory_space<vmem>>, vector<64x32xf32>,
    } else {
    }
    %get3A = arith.constant 0 : index
    %get3A_2 = arith.constant 0 : index
    %get3A_3 = arith.constant 0 : index
    %get3A_4 = vector.load %arg1[%get3A, %get3A_2, %get3A_3] : memref<2x1024x16xf32, #tpu.memory_space<vmem>>, vector<1x1024x16xf32>
    %get3A_5 = vector.shape_cast %get3A_4 : vector<1x1024x16xf32> to vector<1024x16xf32>
    %get3A_6 = arith.constant 1 : index
    %get3A_7 = arith.constant 0 : index
    %get3A_8 = arith.constant 0 : index
    %get3A_9 = vector.load %arg1[%get3A_6, %get3A_7, %get3A_8] : memref<2x1024x16xf32, #tpu.memory_space<vmem>>, vector<1x1024x16xf32>
    %get3A_10 = vector.shape_cast %get3A_9 : vector<1x1024x16xf32> to vector<1024x16xf32>
    %add3A = arith.addf %get3A_5, %get3A_10 : vector<1024x16xf32>
    %get3A_11 = arith.constant 0 : index
    %get3A_12 = arith.constant 0 : index
    %get3A_13 = arith.constant 0 : index
    %get3A_14 = vector.load %arg2[%get3A_11, %get3A_12, %get3A_13] : memref<2x1024x8xf32, #tpu.memory_space<vmem>>, vector<1x1024x8xf32>
    %get3A_15 = vector.shape_cast %get3A_14 : vector<1x1024x8xf32> to vector<1024x8xf32>
    %get3A_16 = arith.constant 1 : index
    %get3A_17 = arith.constant 0 : index
    %get3A_18 = arith.constant 0 : index
    %get3A_19 = vector.load %arg2[%get3A_16, %get3A_17, %get3A_18] : memref<2x1024x8xf32, #tpu.memory_space<vmem>>, vector<1x1024x8xf32>
    %get3A_20 = vector.shape_cast %get3A_19 : vector<1x1024x8xf32> to vector<1024x8xf32>
    %add3A_21 = arith.addf %get3A_15, %get3A_20 : vector<1024x8xf32>
    %slice3A = vector.extract_strided_slice %add3A_21 {offsets = [0, 0], sizes = [1024, 1], strides = [1, 1]} : vector<1024x8xf32> to vector<1024x1xf32>
    %max3A = arith.constant 1.000000e+00 : f32
    %max3A_22 = vector.broadcast %max3A : f32 to vector<1024x1xf32>
    %max3A_23 = arith.maximumf %slice3A, %max3A_22 : vector<1024x1xf32>
    %div3A = arith.constant 1.000000e+00 : f32
    %div3A_24 = vector.broadcast %div3A : f32 to vector<1024x1xf32>
    %div3A_25 = arith.divf %div3A_24, %max3A_23 : vector<1024x1xf32>
    %mul3A = vector.broadcast %div3A_25 : vector<1024x1xf32> to vector<1024x16xf32>
    %mul3A_26 = arith.mulf %add3A, %mul3A : vector<1024x16xf32>
    %get3A_27 = arith.constant 0 : index
    %get3A_28 = arith.constant 0 : index
    %get3A_29 = vector.load %arg3[%get3A_27, %get3A_28] : memref<1024x16xf32, #tpu.memory_space<vmem>>, vector<1024x16xf32>
    %add3A_30 = arith.addf %mul3A_26, %get3A_29 : vector<1024x16xf32>
    %get3A_31 = arith.constant 0 : index
    %get3A_32 = arith.constant 0 : index
    %get3A_33 = vector.load %arg4[%get3A_31, %get3A_32] : memref<1x16xf32, #tpu.memory_space<vmem>>, vector<1x16xf32>
    %add3A_34 = vector.broadcast %get3A_33 : vector<1x16xf32> to vector<1024x16xf32>
    %add3A_35 = arith.addf %add3A_30, %add3A_34 : vector<1024x16xf32>
    %get3A_36 = arith.constant 0 : index
    %get3A_37 = arith.constant 0 : index
    %get3A_38 = vector.load %arg5[%get3A_36, %get3A_37] : memref<1x1024xi32, #tpu.memory_space<vmem>>, vector<1x1024xi32>
    %get3A_39 = vector.shape_cast %get3A_38 : vector<1x1024xi32> to vector<1024xi32>
    %broadcast_in_dim3A = vector.shape_cast %get3A_39 : vector<1024xi32> to vector<1x1024xi32>
    %iota3A = tpu.iota {dimensions = array<i32: 0>} : vector<64x1024xi32>
    %eq3A_40 = vector.broadcast %broadcast_in_dim3A : vector<1x1024xi32> to vector<64x1024xi32>
    %eq3A_41 = arith.cmpi eq, %eq3A_40, %iota3A : vector<64x1024xi32>
    %convert_element_type3A_42 = arith.extui %eq3A_41 : vector<64x1024xi1> to vector<64x1024xi32>
    %convert_element_type3A_43 = arith.sitofp %convert_element_type3A_42 : vector<64x1024xi32> to vector<64x1024xf32>
    %broadcast_in_dim3A_44 = arith.constant 1.000000e+00 : f32
    %broadcast_in_dim3A_45 = vector.broadcast %broadcast_in_dim3A_44 : f32 to vector<1024x1xf32>
    %broadcast_in_dim3A_46 = arith.constant 0.000000e+00 : f32
    %broadcast_in_dim3A_47 = vector.broadcast %broadcast_in_dim3A_46 : f32 to vector<1024x15xf32>
    %concatenate3A = tpu.concatenate %add3A_35, %broadcast_in_dim3A_45, %broadcast_in_dim3A_47 in 1 : vector<1024x16xf32>, vector<1024x1xf32>, vector<1024x15xf32> -> vector<1024x32xf32>
    %get3A_48 = arith.constant 0 : index
    %get3A_49 = arith.constant 0 : index
    %get3A_50 = vector.load %arg9[%get3A_48, %get3A_49] : memref<64x32xf32, #tpu.memory_space<vmem>>, vector<64x32xf32>
    %dot_general3A = arith.constant dense<0.000000e+00> : vector<64x32xf32>
    %dot_general3A_51 = tpu.matmul %convert_element_type3A_43, %concatenate3A, %dot_general3A {dimension_numbers = #tpu.dot_dimension_numbers<[1], [0], [0], [1], [0, 0, 1, 1], [], []>, transpose_lhs_hint = false} : vector<64x1024xf32>, vector<1024x32xf32>, vector<64x32xf32> -> vector<64x32xf32>
    %add3A_52 = arith.addf %get3A_50, %dot_general3A_51 : vector<64x32xf32>
    %swap3A = arith.constant 0 : index
    %swap3A_53 = arith.constant 0 : index
    %swap3A_54 = vector.load %arg9[%swap3A, %swap3A_53] : memref<64x32xf32, #tpu.memory_space<vmem>>, vector<64x32xf32>
    tpu.vector_store %arg9[%swap3A, %swap3A_53], %add3A_52 {strides = array<i32>} : memref<64x32xf32, #tpu.memory_space<vmem>>, vector<64x32xf32>,
    %eq3A_55 = arith.constant 9 : i32
    %eq3A_56 = arith.cmpi eq, %arg0, %eq3A_55 : i32
    %convert_element_type3A_57 = arith.extui %eq3A_56 : i1 to i32
    %cond3A_58 = arith.constant 0 : i32
    %cond3A_59 = arith.cmpi ne, %convert_element_type3A_57, %cond3A_58 : i32
    scf.if %cond3A_59 {
      %get3A_60 = arith.constant 0 : index
      %get3A_61 = arith.constant 0 : index
      %get3A_62 = vector.load %arg9[%get3A_60, %get3A_61] : memref<64x32xf32, #tpu.memory_space<vmem>>, vector<64x32xf32>
      %slice3A_63 = vector.extract_strided_slice %get3A_62 {offsets = [0, 0], sizes = [64, 16], strides = [1, 1]} : vector<64x32xf32> to vector<64x16xf32>
      %slice3A_64 = vector.extract_strided_slice %get3A_62 {offsets = [0, 16], sizes = [64, 1], strides = [1, 1]} : vector<64x32xf32> to vector<64x1xf32>
      %max3A_65 = arith.constant 1.000000e+00 : f32
      %max3A_66 = vector.broadcast %max3A_65 : f32 to vector<64x1xf32>
      %max3A_67 = arith.maximumf %slice3A_64, %max3A_66 : vector<64x1xf32>
      %div3A_68 = vector.broadcast %max3A_67 : vector<64x1xf32> to vector<64x16xf32>
      %div3A_69 = arith.divf %slice3A_63, %div3A_68 : vector<64x16xf32>
      %get3A_70 = arith.constant 0 : index
      %get3A_71 = arith.constant 0 : index
      %get3A_72 = vector.load %arg6[%get3A_70, %get3A_71] : memref<16x10xf32, #tpu.memory_space<vmem>>, vector<16x10xf32>
      %dot_general3A_73 = arith.constant dense<0.000000e+00> : vector<64x10xf32>
      %dot_general3A_74 = tpu.matmul %div3A_69, %get3A_72, %dot_general3A_73 {dimension_numbers = #tpu.dot_dimension_numbers<[1], [0], [0], [1], [0, 0, 1, 1], [], []>, transpose_lhs_hint = false} : vector<64x16xf32>, vector<16x10xf32>, vector<64x10xf32> -> vector<64x10xf32>
      %get3A_75 = arith.constant 0 : index
      %get3A_76 = arith.constant 0 : index
      %get3A_77 = vector.load %arg7[%get3A_75, %get3A_76] : memref<1x10xf32, #tpu.memory_space<vmem>>, vector<1x10xf32>
      %add3A_78 = vector.broadcast %get3A_77 : vector<1x10xf32> to vector<64x10xf32>
      %add3A_79 = arith.addf %dot_general3A_74, %add3A_78 : vector<64x10xf32>
      %swap3A_80 = arith.constant 0 : index
      %swap3A_81 = arith.constant 0 : index
      %swap3A_82 = vector.load %arg8[%swap3A_80, %swap3A_81] : memref<64x10xf32, #tpu.memory_space<vmem>>, vector<64x10xf32>
      tpu.vector_store %arg8[%swap3A_80, %swap3A_81], %add3A_79 {strides = array<i32>} : memref<64x10xf32, #tpu.memory_space<vmem>>, vector<64x10xf32>,
    } else {
    }
    return
  }
  func.func @transform_0(%arg0: i32) -> (i32, i32, i32) {
    %c0_i32 = arith.constant 0 : i32
    %c0_i32_0 = arith.constant 0 : i32
    %c0_i32_1 = arith.constant 0 : i32
    return %c0_i32, %arg0, %c0_i32_0 : i32, i32, i32
  }
  func.func @transform_1(%arg0: i32) -> (i32, i32, i32) {
    %c0_i32 = arith.constant 0 : i32
    %c0_i32_0 = arith.constant 0 : i32
    %c0_i32_1 = arith.constant 0 : i32
    return %c0_i32, %arg0, %c0_i32_0 : i32, i32, i32
  }
  func.func @transform_2(%arg0: i32) -> (i32, i32) {
    %c0_i32 = arith.constant 0 : i32
    %c0_i32_0 = arith.constant 0 : i32
    return %arg0, %c0_i32 : i32, i32
  }
  func.func @transform_3(%arg0: i32) -> (i32, i32) {
    %c0_i32 = arith.constant 0 : i32
    %c0_i32_0 = arith.constant 0 : i32
    %c0_i32_1 = arith.constant 0 : i32
    return %c0_i32, %c0_i32_0 : i32, i32
  }
  func.func @transform_4(%arg0: i32) -> (i32, i32) {
    %c0_i32 = arith.constant 0 : i32
    %c0_i32_0 = arith.constant 0 : i32
    return %c0_i32, %arg0 : i32, i32
  }
  func.func @transform_5(%arg0: i32) -> (i32, i32) {
    %c0_i32 = arith.constant 0 : i32
    %c0_i32_0 = arith.constant 0 : i32
    %c0_i32_1 = arith.constant 0 : i32
    return %c0_i32, %c0_i32_0 : i32, i32
  }
  func.func @transform_6(%arg0: i32) -> (i32, i32) {
    %c0_i32 = arith.constant 0 : i32
    %c0_i32_0 = arith.constant 0 : i32
    %c0_i32_1 = arith.constant 0 : i32
    return %c0_i32, %c0_i32_0 : i32, i32
  }
  func.func @transform_7(%arg0: i32) -> (i32, i32) {
    %c0_i32 = arith.constant 0 : i32
    %c0_i32_0 = arith.constant 0 : i32
    %c0_i32_1 = arith.constant 0 : i32
    return %c0_i32, %c0_i32_0 : i32, i32
  }
}

</mosaic_0001>

<sc_bundles>
// kernel: kernel.10.cloned.1.call-start
scs
__scs_entry_jumppad:
0x0: {  	(pc) =	sbr.rel $0x88, $3  }
0x1: {  	(tag) =	ssettag $0x0;
	lr =	simm.s32 $0x1  }
0x2: {  	[smem:$0x3F96] =	sst lr;
	_ =	strace $0xD0000000  }
0x3: {  	_ = 	snop  }
0x4: {  	_ = 	snop  }
0x5: {  	_ = 	snop  }
0x6: {  	_ = 	snop  }
0x7: {  	_ = 	snop  }
__scs_overlays_trampoline_lowered:
0x8: {  	[smem:$0x3FA5] =	sst s0  }
0x9: {  	[smem:$0x3FA6] =	sst s1  }
0xa: {  	[smem:$0x3FA7] =	sst s2  }
0xb: {  	[smem:$0x3FA8] =	sst s3  }
0xc: {  	[smem:$0x3FA9] =	sst s4  }
0xd: {  	[smem:$0x3FAA] =	sst s5  }
0xe: {  	[smem:$0x3FAB] =	sst s6  }
0xf: {  	[smem:$0x3FAC] =	sst s7  }
0x10: {  	[smem:$0x3FAD] =	sst s8  }
0x11: {  	[smem:$0x3FAE] =	sst s9;
	s0 =	simm.s32 @!p0 $0x0  }
0x12: {  	s1 =	sld [smem:$0x3F94];
	s0 =	simm.s32 @p0 $0x1  }
0x13: {  	[smem:$0x3FAF] =	sst s0;
	s0 =	simm.s32 @!p1 $0x0  }
0x14: {  	s2 =	sld [smem:$0x3F93];
	s0 =	simm.s32 @p1 $0x1  }
0x15: {  	[smem:$0x3FB0] =	sst s0;
	s0 =	simm.s32 @!p2 $0x0  }
0x16: {  	s3 =	sld [smem:$0x3FDB];
	s0 =	simm.s32 @p2 $0x1  }
0x17: {  	s4 =	simm.s32 $0x1BF5;
	[smem:$0x3FB2] =	sst s0  }
0x18: {  	s0 =	sld [smem:$0x3F95];
	_ =	swait.ge [sflag:s4], $0x0  }
0x19: {  	s7 =	sld [smem:$0x3F96]  }
0x1a: {  	s8 =	sadd.s32 $0xFFFFE003, lr  }
0x1b: {  	s9 =	sadd.s32 $0xFFFFFEF7, lr;
	s5 =	simm.s32 $0xFFFFFFFF;
	p2 =	slt.u32 s8, $0xFFFFF086  }
0x1c: {  	p1 =	slt.u32 s9, $0xF7A;
	s5 =	simm.s32 @!p2 $0x0  }
0x1d: {  	s5 =	simm.s32 @p1 $0x1;
	p0 =	seq.s32 s7, s2  }
0x1e: {  	s7 =	smul.u32 @!p0 $0xF7A, s2;
	p2 =	seq.s32 @!p0 s5, $0x0  }
0x1f: {  	s9 =	smul.u32 $0xF7A, s1;
	s8 =	simm.s32 @!p0 $0x1BF5;
	p2 =	por !p2, p0  }
0x20: {  	[sflag:s8] =	ssyncset.s32 @!p0 $0xFFFFF086;
	s6 =	sadd.s32 @!p0 s3, s7;
	s7 =	simm.s32 @!p0 $0x108  }
0x21: {  	s3 =	sadd.s32 s3, s9;
	s6 =	sadd.s32 @!p0 $0x88, s6;
	s7 =	simm.s32 @p2 $0x1082  }
0x22: {  	[simem:s7], [sflag:s8] =	dma.local @!p0 [hbm:s6], $0xF7A  }
0x23: {  	s9 =	sor.u32 $0xD0000000, s2;
	s6 =	simm.s32 $0x108;
	_ =	swait.ge @!p0 [sflag:s8], $0x0  }
0x24: {  	s3 =	sadd.s32 $0x88, s3;
	s6 =	simm.s32 @!p1 $0x1082;
	[sflag:s4] =	ssyncset.s32 $0xFFFFF086  }
0x25: {  	[simem:s6], [sflag:s4] =	dma.local [hbm:s3], $0xF7A  }
0x26: {  	[smem:$0x3F96] =	sst s1;
	(tag) =	ssettag s2;
	_ =	strace s9  }
0x27: {  	s1 =	sld [smem:$0x3FA6]  }
0x28: {  	s2 =	sld [smem:$0x3FA7]  }
0x29: {  	s4 =	sld [smem:$0x3FA9]  }
0x2a: {  	p0 =	seq.s32 s5, $0x0;
	s5 =	sld [smem:$0x3FAA]  }
0x2b: {  	s6 =	sld [smem:$0x3FAB]  }
0x2c: {  	s7 =	sld [smem:$0x3FAC]  }
0x2d: {  	s3 =	simm.s32 $0x108;
	s8 =	sld [smem:$0x3FAD]  }
0x2e: {  	s3 =	simm.s32 @!p0 $0x1082;
	s9 =	sld [smem:$0x3FAE]  }
0x2f: {  	lr =	sadd.s32 s0, s3;
	s0 =	sld [smem:$0x3FA5]  }
0x30: {  	s3 =	sld [smem:$0x3FA8]  }
0x31: {  	[smem:$0x3FB1] =	sst s10  }
0x32: {  	s10 =	sld [smem:$0x3FAF];
	_ =	sdelay $0x3  }
0x33: {  	p0 =	seq.s32 s10, $0x1;
	s10 =	sld [smem:$0x3FB1];
	_ =	sdelay $0x3  }
0x34: {  	[smem:$0x3FB1] =	sst s10  }
0x35: {  	s10 =	sld [smem:$0x3FB0];
	_ =	sdelay $0x3  }
0x36: {  	p1 =	seq.s32 s10, $0x1;
	s10 =	sld [smem:$0x3FB1];
	_ =	sdelay $0x3  }
0x37: {  	[smem:$0x3FB1] =	sst s10  }
0x38: {  	s10 =	sld [smem:$0x3FB2]  }
0x39: {  	_ = 	snop;
	(pc) =	sbr.ind lr, $3  }
0x3a: {  	_ = 	snop  }
0x3b: {  	_ = 	snop  }
0x3c: {  	p2 =	seq.s32 s10, $0x1;
	s10 =	sld [smem:$0x3FB1]  }
0x3d: {  	_ =	shalt  }
0x3e: {  	_ =	shalt  }
0x3f: {  	_ =	shalt  }
0x40: {  	_ =	shalt  }
0x41: {  	_ =	shalt  }
0x42: {  	_ =	shalt  }
0x43: {  	_ =	shalt  }
0x44: {  	_ =	shalt  }
0x45: {  	_ =	shalt  }
0x46: {  	_ =	shalt  }
0x47: {  	_ =	shalt  }
0x48: {  	_ =	shalt  }
0x49: {  	_ =	shalt  }
0x4a: {  	_ =	shalt  }
0x4b: {  	_ =	shalt  }
0x4c: {  	_ =	shalt  }
0x4d: {  	_ =	shalt  }
0x4e: {  	_ =	shalt  }
0x4f: {  	_ =	shalt  }
0x50: {  	_ =	shalt  }
0x51: {  	_ =	shalt  }
0x52: {  	_ =	shalt  }
0x53: {  	_ =	shalt  }
0x54: {  	_ =	shalt  }
0x55: {  	_ =	shalt  }
0x56: {  	_ =	shalt  }
0x57: {  	_ =	shalt  }
0x58: {  	_ =	shalt  }
0x59: {  	_ =	shalt  }
0x5a: {  	_ =	shalt  }
0x5b: {  	_ =	shalt  }
0x5c: {  	_ =	shalt  }
0x5d: {  	_ =	shalt  }
0x5e: {  	_ =	shalt  }
0x5f: {  	_ =	shalt  }
0x60: {  	_ =	shalt  }
0x61: {  	_ =	shalt  }
0x62: {  	_ =	shalt  }
0x63: {  	_ =	shalt  }
0x64: {  	_ =	shalt  }
0x65: {  	_ =	shalt  }
0x66: {  	_ =	shalt  }
0x67: {  	_ =	shalt  }
0x68: {  	_ =	shalt  }
0x69: {  	_ =	shalt  }
0x6a: {  	_ =	shalt  }
0x6b: {  	_ =	shalt  }
0x6c: {  	_ =	shalt  }
0x6d: {  	_ =	shalt  }
0x6e: {  	_ =	shalt  }
0x6f: {  	_ =	shalt  }
0x70: {  	_ =	shalt  }
0x71: {  	_ =	shalt  }
0x72: {  	_ =	shalt  }
0x73: {  	_ =	shalt  }
0x74: {  	_ =	shalt  }
0x75: {  	_ =	shalt  }
0x76: {  	_ =	shalt  }
0x77: {  	_ =	shalt  }
0x78: {  	_ =	shalt  }
0x79: {  	_ =	shalt  }
0x7a: {  	_ =	shalt  }
0x7b: {  	_ =	shalt  }
0x7c: {  	_ =	shalt  }
0x7d: {  	_ =	shalt  }
0x7e: {  	_ =	shalt  }
0x7f: {  	_ =	shalt  }
0x80: {  	_ =	shalt  }
0x81: {  	_ =	shalt  }
0x82: {  	_ =	shalt  }
0x83: {  	_ =	shalt  }
0x84: {  	_ =	shalt  }
0x85: {  	_ =	shalt  }
0x86: {  	_ =	shalt  }
0x87: {  	_ =	shalt  }
.Lfunc_end0:
.L_simem_size_0:
called_computation.1_lowered:
.L_overlay_start_0:
0x88: {  	s2 =	sld [smem:$0x3FD9]  }
0x89: {  	s3 =	sld [smem:$0x3FFE];
	_ =	sdelay $0x1  }
0x8a: {  	s1 =	srdreg.scid  }
0x8b: {  	s0 =	sand.u32 $0x1, s1  }
0x8c: {  	s16 =	sshll.u32 s0, $0xA;
	s2 =	sadd.s32 s3, s2  }
0x8d: {  	s2 =	sadd.s32 s2, s16  }
0x8e: {  	[smem:$0x3FBD] =	sst s2  }
0x8f: {  	_ = 	snop  }
0x90: {  	(tm) =	ssettm $0x1  }
0x91: {  	s17 =	sld [smem:$0x3FFB];
	_ =	sdelay $0x3  }
0x92: {  	_ =	strace s17  }
0x93: {  	s2 =	sld [smem:$0x3FFC];
	_ =	sdelay $0x3  }
0x94: {  	_ =	strace s2  }
0x95: {  	s2 =	sld [smem:$0x3FFD];
	_ =	sdelay $0x3  }
0x96: {  	_ =	strace s2  }
0x97: {  	_ =	strace $0x8FFFFFFF  }
0x98: {  	s18 =	sld [smem:$0x3FDB];
	_ =	sdelay $0x1  }
0x99: {  	s19 =	simm.s32 $_scs_section_size  }
0x9a: {  	s4 =	simm.s32 $_size__tile_overlayer_lowered;
	s5 =	simm.s32 $_tile_overlayer_lowered  }
0x9b: {  	s22 =	simm.s32 $0x1BFF;
	s21 =	sshll.u32 s5, $0x1;
	s2 =	sadd.s32 s19, s18  }
0x9c: {  	s6 =	simm.s32 $0x0;
	s20 =	sshll.u32 s4, $0x1;
	s4 =	sadd.s32 s21, s2  }
0x9d: {  	[timem:s6], [sflag:s22] =	dma.local [hbm:s4], s20  }
0x9e: {  	_ =	swait.ge [sflag:s22], s20  }
0x9f: {  	s3 =	ssub.s32 $0x0, s20;
	[sflag:s22] =	ssyncset.done $0x0  }
0xa0: {  	[sflag:s22] =	ssyncadd.s32 s3;
	_ =	sdelay $0x1  }
0xa1: {  	s23 =	simm.s32 $0x1B8B  }
0xa2: {  	_ =	swait.ge [sflag:s23], $0x1  }
0xa3: {  	[sflag:s23] =	ssyncset.done $0x0  }
0xa4: {  	s25 =	simm.s32 $0x1B8E;
	s24 =	sld [smem:$0x3FFE];
	[sflag:s23] =	ssyncadd.s32 $0xFFFFFFFF  }
0xa5: {  	s26 =	simm.s32 $execute0_lowered;
	[smem:$0x3FD2] =	sst s25  }
0xa6: {  	s4 =	sshll.u32 s26, $0x1;
	_ =	strace $0x80000049;
	[dreg:$0x1] =	wrdreg $0xFFFFFFFF  }
0xa7: {  	s28 =	simm.s32 $_size_execute0_lowered;
	s2 =	sadd.s32 s2, s4;
	[dreg:$0x0] =	wrdreg $0x0  }
0xa8: {  	s4 =	sshll.u32 s28, $0x1;
	[dreg:$0x2] =	wrdreg s2  }
0xa9: {  	[dreg:$0x3] =	wrdreg s4  }
0xaa: {  	[dreg:$0x4] =	wrdreg $0xC0  }
0xab: {  	_ =	task [dreg:s6], $0x5FFFF  }
0xac: {  	[dreg:$0x1] =	wrdreg $0xFFFFFFFF  }
0xad: {  	[dreg:$0x0] =	wrdreg $0x60  }
0xae: {  	[dreg:$0x2] =	wrdreg s24  }
0xaf: {  	[dreg:$0x3] =	wrdreg $0x90000  }
0xb0: {  	[dreg:$0x4] =	wrdreg $0xB8000  }
0xb1: {  	[dreg:$0x5] =	wrdreg $0x9  }
0xb2: {  	_ =	task.clear_ibuf [dreg:s6], $0x6FFFF;
	_ =	strace $0x90000049  }
0xb3: {  	s29 =	simm.s32 $0x9;
	_ =	strace $0x8000004B  }
0xb4: {  	_ =	swait.ge [sflag:s29], $0x1  }
0xb5: {  	[sflag:s29] =	ssyncadd.s32 $0xFFFFFFFF  }
0xb6: {  	_ =	strace $0x9000004B  }
0xb7: {  	_ =	sfence  }
0xb8: {  	s30 =	sld [smem:$0x0];
	_ =	sdelay $0x2  }
0xb9: {  	s31 =	sshll.u32 s1, $0xD;
	s1 =	sshrl.u32 s1, $0x2  }
0xba: {  	s3 =	sand.u32 $0x4000, s31;
	s1 =	sadd.s32 s1, s30  }
0xbb: {  	s0 =	sor.u32 s3, s0;
	s1 =	sshll.u32 s1, $0x11  }
0xbc: {  	s0 =	sor.u32 s1, s0  }
0xbd: {  	s0 =	sadd.s32 $0x8F2B, s0  }
0xbe: {  	[sflag:s0] =	ssyncadd.remote.s32 $0x1  }
0xbf: {  	_ =	sfence.sel $0xFFFF  }
0xc0: {  	[dreg:$0x0] =	wrdreg $0xFFFFFFFF;
	(pc) =	sbr.abs _section_cstart, $3  }
0xc1: {  	[dreg:$0x1] =	wrdreg $0xFFFFFFFF  }
0xc2: {  	_ =	task.clear_ibuf [dreg:s6], $0x2FFFF;
	_ =	strace $0x9FFFFFFF  }
0xc3: {  	(tm) =	ssettm $0x7FFFFFFF  }
tec
execute0_lowered:
.L_overlay_start_1:
0x0: {  	(tag) =	ssettag $0x1  }
0x1: {  	s0 =	rddreg [dreg:$0x0]  }
0x2: {  	s1 =	rddreg [dreg:$0x1];
	s2 =	srdreg.scid  }
0x3: {  	s3 =	rddreg [dreg:$0x2];
	s10 =	stileid.u32  }
0x4: {  	s4 =	simm.s32 $0x0;
	s15 =	simm.s32 $0x80;
	s16 =	simm.s32 $0x5000  }
0x5: {  	s17 =	simm.s32 $0x5800;
	s19 =	simm.s32 $0x6000;
	s21 =	simm.s32 $0x6800  }
0x6: {  	s22 =	simm.s32 $0x1;
	s28 =	simm.s32 $0x8800;
	s29 =	simm.s32 $0x3  }
0x7: {  	s30 =	simm.s32 $0x2;
	s31 =	simm.s32 $0x0;
	s2 =	sand.u32 $0x1, s2  }
0x8: {  	s8 =	smul.u32 $0x2800, s10;
	[smem:$0x7FF] =	sst s4;
	s23 =	sadd.s32 $0x6C00, s0  }
0x9: {  	s26 =	sshll.u32 s10, $0x6;
	s5 =	sshll.u32 s2, $0x4;
	_ =	strace $0x8000004A  }
0xa: {  	s6 =	smul.u32 $0x5000, s2;
	s2 =	ssub.s32 $0x2, s2;
	[dreg:$0x4] =	wrdreg s23  }
0xb: {  	s12 =	sor.u32 $0x1C04, s26;
	s23 =	simm.s32 $0x7000;
	s26 =	simm.s32 $0x8000  }
0xc: {  	s5 =	sor.u32 s10, s5;
	s11 =	sshrl.u32 s8, $0x3;
	s24 =	sshrl.u32 s2, $0x1  }
0xd: {  	s13 =	sadd.s32 s8, s1;
	s14 =	sadd.s32 s8, s3;
	s10 =	simm.s32 $0x4  }
0xe: {  	s5 =	smul.u32 $0x500, s5;
	s9 =	sadd.s32 s11, s0;
	s2 =	ssub.s32 s2, s24  }
0xf: {  	s13 =	sshrl.u32 s13, $0x3;
	s14 =	sshrl.u32 s14, $0x3;
	s8 =	sadd.s32 $0x1C00, s9  }
0x10: {  	s9 =	smax.u32 s2, $0x1;
	s7 =	sadd.s32 s5, s0;
	s0 =	sadd.s32 s6, s0  }
0x11: {  	s25 =	sadd.s32 $0x15C00, s7;
	s7 =	sadd.s32 $0xBC00, s7;
	s0 =	sadd.s32 $0x1FC00, s0  }
0x12: {  	[dreg:$0x5] =	wrdreg s25;
	s24 =	sadd.s32 s11, s0;
	s25 =	simm.s32 $0x7800  }
.LBB2_1:
0x13: {  	s0 =	rddreg [dreg:$0x5]  }
0x14: {  	[tilespmem:s4], [sflag:$0x4] =	stream.linear.gather [hbm4b:s0+s4], $0x2800, $0x38;
	[tilespmem:$0xE000] =	vst v63  }
0x15: {  	_ =	swait.ge [sflag:s10], $0x2800  }
0x16: {  	[sflag:s10] =	ssyncset.done $0x0  }
0x17: {  	s6 =	simm.s32 $0x2800;
	[sflag:s10] =	ssyncadd.s32 $0xFFFFD800  }
0x18: {  	[tilespmem:s6], [sflag:$0x4] =	stream.linear.gather [hbm4b:s7+s4], $0x2800, $0x38;
	[tilespmem:$0xE000] =	vst v63  }
0x19: {  	_ =	swait.ge [sflag:s10], $0x2800  }
0x1a: {  	[sflag:s10] =	ssyncset.done $0x0  }
0x1b: {  	s11 =	rddreg [dreg:$0x4];
	[sflag:s10] =	ssyncadd.s32 $0xFFFFD800  }
0x1c: {  	[spmem:s13], [sflag:s12] =	dma.local [hbm:s11], $0x500  }
0x1d: {  	_ =	swait.ge [sflag:s10], $0x500  }
0x1e: {  	[sflag:s10] =	ssyncset.done $0x0  }
0x1f: {  	[sflag:s10] =	ssyncadd.s32 $0xFFFFFB00  }
0x20: {  	[spmem:s14], [sflag:s12] =	dma.local [hbm:s8], $0x500  }
0x21: {  	_ =	swait.ge [sflag:s10], $0x500  }
0x22: {  	[sflag:s10] =	ssyncset.done $0x0  }
0x23: {  	[sflag:s10] =	ssyncadd.s32 $0xFFFFFB00  }
0x24: {  	[bflag:$0x0] =	sbarrier.arrive $0xFFFF  }
0x25: {  	[tilespmem:s16], [sflag:$0x1] =	stream.indirect.gather [spmem:s3], $0x10, s4, s15, $0xb8;
	[tilespmem:$0xE000] =	vst v63  }
0x26: {  	_ = 	snop  }
0x27: {  	[tilespmem:s17], [sflag:$0x1] =	stream.indirect.gather [spmem:s3], $0x10, s15, s15, $0xb8;
	[tilespmem:$0xE000] =	vst v63  }
0x28: {  	s18 =	simm.s32 $0x100  }
0x29: {  	[tilespmem:s19], [sflag:$0x1] =	stream.indirect.gather [spmem:s3], $0x10, s18, s15, $0xb8;
	[tilespmem:$0xE000] =	vst v63  }
0x2a: {  	s20 =	simm.s32 $0x180  }
0x2b: {  	[tilespmem:s21], [sflag:$0x1] =	stream.indirect.gather [spmem:s3], $0x10, s20, s15, $0xb8;
	[tilespmem:$0xE000] =	vst v63  }
0x2c: {  	_ =	swait.ge [sflag:s22], $0x800  }
0x2d: {  	[sflag:s22] =	ssyncset.done $0x0  }
0x2e: {  	[sflag:s22] =	ssyncadd.s32 $0xFFFFF800  }
0x2f: {  	_ =	swait.ge [sflag:s22], $0x800  }
0x30: {  	[sflag:s22] =	ssyncset.done $0x0  }
0x31: {  	[sflag:s22] =	ssyncadd.s32 $0xFFFFF800  }
0x32: {  	_ =	swait.ge [sflag:s22], $0x800  }
0x33: {  	[sflag:s22] =	ssyncset.done $0x0  }
0x34: {  	[sflag:s22] =	ssyncadd.s32 $0xFFFFF800  }
0x35: {  	_ =	swait.ge [sflag:s22], $0x800  }
0x36: {  	[sflag:s22] =	ssyncset.done $0x0  }
0x37: {  	s2 =	simm.s32 $0x200;
	[sflag:s22] =	ssyncadd.s32 $0xFFFFF800  }
0x38: {  	[tilespmem:s23], [sflag:$0x2] =	stream.indirect.gather [spmem:s3], $0x10, s2, s15, $0xb8;
	[tilespmem:$0xE000] =	vst v63  }
0x39: {  	s5 =	simm.s32 $0x280  }
0x3a: {  	[tilespmem:s25], [sflag:$0x2] =	stream.indirect.gather [spmem:s3], $0x10, s5, s15, $0xb8;
	[tilespmem:$0xE000] =	vst v63  }
0x3b: {  	s6 =	simm.s32 $0x300  }
0x3c: {  	[tilespmem:s26], [sflag:$0x2] =	stream.indirect.gather [spmem:s3], $0x10, s6, s15, $0xb8;
	[tilespmem:$0xE000] =	vst v63  }
0x3d: {  	s11 =	simm.s32 $0x380  }
0x3e: {  	[tilespmem:s28], [sflag:$0x2] =	stream.indirect.gather [spmem:s3], $0x10, s11, s15, $0xb8;
	[tilespmem:$0xE000] =	vst v63  }
0x3f: {  	s18 =	simm.s32 $0x2800  }
0x40: {  	[spmem:s1] =	stream.indirect.scatter.add.f32 [tilespmem:s16], [sflag:$0x3], $0x10, s18, s15, $0xb8;
	[tilespmem:$0xE000] =	vst v63  }
0x41: {  	s20 =	simm.s32 $0x2880  }
0x42: {  	[spmem:s1] =	stream.indirect.scatter.add.f32 [tilespmem:s17], [sflag:$0x3], $0x10, s20, s15, $0xb8;
	[tilespmem:$0xE000] =	vst v63  }
0x43: {  	s2 =	simm.s32 $0x2900  }
0x44: {  	[spmem:s1] =	stream.indirect.scatter.add.f32 [tilespmem:s19], [sflag:$0x3], $0x10, s2, s15, $0xb8;
	[tilespmem:$0xE000] =	vst v63  }
0x45: {  	s5 =	simm.s32 $0x2980  }
0x46: {  	[spmem:s1] =	stream.indirect.scatter.add.f32 [tilespmem:s21], [sflag:$0x3], $0x10, s5, s15, $0xb8;
	[tilespmem:$0xE000] =	vst v63  }
0x47: {  	_ =	swait.ge [sflag:s29], $0x800  }
0x48: {  	[sflag:s29] =	ssyncset.done $0x0  }
0x49: {  	[sflag:s29] =	ssyncadd.s32 $0xFFFFF800  }
0x4a: {  	_ =	swait.ge [sflag:s29], $0x800  }
0x4b: {  	[sflag:s29] =	ssyncset.done $0x0  }
0x4c: {  	[sflag:s29] =	ssyncadd.s32 $0xFFFFF800  }
0x4d: {  	_ =	swait.ge [sflag:s29], $0x800  }
0x4e: {  	[sflag:s29] =	ssyncset.done $0x0  }
0x4f: {  	[sflag:s29] =	ssyncadd.s32 $0xFFFFF800  }
0x50: {  	p0 =	por $0x0, $0x0;
	_ =	swait.ge [sflag:s29], $0x800  }
0x51: {  	s0 =	simm.s32 @!p0 $0x5000;
	[sflag:s29] =	ssyncset.done $0x0  }
0x52: {  	s11 =	simm.s32 @!p0 $0x80;
	s2 =	simm.s32 @!p0 $0x400;
	[sflag:s29] =	ssyncadd.s32 $0xFFFFF800  }
0x53: {  	[tilespmem:s0], [sflag:$0x1] =	stream.indirect.gather @!p0 [spmem:s3], $0x10, s2, s11, $0xb8;
	[tilespmem:$0xE000] =	vst v63  }
0x54: {  	s0 =	simm.s32 @!p0 $0x480;
	s2 =	simm.s32 @!p0 $0x5800  }
0x55: {  	[tilespmem:s2], [sflag:$0x1] =	stream.indirect.gather @!p0 [spmem:s3], $0x10, s0, s11, $0xb8;
	[tilespmem:$0xE000] =	vst v63  }
0x56: {  	s0 =	simm.s32 @!p0 $0x500;
	s2 =	simm.s32 @!p0 $0x6000  }
0x57: {  	[tilespmem:s2], [sflag:$0x1] =	stream.indirect.gather @!p0 [spmem:s3], $0x10, s0, s11, $0xb8;
	[tilespmem:$0xE000] =	vst v63  }
0x58: {  	s0 =	simm.s32 @!p0 $0x580;
	s2 =	simm.s32 @!p0 $0x6800  }
0x59: {  	[tilespmem:s2], [sflag:$0x1] =	stream.indirect.gather @!p0 [spmem:s3], $0x10, s0, s11, $0xb8;
	[tilespmem:$0xE000] =	vst v63  }
0x5a: {  	_ =	swait.ge [sflag:s30], $0x800  }
0x5b: {  	[sflag:s30] =	ssyncset.done $0x0  }
0x5c: {  	[sflag:s30] =	ssyncadd.s32 $0xFFFFF800  }
0x5d: {  	_ =	swait.ge [sflag:s30], $0x800  }
0x5e: {  	[sflag:s30] =	ssyncset.done $0x0  }
0x5f: {  	[sflag:s30] =	ssyncadd.s32 $0xFFFFF800  }
0x60: {  	_ =	swait.ge [sflag:s30], $0x800  }
0x61: {  	[sflag:s30] =	ssyncset.done $0x0  }
0x62: {  	[sflag:s30] =	ssyncadd.s32 $0xFFFFF800  }
0x63: {  	_ =	swait.ge [sflag:s30], $0x800  }
0x64: {  	[sflag:s30] =	ssyncset.done $0x0  }
0x65: {  	s6 =	simm.s32 $0x2A00;
	[sflag:s30] =	ssyncadd.s32 $0xFFFFF800  }
0x66: {  	[spmem:s1] =	stream.indirect.scatter.add.f32 [tilespmem:s23], [sflag:$0x3], $0x10, s6, s15, $0xb8;
	[tilespmem:$0xE000] =	vst v63  }
0x67: {  	s11 =	simm.s32 $0x2A80  }
0x68: {  	[spmem:s1] =	stream.indirect.scatter.add.f32 [tilespmem:s25], [sflag:$0x3], $0x10, s11, s15, $0xb8;
	[tilespmem:$0xE000] =	vst v63  }
0x69: {  	s18 =	simm.s32 $0x2B00  }
0x6a: {  	[spmem:s1] =	stream.indirect.scatter.add.f32 [tilespmem:s26], [sflag:$0x3], $0x10, s18, s15, $0xb8;
	[tilespmem:$0xE000] =	vst v63  }
0x6b: {  	s20 =	simm.s32 $0x2B80  }
0x6c: {  	[spmem:s1] =	stream.indirect.scatter.add.f32 [tilespmem:s28], [sflag:$0x3], $0x10, s20, s15, $0xb8;
	[tilespmem:$0xE000] =	vst v63  }
0x6d: {  	_ =	swait.ge [sflag:s29], $0x800  }
0x6e: {  	[sflag:s29] =	ssyncset.done $0x0  }
0x6f: {  	[sflag:s29] =	ssyncadd.s32 $0xFFFFF800  }
0x70: {  	_ =	swait.ge [sflag:s29], $0x800  }
0x71: {  	[sflag:s29] =	ssyncset.done $0x0  }
0x72: {  	[sflag:s29] =	ssyncadd.s32 $0xFFFFF800  }
0x73: {  	_ =	swait.ge [sflag:s29], $0x800  }
0x74: {  	[sflag:s29] =	ssyncset.done $0x0  }
0x75: {  	[sflag:s29] =	ssyncadd.s32 $0xFFFFF800  }
0x76: {  	_ =	swait.ge [sflag:s29], $0x800  }
0x77: {  	s0 =	simm.s32 $0x1000;
	[sflag:s29] =	ssyncset.done $0x0  }
.LBB2_2:
0x78: {  	[sflag:s29] =	ssyncadd.s32 $0xFFFFF800;
	s11 =	smov.u32 s0;
	s0 =	sadd.s32 $0x1000, s0  }
0x79: {  	_ =	swait.ge [sflag:s22], $0x800;
	p0 =	sne.s32 s0, $0xA000  }
0x7a: {  	[sflag:s22] =	ssyncset.done $0x0  }
0x7b: {  	[sflag:s22] =	ssyncadd.s32 $0xFFFFF800  }
0x7c: {  	_ =	swait.ge [sflag:s22], $0x800  }
0x7d: {  	[sflag:s22] =	ssyncset.done $0x0  }
0x7e: {  	[sflag:s22] =	ssyncadd.s32 $0xFFFFF800  }
0x7f: {  	_ =	swait.ge [sflag:s22], $0x800  }
0x80: {  	[sflag:s22] =	ssyncset.done $0x0  }
0x81: {  	[sflag:s22] =	ssyncadd.s32 $0xFFFFF800  }
0x82: {  	_ =	swait.ge [sflag:s22], $0x800  }
0x83: {  	s2 =	sshra.s32 s11, $0x2;
	[sflag:s22] =	ssyncset.done $0x0  }
0x84: {  	s18 =	sadd.s32 $0x200, s2;
	[sflag:s22] =	ssyncadd.s32 $0xFFFFF800  }
0x85: {  	[tilespmem:s23], [sflag:$0x2] =	stream.indirect.gather [spmem:s3], $0x10, s18, s15, $0xb8;
	[tilespmem:$0xE000] =	vst v63  }
0x86: {  	s18 =	sadd.s32 $0x280, s2  }
0x87: {  	[tilespmem:s25], [sflag:$0x2] =	stream.indirect.gather [spmem:s3], $0x10, s18, s15, $0xb8;
	[tilespmem:$0xE000] =	vst v63  }
0x88: {  	s18 =	sadd.s32 $0x300, s2  }
0x89: {  	[tilespmem:s26], [sflag:$0x2] =	stream.indirect.gather [spmem:s3], $0x10, s18, s15, $0xb8;
	[tilespmem:$0xE000] =	vst v63  }
0x8a: {  	s18 =	sadd.s32 $0x380, s2  }
0x8b: {  	[tilespmem:s28], [sflag:$0x2] =	stream.indirect.gather [spmem:s3], $0x10, s18, s15, $0xb8;
	[tilespmem:$0xE000] =	vst v63  }
0x8c: {  	s18 =	sadd.s32 $0x2800, s2  }
0x8d: {  	[spmem:s1] =	stream.indirect.scatter.add.f32 [tilespmem:s16], [sflag:$0x3], $0x10, s18, s15, $0xb8;
	[tilespmem:$0xE000] =	vst v63  }
0x8e: {  	s18 =	sadd.s32 $0x2880, s2  }
0x8f: {  	[spmem:s1] =	stream.indirect.scatter.add.f32 [tilespmem:s17], [sflag:$0x3], $0x10, s18, s15, $0xb8;
	[tilespmem:$0xE000] =	vst v63  }
0x90: {  	s18 =	sadd.s32 $0x2900, s2  }
0x91: {  	[spmem:s1] =	stream.indirect.scatter.add.f32 [tilespmem:s19], [sflag:$0x3], $0x10, s18, s15, $0xb8;
	[tilespmem:$0xE000] =	vst v63  }
0x92: {  	s18 =	sadd.s32 $0x2980, s2  }
0x93: {  	[spmem:s1] =	stream.indirect.scatter.add.f32 [tilespmem:s21], [sflag:$0x3], $0x10, s18, s15, $0xb8;
	[tilespmem:$0xE000] =	vst v63  }
0x94: {  	_ =	swait.ge [sflag:s29], $0x800  }
0x95: {  	[sflag:s29] =	ssyncset.done $0x0  }
0x96: {  	[sflag:s29] =	ssyncadd.s32 $0xFFFFF800  }
0x97: {  	_ =	swait.ge [sflag:s29], $0x800  }
0x98: {  	[sflag:s29] =	ssyncset.done $0x0  }
0x99: {  	[sflag:s29] =	ssyncadd.s32 $0xFFFFF800  }
0x9a: {  	_ =	swait.ge [sflag:s29], $0x800  }
0x9b: {  	[sflag:s29] =	ssyncset.done $0x0  }
0x9c: {  	[sflag:s29] =	ssyncadd.s32 $0xFFFFF800  }
0x9d: {  	p1 =	seq.s32 s11, $0x9000;
	_ =	swait.ge [sflag:s29], $0x800  }
0x9e: {  	s11 =	sshra.s32 @!p1 s11, $0x2;
	s18 =	simm.s32 @!p1 $0x5000;
	[sflag:s29] =	ssyncset.done $0x0  }
0x9f: {  	s5 =	simm.s32 @!p1 $0x80;
	s20 =	sadd.s32 @!p1 $0x400, s11;
	[sflag:s29] =	ssyncadd.s32 $0xFFFFF800  }
0xa0: {  	[tilespmem:s18], [sflag:$0x1] =	stream.indirect.gather @!p1 [spmem:s3], $0x10, s20, s5, $0xb8;
	[tilespmem:$0xE000] =	vst v63  }
0xa1: {  	s6 =	sadd.s32 @!p1 $0x500, s11;
	s18 =	sadd.s32 @!p1 $0x480, s11;
	s20 =	simm.s32 @!p1 $0x5800  }
0xa2: {  	[tilespmem:s20], [sflag:$0x1] =	stream.indirect.gather @!p1 [spmem:s3], $0x10, s18, s5, $0xb8;
	[tilespmem:$0xE000] =	vst v63  }
0xa3: {  	s11 =	sadd.s32 @!p1 $0x580, s11;
	s18 =	simm.s32 @!p1 $0x6000  }
0xa4: {  	[tilespmem:s18], [sflag:$0x1] =	stream.indirect.gather @!p1 [spmem:s3], $0x10, s6, s5, $0xb8;
	[tilespmem:$0xE000] =	vst v63  }
0xa5: {  	s6 =	simm.s32 @!p1 $0x6800  }
0xa6: {  	[tilespmem:s6], [sflag:$0x1] =	stream.indirect.gather @!p1 [spmem:s3], $0x10, s11, s5, $0xb8;
	[tilespmem:$0xE000] =	vst v63  }
0xa7: {  	_ =	swait.ge [sflag:s30], $0x800  }
0xa8: {  	[sflag:s30] =	ssyncset.done $0x0  }
0xa9: {  	[sflag:s30] =	ssyncadd.s32 $0xFFFFF800  }
0xaa: {  	_ =	swait.ge [sflag:s30], $0x800  }
0xab: {  	[sflag:s30] =	ssyncset.done $0x0  }
0xac: {  	[sflag:s30] =	ssyncadd.s32 $0xFFFFF800  }
0xad: {  	_ =	swait.ge [sflag:s30], $0x800  }
0xae: {  	[sflag:s30] =	ssyncset.done $0x0  }
0xaf: {  	[sflag:s30] =	ssyncadd.s32 $0xFFFFF800  }
0xb0: {  	_ =	swait.ge [sflag:s30], $0x800  }
0xb1: {  	[sflag:s30] =	ssyncset.done $0x0  }
0xb2: {  	s5 =	sadd.s32 $0x2A00, s2;
	[sflag:s30] =	ssyncadd.s32 $0xFFFFF800  }
0xb3: {  	[spmem:s1] =	stream.indirect.scatter.add.f32 [tilespmem:s23], [sflag:$0x3], $0x10, s5, s15, $0xb8;
	[tilespmem:$0xE000] =	vst v63  }
0xb4: {  	s5 =	sadd.s32 $0x2A80, s2  }
0xb5: {  	[spmem:s1] =	stream.indirect.scatter.add.f32 [tilespmem:s25], [sflag:$0x3], $0x10, s5, s15, $0xb8;
	[tilespmem:$0xE000] =	vst v63  }
0xb6: {  	s5 =	sadd.s32 $0x2B00, s2  }
0xb7: {  	[spmem:s1] =	stream.indirect.scatter.add.f32 [tilespmem:s26], [sflag:$0x3], $0x10, s5, s15, $0xb8;
	[tilespmem:$0xE000] =	vst v63  }
0xb8: {  	s2 =	sadd.s32 $0x2B80, s2  }
0xb9: {  	[spmem:s1] =	stream.indirect.scatter.add.f32 [tilespmem:s28], [sflag:$0x3], $0x10, s2, s15, $0xb8;
	[tilespmem:$0xE000] =	vst v63  }
0xba: {  	_ =	swait.ge [sflag:s29], $0x800  }
0xbb: {  	[sflag:s29] =	ssyncset.done $0x0  }
0xbc: {  	[sflag:s29] =	ssyncadd.s32 $0xFFFFF800  }
0xbd: {  	_ =	swait.ge [sflag:s29], $0x800  }
0xbe: {  	[sflag:s29] =	ssyncset.done $0x0  }
0xbf: {  	[sflag:s29] =	ssyncadd.s32 $0xFFFFF800  }
.Ltmp0:
0xc0: {  	_ =	swait.ge [sflag:s29], $0x800;
	(pc) =	sbr.rel @p0 .LBB2_2-.Ltmp0, $4  }
0xc1: {  	[sflag:s29] =	ssyncset.done $0x0  }
0xc2: {  	[sflag:s29] =	ssyncadd.s32 $0xFFFFF800  }
0xc3: {  	_ =	swait.ge [sflag:s29], $0x800  }
0xc4: {  	[sflag:s29] =	ssyncset.done $0x0  }
0xc5: {  	s31 =	sadd.s32 $0x1, s31  }
0xc6: {  	[sflag:s29] =	ssyncadd.s32 $0xFFFFF800;
	p0 =	sne.s32 s31, s9  }
.Ltmp1:
0xc7: {  	[bflag:$0x0] =	sbarrier.arrive $0xFFFF;
	(pc) =	sbr.rel @p0 .LBB2_1-.Ltmp1, $4  }
0xc8: {  	[hbm:s24], [sflag:s12] =	dma.local [spmem:s13], $0x500  }
0xc9: {  	_ =	swait.ge [sflag:s10], $0x500  }
0xca: {  	[sflag:s10] =	ssyncset.done $0x0  }
0xcb: {  	[sflag:s10] =	ssyncadd.s32 $0xFFFFFB00  }
0xcc: {  	_ =	sfence.sel $0x180000  }
0xcd: {  	[bflag:$0x0] =	sbarrier.arrive $0xFFFF  }
0xce: {  	_ =	strace $0x9000004A  }
0xcf: {  	s0 =	stileid.u32;
	[bflag:$0x2] =	sbarrier.arrive $0xFFFF  }
0xd0: {  	p0 =	sne.s32 s0, $0x0;
	s0 =	rddreg [dreg:$0x3]  }
0xd1: {  	s0 =	sadd.s32 @!p0 $0x100000, s0  }
0xd2: {  	[sflag:s0] =	ssyncadd.tile.s32 @!p0 $0x1;
	_ =	shalt  }
.Lfunc_end2:
_tile_overlayer_lowered:
.L_overlay_start_2:
0xd3: {  	(tag) =	ssettag $0x2  }
0xd4: {  	s0 =	rddreg [dreg:$0x0];
	s2 =	stileid.u32  }
0xd5: {  	s1 =	rddreg [dreg:$0x1];
	p0 =	sne.s32 s2, $0x0  }
0xd6: {  	s3 =	rddreg [dreg:$0x2];
	[bflag:$0x3] =	sbarrier.arrive $0xFFFF;
	s2 =	simm.s32 @!p0 $0x1C04  }
0xd7: {  	[timem:s3], [sflag:s2] =	dma.local @!p0 [hbm:s0], s1  }
0xd8: {  	s0 =	simm.s32 @!p0 $0x4  }
0xd9: {  	_ =	swait.ge @!p0 [sflag:s0], s1  }
0xda: {  	s1 =	ssub.s32 @!p0 $0x0, s1;
	[sflag:s0] =	ssyncset.done @!p0 $0x0  }
0xdb: {  	[sflag:s0] =	ssyncadd.s32 @!p0 s1  }
0xdc: {  	[bflag:$0x3] =	sbarrier.arrive $0xFFFF  }
0xdd: {  	_ =	shalt  }

// kernel: kernel.7.cloned.1.call-start
scs
__scs_entry_jumppad:
0x0: {  	(pc) =	sbr.rel $0x88, $3  }
0x1: {  	(tag) =	ssettag $0x0;
	lr =	simm.s32 $0x1  }
0x2: {  	[smem:$0x3F96] =	sst lr;
	_ =	strace $0xD0000000  }
0x3: {  	_ = 	snop  }
0x4: {  	_ = 	snop  }
0x5: {  	_ = 	snop  }
0x6: {  	_ = 	snop  }
0x7: {  	_ = 	snop  }
__scs_overlays_trampoline_lowered:
0x8: {  	[smem:$0x3FA5] =	sst s0  }
0x9: {  	[smem:$0x3FA6] =	sst s1  }
0xa: {  	[smem:$0x3FA7] =	sst s2  }
0xb: {  	[smem:$0x3FA8] =	sst s3  }
0xc: {  	[smem:$0x3FA9] =	sst s4  }
0xd: {  	[smem:$0x3FAA] =	sst s5  }
0xe: {  	[smem:$0x3FAB] =	sst s6  }
0xf: {  	[smem:$0x3FAC] =	sst s7  }
0x10: {  	[smem:$0x3FAD] =	sst s8  }
0x11: {  	[smem:$0x3FAE] =	sst s9;
	s0 =	simm.s32 @!p0 $0x0  }
0x12: {  	s1 =	sld [smem:$0x3F94];
	s0 =	simm.s32 @p0 $0x1  }
0x13: {  	[smem:$0x3FAF] =	sst s0;
	s0 =	simm.s32 @!p1 $0x0  }
0x14: {  	s2 =	sld [smem:$0x3F93];
	s0 =	simm.s32 @p1 $0x1  }
0x15: {  	[smem:$0x3FB0] =	sst s0;
	s0 =	simm.s32 @!p2 $0x0  }
0x16: {  	s3 =	sld [smem:$0x3FDB];
	s0 =	simm.s32 @p2 $0x1  }
0x17: {  	s4 =	simm.s32 $0x1BF5;
	[smem:$0x3FB2] =	sst s0  }
0x18: {  	s0 =	sld [smem:$0x3F95];
	_ =	swait.ge [sflag:s4], $0x0  }
0x19: {  	s7 =	sld [smem:$0x3F96]  }
0x1a: {  	s8 =	sadd.s32 $0xFFFFE003, lr  }
0x1b: {  	s9 =	sadd.s32 $0xFFFFFEF7, lr;
	s5 =	simm.s32 $0xFFFFFFFF;
	p2 =	slt.u32 s8, $0xFFFFF086  }
0x1c: {  	p1 =	slt.u32 s9, $0xF7A;
	s5 =	simm.s32 @!p2 $0x0  }
0x1d: {  	s5 =	simm.s32 @p1 $0x1;
	p0 =	seq.s32 s7, s2  }
0x1e: {  	s7 =	smul.u32 @!p0 $0xF7A, s2;
	p2 =	seq.s32 @!p0 s5, $0x0  }
0x1f: {  	s9 =	smul.u32 $0xF7A, s1;
	s8 =	simm.s32 @!p0 $0x1BF5;
	p2 =	por !p2, p0  }
0x20: {  	[sflag:s8] =	ssyncset.s32 @!p0 $0xFFFFF086;
	s6 =	sadd.s32 @!p0 s3, s7;
	s7 =	simm.s32 @!p0 $0x108  }
0x21: {  	s3 =	sadd.s32 s3, s9;
	s6 =	sadd.s32 @!p0 $0x88, s6;
	s7 =	simm.s32 @p2 $0x1082  }
0x22: {  	[simem:s7], [sflag:s8] =	dma.local @!p0 [hbm:s6], $0xF7A  }
0x23: {  	s9 =	sor.u32 $0xD0000000, s2;
	s6 =	simm.s32 $0x108;
	_ =	swait.ge @!p0 [sflag:s8], $0x0  }
0x24: {  	s3 =	sadd.s32 $0x88, s3;
	s6 =	simm.s32 @!p1 $0x1082;
	[sflag:s4] =	ssyncset.s32 $0xFFFFF086  }
0x25: {  	[simem:s6], [sflag:s4] =	dma.local [hbm:s3], $0xF7A  }
0x26: {  	[smem:$0x3F96] =	sst s1;
	(tag) =	ssettag s2;
	_ =	strace s9  }
0x27: {  	s1 =	sld [smem:$0x3FA6]  }
0x28: {  	s2 =	sld [smem:$0x3FA7]  }
0x29: {  	s4 =	sld [smem:$0x3FA9]  }
0x2a: {  	p0 =	seq.s32 s5, $0x0;
	s5 =	sld [smem:$0x3FAA]  }
0x2b: {  	s6 =	sld [smem:$0x3FAB]  }
0x2c: {  	s7 =	sld [smem:$0x3FAC]  }
0x2d: {  	s3 =	simm.s32 $0x108;
	s8 =	sld [smem:$0x3FAD]  }
0x2e: {  	s3 =	simm.s32 @!p0 $0x1082;
	s9 =	sld [smem:$0x3FAE]  }
0x2f: {  	lr =	sadd.s32 s0, s3;
	s0 =	sld [smem:$0x3FA5]  }
0x30: {  	s3 =	sld [smem:$0x3FA8]  }
0x31: {  	[smem:$0x3FB1] =	sst s10  }
0x32: {  	s10 =	sld [smem:$0x3FAF];
	_ =	sdelay $0x3  }
0x33: {  	p0 =	seq.s32 s10, $0x1;
	s10 =	sld [smem:$0x3FB1];
	_ =	sdelay $0x3  }
0x34: {  	[smem:$0x3FB1] =	sst s10  }
0x35: {  	s10 =	sld [smem:$0x3FB0];
	_ =	sdelay $0x3  }
0x36: {  	p1 =	seq.s32 s10, $0x1;
	s10 =	sld [smem:$0x3FB1];
	_ =	sdelay $0x3  }
0x37: {  	[smem:$0x3FB1] =	sst s10  }
0x38: {  	s10 =	sld [smem:$0x3FB2]  }
0x39: {  	_ = 	snop;
	(pc) =	sbr.ind lr, $3  }
0x3a: {  	_ = 	snop  }
0x3b: {  	_ = 	snop  }
0x3c: {  	p2 =	seq.s32 s10, $0x1;
	s10 =	sld [smem:$0x3FB1]  }
0x3d: {  	_ =	shalt  }
0x3e: {  	_ =	shalt  }
0x3f: {  	_ =	shalt  }
0x40: {  	_ =	shalt  }
0x41: {  	_ =	shalt  }
0x42: {  	_ =	shalt  }
0x43: {  	_ =	shalt  }
0x44: {  	_ =	shalt  }
0x45: {  	_ =	shalt  }
0x46: {  	_ =	shalt  }
0x47: {  	_ =	shalt  }
0x48: {  	_ =	shalt  }
0x49: {  	_ =	shalt  }
0x4a: {  	_ =	shalt  }
0x4b: {  	_ =	shalt  }
0x4c: {  	_ =	shalt  }
0x4d: {  	_ =	shalt  }
0x4e: {  	_ =	shalt  }
0x4f: {  	_ =	shalt  }
0x50: {  	_ =	shalt  }
0x51: {  	_ =	shalt  }
0x52: {  	_ =	shalt  }
0x53: {  	_ =	shalt  }
0x54: {  	_ =	shalt  }
0x55: {  	_ =	shalt  }
0x56: {  	_ =	shalt  }
0x57: {  	_ =	shalt  }
0x58: {  	_ =	shalt  }
0x59: {  	_ =	shalt  }
0x5a: {  	_ =	shalt  }
0x5b: {  	_ =	shalt  }
0x5c: {  	_ =	shalt  }
0x5d: {  	_ =	shalt  }
0x5e: {  	_ =	shalt  }
0x5f: {  	_ =	shalt  }
0x60: {  	_ =	shalt  }
0x61: {  	_ =	shalt  }
0x62: {  	_ =	shalt  }
0x63: {  	_ =	shalt  }
0x64: {  	_ =	shalt  }
0x65: {  	_ =	shalt  }
0x66: {  	_ =	shalt  }
0x67: {  	_ =	shalt  }
0x68: {  	_ =	shalt  }
0x69: {  	_ =	shalt  }
0x6a: {  	_ =	shalt  }
0x6b: {  	_ =	shalt  }
0x6c: {  	_ =	shalt  }
0x6d: {  	_ =	shalt  }
0x6e: {  	_ =	shalt  }
0x6f: {  	_ =	shalt  }
0x70: {  	_ =	shalt  }
0x71: {  	_ =	shalt  }
0x72: {  	_ =	shalt  }
0x73: {  	_ =	shalt  }
0x74: {  	_ =	shalt  }
0x75: {  	_ =	shalt  }
0x76: {  	_ =	shalt  }
0x77: {  	_ =	shalt  }
0x78: {  	_ =	shalt  }
0x79: {  	_ =	shalt  }
0x7a: {  	_ =	shalt  }
0x7b: {  	_ =	shalt  }
0x7c: {  	_ =	shalt  }
0x7d: {  	_ =	shalt  }
0x7e: {  	_ =	shalt  }
0x7f: {  	_ =	shalt  }
0x80: {  	_ =	shalt  }
0x81: {  	_ =	shalt  }
0x82: {  	_ =	shalt  }
0x83: {  	_ =	shalt  }
0x84: {  	_ =	shalt  }
0x85: {  	_ =	shalt  }
0x86: {  	_ =	shalt  }
0x87: {  	_ =	shalt  }
.Lfunc_end0:
.L_simem_size_0:
called_computation_lowered:
.L_overlay_start_0:
0x88: {  	s2 =	sld [smem:$0x3FD9]  }
0x89: {  	s3 =	sld [smem:$0x3FFE];
	_ =	sdelay $0x1  }
0x8a: {  	s1 =	srdreg.scid  }
0x8b: {  	s0 =	sand.u32 $0x1, s1  }
0x8c: {  	s17 =	sshll.u32 s0, $0xA;
	s2 =	sadd.s32 s3, s2  }
0x8d: {  	s2 =	sadd.s32 s2, s17  }
0x8e: {  	[smem:$0x3FBD] =	sst s2  }
0x8f: {  	_ = 	snop  }
0x90: {  	s2 =	sld [smem:$0x3FD0];
	(tm) =	ssettm $0x1  }
0x91: {  	s18 =	sld [smem:$0x3FFB];
	_ =	sdelay $0x3  }
0x92: {  	_ =	strace s18  }
0x93: {  	s3 =	sld [smem:$0x3FFC];
	_ =	sdelay $0x3  }
0x94: {  	_ =	strace s3  }
0x95: {  	s3 =	sld [smem:$0x3FFD];
	_ =	sdelay $0x3  }
0x96: {  	_ =	strace s3  }
0x97: {  	_ =	strace $0x8FFFFFFF  }
0x98: {  	s19 =	sld [smem:$0x3FDB];
	_ =	sdelay $0x1  }
0x99: {  	s4 =	simm.s32 $_scs_section_size  }
0x9a: {  	s5 =	simm.s32 $_size__tile_overlayer_lowered;
	s6 =	simm.s32 $_tile_overlayer_lowered  }
0x9b: {  	s22 =	simm.s32 $0x1BFF;
	s21 =	sshll.u32 s6, $0x1;
	s3 =	sadd.s32 s4, s19  }
0x9c: {  	s7 =	simm.s32 $0x0;
	s20 =	sshll.u32 s5, $0x1;
	s5 =	sadd.s32 s21, s3  }
0x9d: {  	[timem:s7], [sflag:s22] =	dma.local [hbm:s5], s20  }
0x9e: {  	_ =	swait.ge [sflag:s22], s20  }
0x9f: {  	s4 =	ssub.s32 $0x0, s20;
	[sflag:s22] =	ssyncset.done $0x0  }
0xa0: {  	[sflag:s22] =	ssyncadd.s32 s4;
	_ =	sdelay $0x1  }
0xa1: {  	s23 =	simm.s32 $0x1B8B  }
0xa2: {  	_ =	swait.ge [sflag:s23], $0x1  }
0xa3: {  	[sflag:s23] =	ssyncset.done $0x0  }
0xa4: {  	s25 =	simm.s32 $0x1B8E;
	s24 =	sld [smem:$0x3FFE];
	[sflag:s23] =	ssyncadd.s32 $0xFFFFFFFF  }
0xa5: {  	s26 =	simm.s32 $execute0_lowered;
	[smem:$0x3FD2] =	sst s25  }
0xa6: {  	s5 =	sshll.u32 s26, $0x1;
	_ =	strace $0x80000046;
	[dreg:$0x1] =	wrdreg $0xFFFFFFFF  }
0xa7: {  	s28 =	simm.s32 $_size_execute0_lowered;
	s3 =	sadd.s32 s3, s5;
	[dreg:$0x0] =	wrdreg $0x0  }
0xa8: {  	s5 =	sshll.u32 s28, $0x1;
	[dreg:$0x2] =	wrdreg s3  }
0xa9: {  	[dreg:$0x3] =	wrdreg s5  }
0xaa: {  	[dreg:$0x4] =	wrdreg $0xC0  }
0xab: {  	_ =	task [dreg:s7], $0x5FFFF  }
0xac: {  	[dreg:$0x1] =	wrdreg $0xFFFFFFFF  }
0xad: {  	[dreg:$0x0] =	wrdreg $0x60  }
0xae: {  	[dreg:$0x2] =	wrdreg s24  }
0xaf: {  	[dreg:$0x3] =	wrdreg s2  }
0xb0: {  	[dreg:$0x4] =	wrdreg $0xD4000  }
0xb1: {  	[dreg:$0x5] =	wrdreg $0x138000  }
0xb2: {  	[dreg:$0x6] =	wrdreg $0x124000  }
0xb3: {  	[dreg:$0x7] =	wrdreg $0x9  }
0xb4: {  	_ =	task.clear_ibuf [dreg:s7], $0x8FFFF;
	_ =	strace $0x90000046  }
0xb5: {  	s29 =	simm.s32 $0x9;
	_ =	strace $0x80000048  }
0xb6: {  	_ =	swait.ge [sflag:s29], $0x1  }
0xb7: {  	[sflag:s29] =	ssyncadd.s32 $0xFFFFFFFF  }
0xb8: {  	_ =	strace $0x90000048  }
0xb9: {  	_ =	sfence  }
0xba: {  	s30 =	sld [smem:$0x0];
	_ =	sdelay $0x2  }
0xbb: {  	s31 =	sshll.u32 s1, $0xD;
	s1 =	sshrl.u32 s1, $0x2  }
0xbc: {  	s3 =	sand.u32 $0x4000, s31;
	s1 =	sadd.s32 s1, s30  }
0xbd: {  	s0 =	sor.u32 s3, s0;
	s1 =	sshll.u32 s1, $0x11  }
0xbe: {  	s0 =	sor.u32 s1, s0  }
0xbf: {  	s0 =	sadd.s32 $0x8F2B, s0  }
0xc0: {  	[sflag:s0] =	ssyncadd.remote.s32 $0x1  }
0xc1: {  	_ =	sfence.sel $0xFFFF  }
0xc2: {  	[dreg:$0x0] =	wrdreg $0xFFFFFFFF;
	(pc) =	sbr.abs _section_cstart, $3  }
0xc3: {  	[dreg:$0x1] =	wrdreg $0xFFFFFFFF  }
0xc4: {  	_ =	task.clear_ibuf [dreg:s7], $0x2FFFF;
	_ =	strace $0x9FFFFFFF  }
0xc5: {  	(tm) =	ssettm $0x7FFFFFFF  }
tec
execute0_lowered:
.L_overlay_start_1:
0x0: {  	(tag) =	ssettag $0x1  }
0x1: {  	s0 =	rddreg [dreg:$0x0]  }
0x2: {  	s2 =	rddreg [dreg:$0x2]  }
0x3: {  	s1 =	srdreg.scid;
	s4 =	rddreg [dreg:$0x3]  }
0x4: {  	s15 =	stileid.u32;
	s5 =	rddreg [dreg:$0x4]  }
0x5: {  	s6 =	simm.s32 $0x0;
	s19 =	simm.s32 $0xD000;
	s29 =	simm.s32 $0x8000  }
0x6: {  	s30 =	simm.s32 $0x1;
	s31 =	simm.s32 $0x9000;
	s28 =	simm.s32 $0x0  }
0x7: {  	s1 =	sand.u32 $0x1, s1;
	s3 =	smul.u32 $0x5000, s15;
	[smem:$0x7FF] =	sst s6  }
0x8: {  	s12 =	sadd.s32 $0x1FC00, s0;
	s20 =	sadd.s32 $0x20600, s0;
	s23 =	smul.u32 $0x1400, s15  }
0x9: {  	s25 =	sshll.u32 s15, $0x6;
	s7 =	sshll.u32 s1, $0x4;
	s10 =	smul.u32 $0xA000, s1  }
0xa: {  	_ =	strace $0x80000047;
	s11 =	smul.u32 $0x2800, s1;
	[dreg:$0x6] =	wrdreg s12  }
0xb: {  	s1 =	ssub.s32 $0x2, s1;
	[dreg:$0x7] =	wrdreg s20;
	s20 =	simm.s32 $0x80  }
0xc: {  	s7 =	sor.u32 s15, s7;
	s8 =	sshrl.u32 s3, $0x3;
	s21 =	sshrl.u32 s1, $0x1  }
0xd: {  	s14 =	sadd.s32 s3, s2;
	s3 =	sadd.s32 s3, s4;
	s24 =	sadd.s32 s23, s5  }
0xe: {  	s15 =	sor.u32 $0x1C04, s25;
	s25 =	simm.s32 $0x2;
	s7 =	smul.u32 $0x500, s7  }
0xf: {  	s9 =	sadd.s32 s8, s0;
	s13 =	sadd.s32 s10, s0;
	s1 =	ssub.s32 s1, s21  }
0x10: {  	s16 =	sshrl.u32 s14, $0x3;
	s26 =	sshrl.u32 s3, $0x3;
	s18 =	sshrl.u32 s24, $0x3  }
0x11: {  	s21 =	simm.s32 $0x5000;
	s3 =	simm.s32 $0xA000;
	s14 =	simm.s32 $0x3  }
0x12: {  	s9 =	sadd.s32 $0x1C00, s9;
	s1 =	smax.u32 s1, $0x1;
	[dreg:$0xc] =	wrdreg s26  }
0x13: {  	s26 =	simm.s32 $0x7000;
	s7 =	sadd.s32 s7, s0;
	[dreg:$0xa] =	wrdreg s9  }
0x14: {  	s0 =	sadd.s32 s11, s0;
	[dreg:$0xb] =	wrdreg s1;
	s22 =	sadd.s32 $0x15C00, s7  }
0x15: {  	s1 =	simm.s32 $0xC000;
	s7 =	sadd.s32 $0xBC00, s7;
	[dreg:$0x8] =	wrdreg s22  }
0x16: {  	s0 =	sadd.s32 $0x20A00, s0;
	[dreg:$0x9] =	wrdreg s7;
	s22 =	sadd.s32 $0x25A00, s13  }
0x17: {  	s7 =	sshrl.u32 s23, $0x3;
	s13 =	simm.s32 $0x4;
	s23 =	simm.s32 $0x6000  }
0x18: {  	s22 =	sadd.s32 s8, s22;
	s24 =	sadd.s32 s7, s0;
	s0 =	simm.s32 $0xB000  }
.LBB2_1:
0x19: {  	s7 =	rddreg [dreg:$0x8]  }
0x1a: {  	[tilespmem:s6], [sflag:$0x4] =	stream.linear.gather [hbm4b:s7+s6], $0x2800, $0x38;
	[tilespmem:$0x18800] =	vst v63  }
0x1b: {  	_ =	swait.ge [sflag:s13], $0x2800  }
0x1c: {  	[sflag:s13] =	ssyncset.done $0x0  }
0x1d: {  	s8 =	simm.s32 $0x2800;
	s12 =	rddreg [dreg:$0x9];
	[sflag:s13] =	ssyncadd.s32 $0xFFFFD800  }
0x1e: {  	[tilespmem:s8], [sflag:$0x4] =	stream.linear.gather [hbm4b:s12+s6], $0x2800, $0x38;
	[tilespmem:$0x18800] =	vst v63  }
0x1f: {  	_ =	swait.ge [sflag:s13], $0x2800  }
0x20: {  	[sflag:s13] =	ssyncset.done $0x0  }
0x21: {  	s17 =	rddreg [dreg:$0x6];
	[sflag:s13] =	ssyncadd.s32 $0xFFFFD800  }
0x22: {  	[spmem:s16], [sflag:s15] =	dma.local [hbm:s17], $0xA00  }
0x23: {  	_ =	swait.ge [sflag:s13], $0xA00  }
0x24: {  	[sflag:s13] =	ssyncset.done $0x0;
	s8 =	rddreg [dreg:$0xa]  }
0x25: {  	s9 =	rddreg [dreg:$0xc];
	[sflag:s13] =	ssyncadd.s32 $0xFFFFF600  }
0x26: {  	[spmem:s9], [sflag:s15] =	dma.local [hbm:s8], $0xA00  }
0x27: {  	_ =	swait.ge [sflag:s13], $0xA00  }
0x28: {  	[sflag:s13] =	ssyncset.done $0x0  }
0x29: {  	s10 =	rddreg [dreg:$0x7];
	[sflag:s13] =	ssyncadd.s32 $0xFFFFF600  }
0x2a: {  	[spmem:s18], [sflag:s15] =	dma.local [hbm:s10], $0x280  }
0x2b: {  	_ =	swait.ge [sflag:s13], $0x280  }
0x2c: {  	[sflag:s13] =	ssyncset.done $0x0  }
0x2d: {  	[sflag:s13] =	ssyncadd.s32 $0xFFFFFD80  }
0x2e: {  	s11 =	rddreg [dreg:$0x1]  }
0x2f: {  	[tilespmem:s19], [sflag:$0x4] =	stream.linear.gather [hbm4b:s11+s6], $0x400, $0x38;
	[tilespmem:$0x18800] =	vst v63  }
0x30: {  	_ =	swait.ge [sflag:s13], $0x400  }
0x31: {  	[sflag:s13] =	ssyncset.done $0x0  }
0x32: {  	[sflag:s13] =	ssyncadd.s32 $0xFFFFFC00  }
0x33: {  	[bflag:$0x0] =	sbarrier.arrive $0xFFFF  }
0x34: {  	[tilespmem:s21], [sflag:$0x1] =	stream.indirect.gather [spmem:s4], $0x20, s6, s20, $0xb8;
	[tilespmem:$0x18800] =	vst v63  }
0x35: {  	_ = 	snop  }
0x36: {  	[tilespmem:s23], [sflag:$0x1] =	stream.indirect.gather [spmem:s4], $0x20, s20, s20, $0xb8;
	[tilespmem:$0x18800] =	vst v63  }
0x37: {  	s12 =	simm.s32 $0x100  }
0x38: {  	[tilespmem:s26], [sflag:$0x1] =	stream.indirect.gather [spmem:s4], $0x20, s12, s20, $0xb8;
	[tilespmem:$0x18800] =	vst v63  }
0x39: {  	s17 =	simm.s32 $0x180  }
0x3a: {  	[tilespmem:s29], [sflag:$0x1] =	stream.indirect.gather [spmem:s4], $0x20, s17, s20, $0xb8;
	[tilespmem:$0x18800] =	vst v63  }
0x3b: {  	_ =	swait.ge [sflag:s30], $0x1000  }
0x3c: {  	[sflag:s30] =	ssyncset.done $0x0  }
0x3d: {  	[sflag:s30] =	ssyncadd.s32 $0xFFFFF000  }
0x3e: {  	_ =	swait.ge [sflag:s30], $0x1000  }
0x3f: {  	[sflag:s30] =	ssyncset.done $0x0  }
0x40: {  	[sflag:s30] =	ssyncadd.s32 $0xFFFFF000  }
0x41: {  	_ =	swait.ge [sflag:s30], $0x1000  }
0x42: {  	[sflag:s30] =	ssyncset.done $0x0  }
0x43: {  	[sflag:s30] =	ssyncadd.s32 $0xFFFFF000  }
0x44: {  	_ =	swait.ge [sflag:s30], $0x1000  }
0x45: {  	[sflag:s30] =	ssyncset.done $0x0  }
0x46: {  	s8 =	simm.s32 $0x200;
	[sflag:s30] =	ssyncadd.s32 $0xFFFFF000  }
0x47: {  	[tilespmem:s31], [sflag:$0x2] =	stream.indirect.gather [spmem:s4], $0x20, s8, s20, $0xb8;
	[tilespmem:$0x18800] =	vst v63  }
0x48: {  	s9 =	simm.s32 $0x280  }
0x49: {  	[tilespmem:s3], [sflag:$0x2] =	stream.indirect.gather [spmem:s4], $0x20, s9, s20, $0xb8;
	[tilespmem:$0x18800] =	vst v63  }
0x4a: {  	s10 =	simm.s32 $0x300  }
0x4b: {  	[tilespmem:s0], [sflag:$0x2] =	stream.indirect.gather [spmem:s4], $0x20, s10, s20, $0xb8;
	[tilespmem:$0x18800] =	vst v63  }
0x4c: {  	s11 =	simm.s32 $0x380  }
0x4d: {  	[tilespmem:s1], [sflag:$0x2] =	stream.indirect.gather [spmem:s4], $0x20, s11, s20, $0xb8;
	[tilespmem:$0x18800] =	vst v63  }
0x4e: {  	s12 =	simm.s32 $0x2800  }
0x4f: {  	[spmem:s2] =	stream.indirect.scatter.add.f32 [tilespmem:s21], [sflag:$0x3], $0x20, s12, s20, $0xb8;
	[tilespmem:$0x18800] =	vst v63  }
0x50: {  	_ = 	snop  }
0x51: {  	[spmem:s5] =	stream.indirect.scatter.add.f32 [tilespmem:s19], [sflag:$0x3], $0x8, s12, s20, $0xb8;
	[tilespmem:$0x18800] =	vst v63  }
0x52: {  	s17 =	simm.s32 $0x2880  }
0x53: {  	[spmem:s2] =	stream.indirect.scatter.add.f32 [tilespmem:s23], [sflag:$0x3], $0x20, s17, s20, $0xb8;
	[tilespmem:$0x18800] =	vst v63  }
0x54: {  	_ = 	snop  }
0x55: {  	[spmem:s5] =	stream.indirect.scatter.add.f32 [tilespmem:s19], [sflag:$0x3], $0x8, s17, s20, $0xb8;
	[tilespmem:$0x18800] =	vst v63  }
0x56: {  	s8 =	simm.s32 $0x2900  }
0x57: {  	[spmem:s2] =	stream.indirect.scatter.add.f32 [tilespmem:s26], [sflag:$0x3], $0x20, s8, s20, $0xb8;
	[tilespmem:$0x18800] =	vst v63  }
0x58: {  	_ = 	snop  }
0x59: {  	[spmem:s5] =	stream.indirect.scatter.add.f32 [tilespmem:s19], [sflag:$0x3], $0x8, s8, s20, $0xb8;
	[tilespmem:$0x18800] =	vst v63  }
0x5a: {  	s9 =	simm.s32 $0x2980  }
0x5b: {  	[spmem:s2] =	stream.indirect.scatter.add.f32 [tilespmem:s29], [sflag:$0x3], $0x20, s9, s20, $0xb8;
	[tilespmem:$0x18800] =	vst v63  }
0x5c: {  	_ = 	snop  }
0x5d: {  	[spmem:s5] =	stream.indirect.scatter.add.f32 [tilespmem:s19], [sflag:$0x3], $0x8, s9, s20, $0xb8;
	[tilespmem:$0x18800] =	vst v63  }
0x5e: {  	_ =	swait.ge [sflag:s14], $0x1000  }
0x5f: {  	[sflag:s14] =	ssyncset.done $0x0  }
0x60: {  	[sflag:s14] =	ssyncadd.s32 $0xFFFFF000  }
0x61: {  	_ =	swait.ge [sflag:s14], $0x400  }
0x62: {  	[sflag:s14] =	ssyncset.done $0x0  }
0x63: {  	[sflag:s14] =	ssyncadd.s32 $0xFFFFFC00  }
0x64: {  	_ =	swait.ge [sflag:s14], $0x1000  }
0x65: {  	[sflag:s14] =	ssyncset.done $0x0  }
0x66: {  	[sflag:s14] =	ssyncadd.s32 $0xFFFFF000  }
0x67: {  	_ =	swait.ge [sflag:s14], $0x400  }
0x68: {  	[sflag:s14] =	ssyncset.done $0x0  }
0x69: {  	[sflag:s14] =	ssyncadd.s32 $0xFFFFFC00  }
0x6a: {  	_ =	swait.ge [sflag:s14], $0x1000  }
0x6b: {  	[sflag:s14] =	ssyncset.done $0x0  }
0x6c: {  	[sflag:s14] =	ssyncadd.s32 $0xFFFFF000  }
0x6d: {  	_ =	swait.ge [sflag:s14], $0x400  }
0x6e: {  	[sflag:s14] =	ssyncset.done $0x0  }
0x6f: {  	[sflag:s14] =	ssyncadd.s32 $0xFFFFFC00  }
0x70: {  	_ =	swait.ge [sflag:s14], $0x1000  }
0x71: {  	[sflag:s14] =	ssyncset.done $0x0  }
0x72: {  	[sflag:s14] =	ssyncadd.s32 $0xFFFFF000  }
0x73: {  	p0 =	por $0x0, $0x0;
	_ =	swait.ge [sflag:s14], $0x400  }
0x74: {  	s7 =	simm.s32 @!p0 $0x5000;
	[sflag:s14] =	ssyncset.done $0x0  }
0x75: {  	s8 =	simm.s32 @!p0 $0x400;
	s9 =	simm.s32 @!p0 $0x80;
	[sflag:s14] =	ssyncadd.s32 $0xFFFFFC00  }
0x76: {  	[tilespmem:s7], [sflag:$0x1] =	stream.indirect.gather @!p0 [spmem:s4], $0x20, s8, s9, $0xb8;
	[tilespmem:$0x18800] =	vst v63  }
0x77: {  	s7 =	simm.s32 @!p0 $0x480;
	s8 =	simm.s32 @!p0 $0x6000  }
0x78: {  	[tilespmem:s8], [sflag:$0x1] =	stream.indirect.gather @!p0 [spmem:s4], $0x20, s7, s9, $0xb8;
	[tilespmem:$0x18800] =	vst v63  }
0x79: {  	s7 =	simm.s32 @!p0 $0x500;
	s8 =	simm.s32 @!p0 $0x7000  }
0x7a: {  	[tilespmem:s8], [sflag:$0x1] =	stream.indirect.gather @!p0 [spmem:s4], $0x20, s7, s9, $0xb8;
	[tilespmem:$0x18800] =	vst v63  }
0x7b: {  	s7 =	simm.s32 @!p0 $0x580;
	s8 =	simm.s32 @!p0 $0x8000  }
0x7c: {  	[tilespmem:s8], [sflag:$0x1] =	stream.indirect.gather @!p0 [spmem:s4], $0x20, s7, s9, $0xb8;
	[tilespmem:$0x18800] =	vst v63  }
0x7d: {  	_ =	swait.ge [sflag:s25], $0x1000  }
0x7e: {  	[sflag:s25] =	ssyncset.done $0x0  }
0x7f: {  	[sflag:s25] =	ssyncadd.s32 $0xFFFFF000  }
0x80: {  	_ =	swait.ge [sflag:s25], $0x1000  }
0x81: {  	[sflag:s25] =	ssyncset.done $0x0  }
0x82: {  	[sflag:s25] =	ssyncadd.s32 $0xFFFFF000  }
0x83: {  	_ =	swait.ge [sflag:s25], $0x1000  }
0x84: {  	[sflag:s25] =	ssyncset.done $0x0  }
0x85: {  	[sflag:s25] =	ssyncadd.s32 $0xFFFFF000  }
0x86: {  	_ =	swait.ge [sflag:s25], $0x1000  }
0x87: {  	[sflag:s25] =	ssyncset.done $0x0  }
0x88: {  	s10 =	simm.s32 $0x2A00;
	[sflag:s25] =	ssyncadd.s32 $0xFFFFF000  }
0x89: {  	[spmem:s2] =	stream.indirect.scatter.add.f32 [tilespmem:s31], [sflag:$0x3], $0x20, s10, s20, $0xb8;
	[tilespmem:$0x18800] =	vst v63  }
0x8a: {  	_ = 	snop  }
0x8b: {  	[spmem:s5] =	stream.indirect.scatter.add.f32 [tilespmem:s19], [sflag:$0x3], $0x8, s10, s20, $0xb8;
	[tilespmem:$0x18800] =	vst v63  }
0x8c: {  	s11 =	simm.s32 $0x2A80  }
0x8d: {  	[spmem:s2] =	stream.indirect.scatter.add.f32 [tilespmem:s3], [sflag:$0x3], $0x20, s11, s20, $0xb8;
	[tilespmem:$0x18800] =	vst v63  }
0x8e: {  	_ = 	snop  }
0x8f: {  	[spmem:s5] =	stream.indirect.scatter.add.f32 [tilespmem:s19], [sflag:$0x3], $0x8, s11, s20, $0xb8;
	[tilespmem:$0x18800] =	vst v63  }
0x90: {  	s12 =	simm.s32 $0x2B00  }
0x91: {  	[spmem:s2] =	stream.indirect.scatter.add.f32 [tilespmem:s0], [sflag:$0x3], $0x20, s12, s20, $0xb8;
	[tilespmem:$0x18800] =	vst v63  }
0x92: {  	_ = 	snop  }
0x93: {  	[spmem:s5] =	stream.indirect.scatter.add.f32 [tilespmem:s19], [sflag:$0x3], $0x8, s12, s20, $0xb8;
	[tilespmem:$0x18800] =	vst v63  }
0x94: {  	s17 =	simm.s32 $0x2B80  }
0x95: {  	[spmem:s2] =	stream.indirect.scatter.add.f32 [tilespmem:s1], [sflag:$0x3], $0x20, s17, s20, $0xb8;
	[tilespmem:$0x18800] =	vst v63  }
0x96: {  	_ = 	snop  }
0x97: {  	[spmem:s5] =	stream.indirect.scatter.add.f32 [tilespmem:s19], [sflag:$0x3], $0x8, s17, s20, $0xb8;
	[tilespmem:$0x18800] =	vst v63  }
0x98: {  	_ =	swait.ge [sflag:s14], $0x1000  }
0x99: {  	[sflag:s14] =	ssyncset.done $0x0  }
0x9a: {  	[sflag:s14] =	ssyncadd.s32 $0xFFFFF000  }
0x9b: {  	_ =	swait.ge [sflag:s14], $0x400  }
0x9c: {  	[sflag:s14] =	ssyncset.done $0x0  }
0x9d: {  	[sflag:s14] =	ssyncadd.s32 $0xFFFFFC00  }
0x9e: {  	_ =	swait.ge [sflag:s14], $0x1000  }
0x9f: {  	[sflag:s14] =	ssyncset.done $0x0  }
0xa0: {  	[sflag:s14] =	ssyncadd.s32 $0xFFFFF000  }
0xa1: {  	_ =	swait.ge [sflag:s14], $0x400  }
0xa2: {  	[sflag:s14] =	ssyncset.done $0x0  }
0xa3: {  	[sflag:s14] =	ssyncadd.s32 $0xFFFFFC00  }
0xa4: {  	_ =	swait.ge [sflag:s14], $0x1000  }
0xa5: {  	[sflag:s14] =	ssyncset.done $0x0  }
0xa6: {  	[sflag:s14] =	ssyncadd.s32 $0xFFFFF000  }
0xa7: {  	_ =	swait.ge [sflag:s14], $0x400  }
0xa8: {  	[sflag:s14] =	ssyncset.done $0x0  }
0xa9: {  	[sflag:s14] =	ssyncadd.s32 $0xFFFFFC00  }
0xaa: {  	_ =	swait.ge [sflag:s14], $0x1000  }
0xab: {  	[sflag:s14] =	ssyncset.done $0x0  }
0xac: {  	[sflag:s14] =	ssyncadd.s32 $0xFFFFF000  }
0xad: {  	_ =	swait.ge [sflag:s14], $0x400  }
0xae: {  	s7 =	simm.s32 $0x1000;
	[sflag:s14] =	ssyncset.done $0x0  }
.LBB2_2:
0xaf: {  	[sflag:s14] =	ssyncadd.s32 $0xFFFFFC00;
	s9 =	smov.u32 s7;
	s7 =	sadd.s32 $0x1000, s7  }
0xb0: {  	_ =	swait.ge [sflag:s30], $0x1000;
	p0 =	sne.s32 s7, $0xA000  }
0xb1: {  	[sflag:s30] =	ssyncset.done $0x0  }
0xb2: {  	[sflag:s30] =	ssyncadd.s32 $0xFFFFF000  }
0xb3: {  	_ =	swait.ge [sflag:s30], $0x1000  }
0xb4: {  	[sflag:s30] =	ssyncset.done $0x0  }
0xb5: {  	[sflag:s30] =	ssyncadd.s32 $0xFFFFF000  }
0xb6: {  	_ =	swait.ge [sflag:s30], $0x1000  }
0xb7: {  	[sflag:s30] =	ssyncset.done $0x0  }
0xb8: {  	[sflag:s30] =	ssyncadd.s32 $0xFFFFF000  }
0xb9: {  	_ =	swait.ge [sflag:s30], $0x1000  }
0xba: {  	s8 =	sshra.s32 s9, $0x2;
	[sflag:s30] =	ssyncset.done $0x0  }
0xbb: {  	s10 =	sadd.s32 $0x200, s8;
	[sflag:s30] =	ssyncadd.s32 $0xFFFFF000  }
0xbc: {  	[tilespmem:s31], [sflag:$0x2] =	stream.indirect.gather [spmem:s4], $0x20, s10, s20, $0xb8;
	[tilespmem:$0x18800] =	vst v63  }
0xbd: {  	s10 =	sadd.s32 $0x280, s8  }
0xbe: {  	[tilespmem:s3], [sflag:$0x2] =	stream.indirect.gather [spmem:s4], $0x20, s10, s20, $0xb8;
	[tilespmem:$0x18800] =	vst v63  }
0xbf: {  	s10 =	sadd.s32 $0x300, s8  }
0xc0: {  	[tilespmem:s0], [sflag:$0x2] =	stream.indirect.gather [spmem:s4], $0x20, s10, s20, $0xb8;
	[tilespmem:$0x18800] =	vst v63  }
0xc1: {  	s10 =	sadd.s32 $0x380, s8  }
0xc2: {  	[tilespmem:s1], [sflag:$0x2] =	stream.indirect.gather [spmem:s4], $0x20, s10, s20, $0xb8;
	[tilespmem:$0x18800] =	vst v63  }
0xc3: {  	s10 =	sadd.s32 $0x2800, s8  }
0xc4: {  	[spmem:s2] =	stream.indirect.scatter.add.f32 [tilespmem:s21], [sflag:$0x3], $0x20, s10, s20, $0xb8;
	[tilespmem:$0x18800] =	vst v63  }
0xc5: {  	_ = 	snop  }
0xc6: {  	[spmem:s5] =	stream.indirect.scatter.add.f32 [tilespmem:s19], [sflag:$0x3], $0x8, s10, s20, $0xb8;
	[tilespmem:$0x18800] =	vst v63  }
0xc7: {  	s10 =	sadd.s32 $0x2880, s8  }
0xc8: {  	[spmem:s2] =	stream.indirect.scatter.add.f32 [tilespmem:s23], [sflag:$0x3], $0x20, s10, s20, $0xb8;
	[tilespmem:$0x18800] =	vst v63  }
0xc9: {  	_ = 	snop  }
0xca: {  	[spmem:s5] =	stream.indirect.scatter.add.f32 [tilespmem:s19], [sflag:$0x3], $0x8, s10, s20, $0xb8;
	[tilespmem:$0x18800] =	vst v63  }
0xcb: {  	s10 =	sadd.s32 $0x2900, s8  }
0xcc: {  	[spmem:s2] =	stream.indirect.scatter.add.f32 [tilespmem:s26], [sflag:$0x3], $0x20, s10, s20, $0xb8;
	[tilespmem:$0x18800] =	vst v63  }
0xcd: {  	_ = 	snop  }
0xce: {  	[spmem:s5] =	stream.indirect.scatter.add.f32 [tilespmem:s19], [sflag:$0x3], $0x8, s10, s20, $0xb8;
	[tilespmem:$0x18800] =	vst v63  }
0xcf: {  	s10 =	sadd.s32 $0x2980, s8  }
0xd0: {  	[spmem:s2] =	stream.indirect.scatter.add.f32 [tilespmem:s29], [sflag:$0x3], $0x20, s10, s20, $0xb8;
	[tilespmem:$0x18800] =	vst v63  }
0xd1: {  	_ = 	snop  }
0xd2: {  	[spmem:s5] =	stream.indirect.scatter.add.f32 [tilespmem:s19], [sflag:$0x3], $0x8, s10, s20, $0xb8;
	[tilespmem:$0x18800] =	vst v63  }
0xd3: {  	_ =	swait.ge [sflag:s14], $0x1000  }
0xd4: {  	[sflag:s14] =	ssyncset.done $0x0  }
0xd5: {  	[sflag:s14] =	ssyncadd.s32 $0xFFFFF000  }
0xd6: {  	_ =	swait.ge [sflag:s14], $0x400  }
0xd7: {  	[sflag:s14] =	ssyncset.done $0x0  }
0xd8: {  	[sflag:s14] =	ssyncadd.s32 $0xFFFFFC00  }
0xd9: {  	_ =	swait.ge [sflag:s14], $0x1000  }
0xda: {  	[sflag:s14] =	ssyncset.done $0x0  }
0xdb: {  	[sflag:s14] =	ssyncadd.s32 $0xFFFFF000  }
0xdc: {  	_ =	swait.ge [sflag:s14], $0x400  }
0xdd: {  	[sflag:s14] =	ssyncset.done $0x0  }
0xde: {  	[sflag:s14] =	ssyncadd.s32 $0xFFFFFC00  }
0xdf: {  	_ =	swait.ge [sflag:s14], $0x1000  }
0xe0: {  	[sflag:s14] =	ssyncset.done $0x0  }
0xe1: {  	[sflag:s14] =	ssyncadd.s32 $0xFFFFF000  }
0xe2: {  	_ =	swait.ge [sflag:s14], $0x400  }
0xe3: {  	[sflag:s14] =	ssyncset.done $0x0  }
0xe4: {  	[sflag:s14] =	ssyncadd.s32 $0xFFFFFC00  }
0xe5: {  	_ =	swait.ge [sflag:s14], $0x1000  }
0xe6: {  	[sflag:s14] =	ssyncset.done $0x0  }
0xe7: {  	[sflag:s14] =	ssyncadd.s32 $0xFFFFF000  }
0xe8: {  	p1 =	seq.s32 s9, $0x9000;
	_ =	swait.ge [sflag:s14], $0x400  }
0xe9: {  	s9 =	sshra.s32 @!p1 s9, $0x2;
	s10 =	simm.s32 @!p1 $0x5000;
	[sflag:s14] =	ssyncset.done $0x0  }
0xea: {  	s12 =	simm.s32 @!p1 $0x80;
	s11 =	sadd.s32 @!p1 $0x400, s9;
	[sflag:s14] =	ssyncadd.s32 $0xFFFFFC00  }
0xeb: {  	[tilespmem:s10], [sflag:$0x1] =	stream.indirect.gather @!p1 [spmem:s4], $0x20, s11, s12, $0xb8;
	[tilespmem:$0x18800] =	vst v63  }
0xec: {  	s17 =	sadd.s32 @!p1 $0x500, s9;
	s10 =	sadd.s32 @!p1 $0x480, s9;
	s11 =	simm.s32 @!p1 $0x6000  }
0xed: {  	[tilespmem:s11], [sflag:$0x1] =	stream.indirect.gather @!p1 [spmem:s4], $0x20, s10, s12, $0xb8;
	[tilespmem:$0x18800] =	vst v63  }
0xee: {  	s9 =	sadd.s32 @!p1 $0x580, s9;
	s10 =	simm.s32 @!p1 $0x7000  }
0xef: {  	[tilespmem:s10], [sflag:$0x1] =	stream.indirect.gather @!p1 [spmem:s4], $0x20, s17, s12, $0xb8;
	[tilespmem:$0x18800] =	vst v63  }
0xf0: {  	s10 =	simm.s32 @!p1 $0x8000  }
0xf1: {  	[tilespmem:s10], [sflag:$0x1] =	stream.indirect.gather @!p1 [spmem:s4], $0x20, s9, s12, $0xb8;
	[tilespmem:$0x18800] =	vst v63  }
0xf2: {  	_ =	swait.ge [sflag:s25], $0x1000  }
0xf3: {  	[sflag:s25] =	ssyncset.done $0x0  }
0xf4: {  	[sflag:s25] =	ssyncadd.s32 $0xFFFFF000  }
0xf5: {  	_ =	swait.ge [sflag:s25], $0x1000  }
0xf6: {  	[sflag:s25] =	ssyncset.done $0x0  }
0xf7: {  	[sflag:s25] =	ssyncadd.s32 $0xFFFFF000  }
0xf8: {  	_ =	swait.ge [sflag:s25], $0x1000  }
0xf9: {  	[sflag:s25] =	ssyncset.done $0x0  }
0xfa: {  	[sflag:s25] =	ssyncadd.s32 $0xFFFFF000  }
0xfb: {  	_ =	swait.ge [sflag:s25], $0x1000  }
0xfc: {  	[sflag:s25] =	ssyncset.done $0x0  }
0xfd: {  	s9 =	sadd.s32 $0x2A00, s8;
	[sflag:s25] =	ssyncadd.s32 $0xFFFFF000  }
0xfe: {  	[spmem:s2] =	stream.indirect.scatter.add.f32 [tilespmem:s31], [sflag:$0x3], $0x20, s9, s20, $0xb8;
	[tilespmem:$0x18800] =	vst v63  }
0xff: {  	_ = 	snop  }
0x100: {  	[spmem:s5] =	stream.indirect.scatter.add.f32 [tilespmem:s19], [sflag:$0x3], $0x8, s9, s20, $0xb8;
	[tilespmem:$0x18800] =	vst v63  }
0x101: {  	s9 =	sadd.s32 $0x2A80, s8  }
0x102: {  	[spmem:s2] =	stream.indirect.scatter.add.f32 [tilespmem:s3], [sflag:$0x3], $0x20, s9, s20, $0xb8;
	[tilespmem:$0x18800] =	vst v63  }
0x103: {  	_ = 	snop  }
0x104: {  	[spmem:s5] =	stream.indirect.scatter.add.f32 [tilespmem:s19], [sflag:$0x3], $0x8, s9, s20, $0xb8;
	[tilespmem:$0x18800] =	vst v63  }
0x105: {  	s9 =	sadd.s32 $0x2B00, s8  }
0x106: {  	[spmem:s2] =	stream.indirect.scatter.add.f32 [tilespmem:s0], [sflag:$0x3], $0x20, s9, s20, $0xb8;
	[tilespmem:$0x18800] =	vst v63  }
0x107: {  	_ = 	snop  }
0x108: {  	[spmem:s5] =	stream.indirect.scatter.add.f32 [tilespmem:s19], [sflag:$0x3], $0x8, s9, s20, $0xb8;
	[tilespmem:$0x18800] =	vst v63  }
0x109: {  	s8 =	sadd.s32 $0x2B80, s8  }
0x10a: {  	[spmem:s2] =	stream.indirect.scatter.add.f32 [tilespmem:s1], [sflag:$0x3], $0x20, s8, s20, $0xb8;
	[tilespmem:$0x18800] =	vst v63  }
0x10b: {  	_ = 	snop  }
0x10c: {  	[spmem:s5] =	stream.indirect.scatter.add.f32 [tilespmem:s19], [sflag:$0x3], $0x8, s8, s20, $0xb8;
	[tilespmem:$0x18800] =	vst v63  }
0x10d: {  	_ =	swait.ge [sflag:s14], $0x1000  }
0x10e: {  	[sflag:s14] =	ssyncset.done $0x0  }
0x10f: {  	[sflag:s14] =	ssyncadd.s32 $0xFFFFF000  }
0x110: {  	_ =	swait.ge [sflag:s14], $0x400  }
0x111: {  	[sflag:s14] =	ssyncset.done $0x0  }
0x112: {  	[sflag:s14] =	ssyncadd.s32 $0xFFFFFC00  }
0x113: {  	_ =	swait.ge [sflag:s14], $0x1000  }
0x114: {  	[sflag:s14] =	ssyncset.done $0x0  }
0x115: {  	[sflag:s14] =	ssyncadd.s32 $0xFFFFF000  }
0x116: {  	_ =	swait.ge [sflag:s14], $0x400  }
0x117: {  	[sflag:s14] =	ssyncset.done $0x0  }
0x118: {  	[sflag:s14] =	ssyncadd.s32 $0xFFFFFC00  }
0x119: {  	_ =	swait.ge [sflag:s14], $0x1000  }
0x11a: {  	[sflag:s14] =	ssyncset.done $0x0  }
0x11b: {  	[sflag:s14] =	ssyncadd.s32 $0xFFFFF000  }
0x11c: {  	_ =	swait.ge [sflag:s14], $0x400  }
0x11d: {  	[sflag:s14] =	ssyncset.done $0x0  }
0x11e: {  	[sflag:s14] =	ssyncadd.s32 $0xFFFFFC00  }
.Ltmp0:
0x11f: {  	_ =	swait.ge [sflag:s14], $0x1000;
	(pc) =	sbr.rel @p0 .LBB2_2-.Ltmp0, $4  }
0x120: {  	[sflag:s14] =	ssyncset.done $0x0  }
0x121: {  	[sflag:s14] =	ssyncadd.s32 $0xFFFFF000  }
0x122: {  	_ =	swait.ge [sflag:s14], $0x400  }
0x123: {  	[sflag:s14] =	ssyncset.done $0x0  }
0x124: {  	[sflag:s14] =	ssyncadd.s32 $0xFFFFFC00  }
0x125: {  	[bflag:$0x0] =	sbarrier.arrive $0xFFFF  }
0x126: {  	[hbm:s22], [sflag:s15] =	dma.local [spmem:s16], $0xA00  }
0x127: {  	_ =	swait.ge [sflag:s13], $0xA00  }
0x128: {  	[sflag:s13] =	ssyncset.done $0x0  }
0x129: {  	[sflag:s13] =	ssyncadd.s32 $0xFFFFF600  }
0x12a: {  	[hbm:s24], [sflag:s15] =	dma.local [spmem:s18], $0x280  }
0x12b: {  	_ =	swait.ge [sflag:s13], $0x280  }
0x12c: {  	s28 =	sadd.s32 $0x1, s28;
	s7 =	rddreg [dreg:$0xb]  }
0x12d: {  	p0 =	sne.s32 s28, s7  }
.Ltmp1:
0x12e: {  	_ = 	snop;
	(pc) =	sbr.rel @p0 .LBB2_1-.Ltmp1, $3  }
0x12f: {  	_ =	sdelay $0x1  }
0x130: {  	[sflag:s13] =	ssyncset.done $0x0  }
0x131: {  	[sflag:s13] =	ssyncadd.s32 $0xFFFFFD80  }
0x132: {  	_ =	sfence.sel $0x180000  }
0x133: {  	[bflag:$0x0] =	sbarrier.arrive $0xFFFF  }
0x134: {  	_ =	strace $0x90000047  }
0x135: {  	s0 =	stileid.u32;
	[bflag:$0x2] =	sbarrier.arrive $0xFFFF  }
0x136: {  	p0 =	sne.s32 s0, $0x0;
	s0 =	rddreg [dreg:$0x5]  }
0x137: {  	s0 =	sadd.s32 @!p0 $0x100000, s0  }
0x138: {  	[sflag:s0] =	ssyncadd.tile.s32 @!p0 $0x1;
	_ =	shalt  }
.Lfunc_end2:
_tile_overlayer_lowered:
.L_overlay_start_2:
0x139: {  	(tag) =	ssettag $0x2  }
0x13a: {  	s0 =	rddreg [dreg:$0x0];
	s2 =	stileid.u32  }
0x13b: {  	s1 =	rddreg [dreg:$0x1];
	p0 =	sne.s32 s2, $0x0  }
0x13c: {  	s3 =	rddreg [dreg:$0x2];
	[bflag:$0x3] =	sbarrier.arrive $0xFFFF;
	s2 =	simm.s32 @!p0 $0x1C04  }
0x13d: {  	[timem:s3], [sflag:s2] =	dma.local @!p0 [hbm:s0], s1  }
0x13e: {  	s0 =	simm.s32 @!p0 $0x4  }
0x13f: {  	_ =	swait.ge @!p0 [sflag:s0], s1  }
0x140: {  	s1 =	ssub.s32 @!p0 $0x0, s1;
	[sflag:s0] =	ssyncset.done @!p0 $0x0  }
0x141: {  	[sflag:s0] =	ssyncadd.s32 @!p0 s1  }
0x142: {  	[bflag:$0x3] =	sbarrier.arrive $0xFFFF  }
0x143: {  	_ =	shalt  }

</sc_bundles>
